<compile_context>
chip_gen: v7x
topology: tpu7x:2x2x1
jax: 0.10.2.dev20260603
libtpu: 0.0.44.dev20260713+nightly
codegen_flags: <defaults>
</compile_context>

<pallas_src>
import functools

import jax
import jax.numpy as jnp
from jax import lax
from jax.experimental import pallas as pl
from jax.experimental.pallas import tpu as pltpu
from jax.experimental.pallas import tpu_sc as plsc

_B, _N, _K, _D = 2, 2048, 30, 32
_DE = 95
_H = 4 * _D
_TW = 128
_BN = 128
_NS = 2
_EB = _B * _K * _BN
_NBL = _B * _BN
_CH = 256


def _pick_chunk(per_w):
    for ch in range(min(per_w, 256), 7, -8):
        if per_w % ch == 0:
            return ch
    return per_w


def _sc_gather(table, idx):
    E = idx.shape[0]
    info = plsc.get_sparse_core_info()
    nw = info.num_cores * info.num_subcores
    per_w = E // nw
    _CH = _pick_chunk(per_w)
    n_ch = per_w // _CH
    mesh = plsc.VectorSubcoreMesh(core_axis_name="c", subcore_axis_name="s")

    @functools.partial(
        pl.kernel,
        mesh=mesh,
        out_type=jax.ShapeDtypeStruct((E, _TW), jnp.float32),
        scratch_types=[
            pltpu.VMEM((_CH,), jnp.int32),
            pltpu.VMEM((_CH,), jnp.int32),
            pltpu.VMEM((_CH, _TW), jnp.float32),
            pltpu.VMEM((_CH, _TW), jnp.float32),
            pltpu.SemaphoreType.DMA,
            pltpu.SemaphoreType.DMA,
            pltpu.SemaphoreType.DMA,
        ],
    )
    def gk(tab_hbm, idx_hbm, out_hbm, idx0, idx1, rows0, rows1,
           gsem, osem0, osem1):
        wid = lax.axis_index("s") * info.num_cores + lax.axis_index("c")
        base0 = wid * per_w
        idxs, rows, osems = (idx0, idx1), (rows0, rows1), (osem0, osem1)
        out_pending = [None, None]
        pltpu.sync_copy(idx_hbm.at[pl.ds(base0, _CH)], idx0)
        hg = pltpu.async_copy(tab_hbm.at[idx0], rows0, gsem)
        for c in range(1, n_ch + 1):
            p, q = c % 2, (c - 1) % 2
            if c < n_ch:
                pltpu.sync_copy(idx_hbm.at[pl.ds(base0 + c * _CH, _CH)],
                                idxs[p])
            hg.wait()
            out_pending[q] = pltpu.async_copy(
                rows[q], out_hbm.at[pl.ds(base0 + (c - 1) * _CH, _CH)],
                osems[q])
            if c < n_ch:
                if out_pending[p] is not None:
                    out_pending[p].wait()
                    out_pending[p] = None
                hg = pltpu.async_copy(tab_hbm.at[idxs[p]], rows[p], gsem)
        for h in out_pending:
            if h is not None:
                h.wait()

    return gk(table, idx)


def _gelu(x):
    return x * 0.5 * (1.0 + lax.erf(x * 0.7071067811865476))


def _tc_body(tab_ref, gat_ref, edg_ref,
             we1f_ref, we1j_ref, we1fe_ref, we1e_ref, be1_ref,
             we2_ref, be2_ref,
             wc1_ref, bc1_ref, wc2_ref, bc2_ref,
             wn1a_ref, wn1b_ref, bn1_ref, wn2_ref, bn2_ref,
             lng_ref, lnb_ref, cs_ref,
             node_ref, space_ref):
    f32 = jnp.float32
    tab = tab_ref[...]
    feats = tab[:, :, 0:_D].reshape(_NBL, _D)
    space = tab[:, :, _D:_D + 3]
    gat = gat_ref[...].reshape(_EB, _TW)
    space_j = gat[:, _D:_D + 3]

    h_i = jnp.dot(feats, we1f_ref[...], preferred_element_type=f32)
    h = jnp.broadcast_to(h_i.reshape(_B, 1, _BN, _H),
                         (_B, _K, _BN, _H)).reshape(_EB, _H)
    h = h + jnp.dot(gat, we1j_ref[...], preferred_element_type=f32)
    he = []
    for b in range(_B):
        edg_b = edg_ref[:, :, b, :]
        for k in range(_K):
            he.append(lax.dot_general(
                edg_b[k], we1e_ref[...],
                (((0,), (0,)), ((), ())), preferred_element_type=f32))
    h = h + jnp.concatenate(he, axis=0)

    vec = space_j - jnp.broadcast_to(space[:, None], (_B, _K, _BN, 3)).reshape(_EB, 3)
    vec_t = jnp.transpose(vec)
    eu_t = jnp.sum(vec_t * vec_t, axis=0, keepdims=True)
    th = eu_t * 0.125
    s3 = jnp.sin(th)
    c3 = jnp.cos(th)
    s2 = 2.0 * s3 * c3
    c2 = 1.0 - 2.0 * s3 * s3
    s1 = 2.0 * s2 * c2
    c1 = 1.0 - 2.0 * s2 * s2
    s0 = 2.0 * s1 * c1
    c0 = 1.0 - 2.0 * s1 * s1
    ft = jnp.concatenate([s0, s1, s2, s3, c0, c1, c2, c3, eu_t], axis=0)
    fe = jnp.transpose(ft)
    h = h + jnp.dot(fe, we1fe_ref[...], preferred_element_type=f32)
    h = _gelu(h + be1_ref[...])

    m_ext = jnp.dot(h, we2_ref[...], preferred_element_type=f32) + be2_ref[...]
    g = jax.nn.sigmoid(m_ext[:, _D:_D + 1])
    m = m_ext[:, 0:_D] * g

    hc = _gelu(jnp.dot(m, wc1_ref[...], preferred_element_type=f32) + bc1_ref[...])
    vw_t = lax.dot_general(wc2_ref[...], hc, (((1,), (1,)), ((), ())),
                           preferred_element_type=f32) + bc2_ref[0, 0]
    rn_t = vw_t * cs_ref[0, 0] / jnp.maximum(jnp.sqrt(eu_t), 1e-8)
    contrib = jnp.transpose(vec_t * rn_t)
    space_ref[...] = (jnp.sum(contrib.reshape(_B, _K, _BN, 3), axis=1)
                      + space)

    m_i = jnp.sum(m.reshape(_B, _K, _BN, _D), axis=1).reshape(_NBL, _D)
    mu = jnp.mean(feats, axis=-1, keepdims=True)
    var = jnp.mean((feats - mu) ** 2, axis=-1, keepdims=True)
    normed = (feats - mu) / jnp.sqrt(var + 1e-5) * lng_ref[...] + lnb_ref[...]
    hn = _gelu(jnp.dot(normed, wn1a_ref[...], preferred_element_type=f32)
               + jnp.dot(m_i, wn1b_ref[...], preferred_element_type=f32)
               + bn1_ref[...])
    node = (jnp.dot(hn, wn2_ref[...], preferred_element_type=f32)
            + bn2_ref[...] + feats)
    node_ref[...] = node.reshape(_B, _BN, _D)


def kernel(feats, space, edges, E_idx, W_e1, b_e1, W_e2, b_e2, W_g, b_g,
           W_c1, b_c1, W_c2, b_c2, W_n1, b_n1, W_n2, b_n2, ln_g, ln_b,
           coors_scale):
    f32 = jnp.float32
    feats = feats.astype(f32)
    space = space.astype(f32)
    table = jnp.concatenate(
        [feats, space, jnp.zeros((_B, _N, _TW - _D - 3), f32)], axis=-1)
    table_flat = table.reshape(_B * _N, _TW)
    idx = (jnp.transpose(E_idx.astype(jnp.int32), (0, 2, 1))
           + (jnp.arange(_B, dtype=jnp.int32) * _N)[:, None, None])
    edges_t = jnp.transpose(edges.astype(f32), (2, 3, 0, 1))

    W_e1 = W_e1.astype(f32)
    we1f = W_e1[0:_D]
    we1j = jnp.concatenate(
        [W_e1[_D:2 * _D], jnp.zeros((_TW - _D, _H), f32)], axis=0)
    we1fe = W_e1[2 * _D:2 * _D + 9]
    we1e = W_e1[2 * _D + 9:]
    row = lambda v: v.astype(f32).reshape(1, -1)
    wn1a = W_n1.astype(f32)[0:_D]
    wn1b = W_n1.astype(f32)[_D:]

    full = lambda a: pl.BlockSpec(a.shape, lambda i: (0,) * a.ndim)

    W_e2 = W_e2.astype(f32)
    W_g = W_g.astype(f32)
    we2x = jnp.concatenate([W_e2, W_e2 @ W_g], axis=1)
    be2x = jnp.concatenate(
        [b_e2.astype(f32), b_e2.astype(f32) @ W_g + b_g.astype(f32)]
    ).reshape(1, _D + 1)

    weights = [we1f, we1j, we1fe, we1e, row(b_e1),
               we2x, be2x,
               W_c1.astype(f32), row(b_c1), row(W_c2), row(b_c2).reshape(1, 1),
               wn1a, wn1b, row(b_n1), W_n2.astype(f32), row(b_n2),
               row(ln_g), row(ln_b), row(coors_scale).reshape(1, 1)]

    nh = _N // _NS
    nodes, spaces = [], []
    for s in range(_NS):
        idx_s = idx[:, :, s * nh:(s + 1) * nh].reshape(_B * _K * nh)
        gat_s = _sc_gather(table_flat, idx_s).reshape(_B, _K, nh, _TW)
        off = s * (nh // _BN)
        node_s, space_s = pl.pallas_call(
            _tc_body,
            grid=(nh // _BN,),
            in_specs=[
                pl.BlockSpec((_B, _BN, _TW), lambda i, o=off: (0, i + o, 0)),
                pl.BlockSpec((_B, _K, _BN, _TW), lambda i: (0, 0, i, 0)),
                pl.BlockSpec((_K, _DE, _B, _BN), lambda i, o=off: (0, 0, 0, i + o)),
            ] + [full(w) for w in weights],
            out_specs=[
                pl.BlockSpec((_B, _BN, _D), lambda i: (0, i, 0)),
                pl.BlockSpec((_B, _BN, 3), lambda i: (0, i, 0)),
            ],
            out_shape=[
                jax.ShapeDtypeStruct((_B, nh, _D), f32),
                jax.ShapeDtypeStruct((_B, nh, 3), f32),
            ],
            compiler_params=pltpu.CompilerParams(
                dimension_semantics=("parallel",)),
        )(table, gat_s, edges_t, *weights)
        nodes.append(node_s)
        spaces.append(space_s)

    return (jnp.concatenate(nodes, axis=1), jnp.concatenate(spaces, axis=1))

# --- scband reference (transcript-rebuilt; emitter-appended) ---
"""Pipeline reference for scband-egnn-58136677319440 (READ-ONLY COPY).

The authoritative reference and input builder live on the scoring server;
editing this copy changes nothing except your own understanding.
"""

import jax, jax.numpy as jnp
import numpy as np

B, N, K, D = 2, 2048, 30, 32
D_EDGE = 95
H = 4 * D
IN_DIM = 2 * D + 9 + D_EDGE  # 168, matches flag=True


def setup_inputs(seed: int = 0) -> dict:
    key = jax.random.key(seed)
    ks = jax.random.split(key, 16)
    std = 0.001
    inp = {}
    inp['feats'] = jax.random.normal(ks[0], (B, N, D), dtype=jnp.float32)
    inp['space'] = jax.random.normal(ks[1], (B, N, 3), dtype=jnp.float32)
    inp['edges'] = jax.random.normal(ks[2], (B, N, K, D_EDGE), dtype=jnp.float32)
    inp['E_idx'] = jax.random.randint(ks[3], (B, N, K), 0, N)
    inp['W_e1'] = jax.random.normal(ks[4], (IN_DIM, H), dtype=jnp.float32) * std
    inp['b_e1'] = jnp.zeros((H,), jnp.float32)
    inp['W_e2'] = jax.random.normal(ks[5], (H, D), dtype=jnp.float32) * std
    inp['b_e2'] = jnp.zeros((D,), jnp.float32)
    inp['W_g'] = jax.random.normal(ks[6], (D, 1), dtype=jnp.float32) * std
    inp['b_g'] = jnp.zeros((1,), jnp.float32)
    inp['W_c1'] = jax.random.normal(ks[7], (D, H), dtype=jnp.float32) * std
    inp['b_c1'] = jnp.zeros((H,), jnp.float32)
    inp['W_c2'] = jax.random.normal(ks[8], (H, 1), dtype=jnp.float32) * std
    inp['b_c2'] = jnp.zeros((1,), jnp.float32)
    inp['W_n1'] = jax.random.normal(ks[9], (2 * D, H), dtype=jnp.float32) * std
    inp['b_n1'] = jnp.zeros((H,), jnp.float32)
    inp['W_n2'] = jax.random.normal(ks[10], (H, D), dtype=jnp.float32) * std
    inp['b_n2'] = jnp.zeros((D,), jnp.float32)
    inp['ln_g'] = jnp.ones((D,), jnp.float32)
    inp['ln_b'] = jnp.zeros((D,), jnp.float32)
    inp['coors_scale'] = jnp.full((1,), 0.01, jnp.float32)
    return inp


def _forward(feats, space, edges, E_idx, W_e1, b_e1, W_e2, b_e2, W_g, b_g,
             W_c1, b_c1, W_c2, b_c2, W_n1, b_n1, W_n2, b_n2, ln_g, ln_b, coors_scale):
    gelu = lambda t: jax.nn.gelu(t, approximate=False)
    # gather_nodes: feats_j[b,i,k,:] = feats[b, E_idx[b,i,k], :]
    feats_j = jax.vmap(lambda nodes, idx: nodes[idx])(feats, E_idx)
    feats_i = jnp.broadcast_to(feats[:, :, None, :], feats_j.shape)
    # pairwise displacement: vector[b,i,j] = space[b,j] - space[b,i]
    vector = space[:, None, :, :] - space[:, :, None, :]
    euclidean = jnp.sum(vector ** 2, axis=-1, keepdims=True)
    # gather_edges along j axis
    vector_nbr = jnp.take_along_axis(vector, E_idx[..., None], axis=2)
    euclidean_nbr = jnp.take_along_axis(euclidean, E_idx[..., None], axis=2)
    # fourier_encode_euclidean, num_encodings=4, include_self=True
    x = euclidean_nbr[..., None]
    scales = (2.0 ** jnp.arange(4)).astype(x.dtype)
    xs = x / scales
    fe = jnp.concatenate([jnp.sin(xs), jnp.cos(xs), x], axis=-1)
    euclidean_fnbr = jnp.squeeze(fe, axis=3)
    edge_input = jnp.concatenate([feats_i, feats_j, euclidean_fnbr, edges], axis=-1)
    # edge_mlp (dropout=0.0 -> identity)
    m_ij = gelu(edge_input @ W_e1 + b_e1) @ W_e2 + b_e2
    m_ij = m_ij * jax.nn.sigmoid(m_ij @ W_g + b_g)
    # coors_mlp
    vector_weights = jnp.squeeze(gelu(m_ij @ W_c1 + b_c1) @ W_c2 + b_c2, axis=-1)
    # CoorsNorm
    nrm = jnp.linalg.norm(vector_nbr, axis=-1, keepdims=True)
    vn = vector_nbr / jnp.maximum(nrm, 1e-8) * coors_scale
    space_out = jnp.einsum('bij,bijc->bic', vector_weights, vn) + space
    # m_pool_method == 'sum'
    m_i = jnp.sum(m_ij, axis=-2)
    # node_norm (LayerNorm eps=1e-5)
    mu = jnp.mean(feats, axis=-1, keepdims=True)
    var = jnp.var(feats, axis=-1, keepdims=True)
    normed = (feats - mu) / jnp.sqrt(var + 1e-5) * ln_g + ln_b
    node_in = jnp.concatenate([normed, m_i], axis=-1)
    node_out = gelu(node_in @ W_n1 + b_n1) @ W_n2 + b_n2 + feats
    return node_out, space_out


def reference(feats, space, edges, E_idx, W_e1, b_e1, W_e2, b_e2, W_g, b_g,
              W_c1, b_c1, W_c2, b_c2, W_n1, b_n1, W_n2, b_n2, ln_g, ln_b, coors_scale):
    return _forward(feats, space, edges, E_idx, W_e1, b_e1, W_e2, b_e2, W_g, b_g,
                    W_c1, b_c1, W_c2, b_c2, W_n1, b_n1, W_n2, b_n2, ln_g, ln_b, coors_scale)

if __name__ == "__main__":
    import jax
    _d = setup_inputs()
    print(jax.jit(kernel)(*tuple(_d.values())))

</pallas_src>

<mosaic_0001>
#map = affine_map<(d0, d1) -> (0, 0)>
#map1 = affine_map<(d0, d1) -> (0)>
module attributes {stable_mosaic.version = 14 : i64} {
  func.func @gk(%arg0: i32, %arg1: i32, %arg2: memref<4096x128xf32, #tpu.memory_space<hbm>>, %arg3: memref<61440xi32, #tpu.memory_space<hbm>>, %arg4: memref<61440x128xf32, #tpu.memory_space<hbm>>, %arg5: memref<240xi32, #tpu.memory_space<vmem>>, %arg6: memref<240xi32, #tpu.memory_space<vmem>>, %arg7: memref<240x128xf32, #tpu.memory_space<vmem>>, %arg8: memref<240x128xf32, #tpu.memory_space<vmem>>, %arg9: memref<!tpu.dma_semaphore, #tpu.memory_space<semaphore_mem>>, %arg10: memref<!tpu.dma_semaphore, #tpu.memory_space<semaphore_mem>>, %arg11: memref<!tpu.dma_semaphore, #tpu.memory_space<semaphore_mem>>) attributes {dimension_semantics = [#tpu.dimension_semantics<core_parallel>, #tpu.dimension_semantics<subcore_parallel>], iteration_bounds = array<i64: 2, 16>, scalar_prefetch = 0 : i64, scratch_operands = 7 : i64, tpu.core_type = #tpu.core_type<sc_vector_subcore>, window_params = [{transform_indices = #map}, {transform_indices = #map1}, {transform_indices = #map}]} {
    %mul3A = arith.constant 2 : i32
    %mul3A_0 = arith.muli %arg1, %mul3A : i32
    %add3A = arith.addi %mul3A_0, %arg0 : i32
    %mul3A_1 = arith.constant 1920 : i32
    %mul3A_2 = arith.muli %add3A, %mul3A_1 : i32
    "tpu.region"() ({
      %run_scoped3A = tpu.sem_alloc : memref<!tpu.dma_semaphore, #tpu.memory_space<semaphore_mem>>
      %dma_start3A_143 = tpu.memref_slice %arg3[%mul3A_2] : memref<61440xi32, #tpu.memory_space<hbm>> -> memref<240xi32, #tpu.memory_space<hbm>>
      %dma_start3A_144 = tpu.memref_slice %arg3[%mul3A_2] : memref<61440xi32, #tpu.memory_space<hbm>> -> memref<240xi32, #tpu.memory_space<hbm>>
      tpu.enqueue_dma source(%dma_start3A_144 : memref<240xi32, #tpu.memory_space<hbm>>) target(%arg5 : memref<240xi32, #tpu.memory_space<vmem>>) target_semaphore(%run_scoped3A : memref<!tpu.dma_semaphore, #tpu.memory_space<semaphore_mem>>)
      %dma_wait3A_145 = tpu.memref_slice %arg3[%mul3A_2] : memref<61440xi32, #tpu.memory_space<hbm>> -> memref<240xi32, #tpu.memory_space<hbm>>
      %dma_wait3A_146 = tpu.memref_slice %arg3[%mul3A_2] : memref<61440xi32, #tpu.memory_space<hbm>> -> memref<240xi32, #tpu.memory_space<hbm>>
      tpu.wait_dma2 semaphore(%run_scoped3A : memref<!tpu.dma_semaphore, #tpu.memory_space<semaphore_mem>>) src(%dma_wait3A_146 : memref<240xi32, #tpu.memory_space<hbm>>) dst(%arg5 : memref<240xi32, #tpu.memory_space<vmem>>)
      tpu.yield
    }) : () -> ()
    %dma_start3A = arith.constant 0 : i32
    %dma_start3A_3 = arith.constant 0 : i32
    %dma_start3A_4 = tpu.memref_slice %arg2[%dma_start3A, %dma_start3A_3] : memref<4096x128xf32, #tpu.memory_space<hbm>> -> memref<4096x128xf32, #tpu.memory_space<hbm>>
    tpu.enqueue_indirect_dma source(%dma_start3A_4 : memref<4096x128xf32, #tpu.memory_space<hbm>>) target(%arg7 : memref<240x128xf32, #tpu.memory_space<vmem>>) offsets(%arg5 : memref<240xi32, #tpu.memory_space<vmem>>) semaphore(%arg9 : memref<!tpu.dma_semaphore, #tpu.memory_space<semaphore_mem>>)
    %add3A_5 = arith.constant 240 : i32
    %add3A_6 = arith.addi %mul3A_2, %add3A_5 : i32
    "tpu.region"() ({
      %run_scoped3A = tpu.sem_alloc : memref<!tpu.dma_semaphore, #tpu.memory_space<semaphore_mem>>
      %dma_start3A_143 = tpu.memref_slice %arg3[%add3A_6] : memref<61440xi32, #tpu.memory_space<hbm>> -> memref<240xi32, #tpu.memory_space<hbm>>
      %dma_start3A_144 = tpu.memref_slice %arg3[%add3A_6] : memref<61440xi32, #tpu.memory_space<hbm>> -> memref<240xi32, #tpu.memory_space<hbm>>
      tpu.enqueue_dma source(%dma_start3A_144 : memref<240xi32, #tpu.memory_space<hbm>>) target(%arg6 : memref<240xi32, #tpu.memory_space<vmem>>) target_semaphore(%run_scoped3A : memref<!tpu.dma_semaphore, #tpu.memory_space<semaphore_mem>>)
      %dma_wait3A_145 = tpu.memref_slice %arg3[%add3A_6] : memref<61440xi32, #tpu.memory_space<hbm>> -> memref<240xi32, #tpu.memory_space<hbm>>
      %dma_wait3A_146 = tpu.memref_slice %arg3[%add3A_6] : memref<61440xi32, #tpu.memory_space<hbm>> -> memref<240xi32, #tpu.memory_space<hbm>>
      tpu.wait_dma2 semaphore(%run_scoped3A : memref<!tpu.dma_semaphore, #tpu.memory_space<semaphore_mem>>) src(%dma_wait3A_146 : memref<240xi32, #tpu.memory_space<hbm>>) dst(%arg6 : memref<240xi32, #tpu.memory_space<vmem>>)
      tpu.yield
    }) : () -> ()
    %dma_wait3A = arith.constant 0 : i32
    %dma_wait3A_7 = arith.constant 0 : i32
    %dma_wait3A_8 = tpu.memref_slice %arg2[%dma_wait3A, %dma_wait3A_7] : memref<4096x128xf32, #tpu.memory_space<hbm>> -> memref<4096x128xf32, #tpu.memory_space<hbm>>
    tpu.wait_indirect_dma semaphore(%arg9 : memref<!tpu.dma_semaphore, #tpu.memory_space<semaphore_mem>>) src(%dma_wait3A_8 : memref<4096x128xf32, #tpu.memory_space<hbm>>) dst(%arg7 : memref<240x128xf32, #tpu.memory_space<vmem>>)
    %add3A_9 = arith.constant 0 : i32
    %add3A_10 = arith.addi %mul3A_2, %add3A_9 : i32
    %dma_start3A_11 = arith.constant 0 : i32
    %dma_start3A_12 = tpu.memref_slice %arg4[%add3A_10, %dma_start3A_11] : memref<61440x128xf32, #tpu.memory_space<hbm>> -> memref<240x128xf32, #tpu.memory_space<hbm>>
    %dma_start3A_13 = arith.constant 0 : i32
    %dma_start3A_14 = tpu.memref_slice %arg4[%add3A_10, %dma_start3A_13] : memref<61440x128xf32, #tpu.memory_space<hbm>> -> memref<240x128xf32, #tpu.memory_space<hbm>>
    tpu.enqueue_dma source(%arg7 : memref<240x128xf32, #tpu.memory_space<vmem>>) target(%dma_start3A_14 : memref<240x128xf32, #tpu.memory_space<hbm>>) target_semaphore(%arg10 : memref<!tpu.dma_semaphore, #tpu.memory_space<semaphore_mem>>)
    %dma_start3A_15 = arith.constant 0 : i32
    %dma_start3A_16 = arith.constant 0 : i32
    %dma_start3A_17 = tpu.memref_slice %arg2[%dma_start3A_15, %dma_start3A_16] : memref<4096x128xf32, #tpu.memory_space<hbm>> -> memref<4096x128xf32, #tpu.memory_space<hbm>>
    tpu.enqueue_indirect_dma source(%dma_start3A_17 : memref<4096x128xf32, #tpu.memory_space<hbm>>) target(%arg8 : memref<240x128xf32, #tpu.memory_space<vmem>>) offsets(%arg6 : memref<240xi32, #tpu.memory_space<vmem>>) semaphore(%arg9 : memref<!tpu.dma_semaphore, #tpu.memory_space<semaphore_mem>>)
    %add3A_18 = arith.constant 480 : i32
    %add3A_19 = arith.addi %mul3A_2, %add3A_18 : i32
    "tpu.region"() ({
      %run_scoped3A = tpu.sem_alloc : memref<!tpu.dma_semaphore, #tpu.memory_space<semaphore_mem>>
      %dma_start3A_143 = tpu.memref_slice %arg3[%add3A_19] : memref<61440xi32, #tpu.memory_space<hbm>> -> memref<240xi32, #tpu.memory_space<hbm>>
      %dma_start3A_144 = tpu.memref_slice %arg3[%add3A_19] : memref<61440xi32, #tpu.memory_space<hbm>> -> memref<240xi32, #tpu.memory_space<hbm>>
      tpu.enqueue_dma source(%dma_start3A_144 : memref<240xi32, #tpu.memory_space<hbm>>) target(%arg5 : memref<240xi32, #tpu.memory_space<vmem>>) target_semaphore(%run_scoped3A : memref<!tpu.dma_semaphore, #tpu.memory_space<semaphore_mem>>)
      %dma_wait3A_145 = tpu.memref_slice %arg3[%add3A_19] : memref<61440xi32, #tpu.memory_space<hbm>> -> memref<240xi32, #tpu.memory_space<hbm>>
      %dma_wait3A_146 = tpu.memref_slice %arg3[%add3A_19] : memref<61440xi32, #tpu.memory_space<hbm>> -> memref<240xi32, #tpu.memory_space<hbm>>
      tpu.wait_dma2 semaphore(%run_scoped3A : memref<!tpu.dma_semaphore, #tpu.memory_space<semaphore_mem>>) src(%dma_wait3A_146 : memref<240xi32, #tpu.memory_space<hbm>>) dst(%arg5 : memref<240xi32, #tpu.memory_space<vmem>>)
      tpu.yield
    }) : () -> ()
    %dma_wait3A_20 = arith.constant 0 : i32
    %dma_wait3A_21 = arith.constant 0 : i32
    %dma_wait3A_22 = tpu.memref_slice %arg2[%dma_wait3A_20, %dma_wait3A_21] : memref<4096x128xf32, #tpu.memory_space<hbm>> -> memref<4096x128xf32, #tpu.memory_space<hbm>>
    tpu.wait_indirect_dma semaphore(%arg9 : memref<!tpu.dma_semaphore, #tpu.memory_space<semaphore_mem>>) src(%dma_wait3A_22 : memref<4096x128xf32, #tpu.memory_space<hbm>>) dst(%arg8 : memref<240x128xf32, #tpu.memory_space<vmem>>)
    %add3A_23 = arith.constant 240 : i32
    %add3A_24 = arith.addi %mul3A_2, %add3A_23 : i32
    %dma_start3A_25 = arith.constant 0 : i32
    %dma_start3A_26 = tpu.memref_slice %arg4[%add3A_24, %dma_start3A_25] : memref<61440x128xf32, #tpu.memory_space<hbm>> -> memref<240x128xf32, #tpu.memory_space<hbm>>
    %dma_start3A_27 = arith.constant 0 : i32
    %dma_start3A_28 = tpu.memref_slice %arg4[%add3A_24, %dma_start3A_27] : memref<61440x128xf32, #tpu.memory_space<hbm>> -> memref<240x128xf32, #tpu.memory_space<hbm>>
    tpu.enqueue_dma source(%arg8 : memref<240x128xf32, #tpu.memory_space<vmem>>) target(%dma_start3A_28 : memref<240x128xf32, #tpu.memory_space<hbm>>) target_semaphore(%arg11 : memref<!tpu.dma_semaphore, #tpu.memory_space<semaphore_mem>>)
    %dma_wait3A_29 = arith.constant 0 : i32
    %dma_wait3A_30 = tpu.memref_slice %arg4[%add3A_10, %dma_wait3A_29] : memref<61440x128xf32, #tpu.memory_space<hbm>> -> memref<240x128xf32, #tpu.memory_space<hbm>>
    %dma_wait3A_31 = arith.constant 0 : i32
    %dma_wait3A_32 = tpu.memref_slice %arg4[%add3A_10, %dma_wait3A_31] : memref<61440x128xf32, #tpu.memory_space<hbm>> -> memref<240x128xf32, #tpu.memory_space<hbm>>
    tpu.wait_dma2 semaphore(%arg10 : memref<!tpu.dma_semaphore, #tpu.memory_space<semaphore_mem>>) src(%arg7 : memref<240x128xf32, #tpu.memory_space<vmem>>) dst(%dma_wait3A_32 : memref<240x128xf32, #tpu.memory_space<hbm>>)
    %dma_start3A_33 = arith.constant 0 : i32
    %dma_start3A_34 = arith.constant 0 : i32
    %dma_start3A_35 = tpu.memref_slice %arg2[%dma_start3A_33, %dma_start3A_34] : memref<4096x128xf32, #tpu.memory_space<hbm>> -> memref<4096x128xf32, #tpu.memory_space<hbm>>
    tpu.enqueue_indirect_dma source(%dma_start3A_35 : memref<4096x128xf32, #tpu.memory_space<hbm>>) target(%arg7 : memref<240x128xf32, #tpu.memory_space<vmem>>) offsets(%arg5 : memref<240xi32, #tpu.memory_space<vmem>>) semaphore(%arg9 : memref<!tpu.dma_semaphore, #tpu.memory_space<semaphore_mem>>)
    %add3A_36 = arith.constant 720 : i32
    %add3A_37 = arith.addi %mul3A_2, %add3A_36 : i32
    "tpu.region"() ({
      %run_scoped3A = tpu.sem_alloc : memref<!tpu.dma_semaphore, #tpu.memory_space<semaphore_mem>>
      %dma_start3A_143 = tpu.memref_slice %arg3[%add3A_37] : memref<61440xi32, #tpu.memory_space<hbm>> -> memref<240xi32, #tpu.memory_space<hbm>>
      %dma_start3A_144 = tpu.memref_slice %arg3[%add3A_37] : memref<61440xi32, #tpu.memory_space<hbm>> -> memref<240xi32, #tpu.memory_space<hbm>>
      tpu.enqueue_dma source(%dma_start3A_144 : memref<240xi32, #tpu.memory_space<hbm>>) target(%arg6 : memref<240xi32, #tpu.memory_space<vmem>>) target_semaphore(%run_scoped3A : memref<!tpu.dma_semaphore, #tpu.memory_space<semaphore_mem>>)
      %dma_wait3A_145 = tpu.memref_slice %arg3[%add3A_37] : memref<61440xi32, #tpu.memory_space<hbm>> -> memref<240xi32, #tpu.memory_space<hbm>>
      %dma_wait3A_146 = tpu.memref_slice %arg3[%add3A_37] : memref<61440xi32, #tpu.memory_space<hbm>> -> memref<240xi32, #tpu.memory_space<hbm>>
      tpu.wait_dma2 semaphore(%run_scoped3A : memref<!tpu.dma_semaphore, #tpu.memory_space<semaphore_mem>>) src(%dma_wait3A_146 : memref<240xi32, #tpu.memory_space<hbm>>) dst(%arg6 : memref<240xi32, #tpu.memory_space<vmem>>)
      tpu.yield
    }) : () -> ()
    %dma_wait3A_38 = arith.constant 0 : i32
    %dma_wait3A_39 = arith.constant 0 : i32
    %dma_wait3A_40 = tpu.memref_slice %arg2[%dma_wait3A_38, %dma_wait3A_39] : memref<4096x128xf32, #tpu.memory_space<hbm>> -> memref<4096x128xf32, #tpu.memory_space<hbm>>
    tpu.wait_indirect_dma semaphore(%arg9 : memref<!tpu.dma_semaphore, #tpu.memory_space<semaphore_mem>>) src(%dma_wait3A_40 : memref<4096x128xf32, #tpu.memory_space<hbm>>) dst(%arg7 : memref<240x128xf32, #tpu.memory_space<vmem>>)
    %add3A_41 = arith.constant 480 : i32
    %add3A_42 = arith.addi %mul3A_2, %add3A_41 : i32
    %dma_start3A_43 = arith.constant 0 : i32
    %dma_start3A_44 = tpu.memref_slice %arg4[%add3A_42, %dma_start3A_43] : memref<61440x128xf32, #tpu.memory_space<hbm>> -> memref<240x128xf32, #tpu.memory_space<hbm>>
    %dma_start3A_45 = arith.constant 0 : i32
    %dma_start3A_46 = tpu.memref_slice %arg4[%add3A_42, %dma_start3A_45] : memref<61440x128xf32, #tpu.memory_space<hbm>> -> memref<240x128xf32, #tpu.memory_space<hbm>>
    tpu.enqueue_dma source(%arg7 : memref<240x128xf32, #tpu.memory_space<vmem>>) target(%dma_start3A_46 : memref<240x128xf32, #tpu.memory_space<hbm>>) target_semaphore(%arg10 : memref<!tpu.dma_semaphore, #tpu.memory_space<semaphore_mem>>)
    %dma_wait3A_47 = arith.constant 0 : i32
    %dma_wait3A_48 = tpu.memref_slice %arg4[%add3A_24, %dma_wait3A_47] : memref<61440x128xf32, #tpu.memory_space<hbm>> -> memref<240x128xf32, #tpu.memory_space<hbm>>
    %dma_wait3A_49 = arith.constant 0 : i32
    %dma_wait3A_50 = tpu.memref_slice %arg4[%add3A_24, %dma_wait3A_49] : memref<61440x128xf32, #tpu.memory_space<hbm>> -> memref<240x128xf32, #tpu.memory_space<hbm>>
    tpu.wait_dma2 semaphore(%arg11 : memref<!tpu.dma_semaphore, #tpu.memory_space<semaphore_mem>>) src(%arg8 : memref<240x128xf32, #tpu.memory_space<vmem>>) dst(%dma_wait3A_50 : memref<240x128xf32, #tpu.memory_space<hbm>>)
    %dma_start3A_51 = arith.constant 0 : i32
    %dma_start3A_52 = arith.constant 0 : i32
    %dma_start3A_53 = tpu.memref_slice %arg2[%dma_start3A_51, %dma_start3A_52] : memref<4096x128xf32, #tpu.memory_space<hbm>> -> memref<4096x128xf32, #tpu.memory_space<hbm>>
    tpu.enqueue_indirect_dma source(%dma_start3A_53 : memref<4096x128xf32, #tpu.memory_space<hbm>>) target(%arg8 : memref<240x128xf32, #tpu.memory_space<vmem>>) offsets(%arg6 : memref<240xi32, #tpu.memory_space<vmem>>) semaphore(%arg9 : memref<!tpu.dma_semaphore, #tpu.memory_space<semaphore_mem>>)
    %add3A_54 = arith.constant 960 : i32
    %add3A_55 = arith.addi %mul3A_2, %add3A_54 : i32
    "tpu.region"() ({
      %run_scoped3A = tpu.sem_alloc : memref<!tpu.dma_semaphore, #tpu.memory_space<semaphore_mem>>
      %dma_start3A_143 = tpu.memref_slice %arg3[%add3A_55] : memref<61440xi32, #tpu.memory_space<hbm>> -> memref<240xi32, #tpu.memory_space<hbm>>
      %dma_start3A_144 = tpu.memref_slice %arg3[%add3A_55] : memref<61440xi32, #tpu.memory_space<hbm>> -> memref<240xi32, #tpu.memory_space<hbm>>
      tpu.enqueue_dma source(%dma_start3A_144 : memref<240xi32, #tpu.memory_space<hbm>>) target(%arg5 : memref<240xi32, #tpu.memory_space<vmem>>) target_semaphore(%run_scoped3A : memref<!tpu.dma_semaphore, #tpu.memory_space<semaphore_mem>>)
      %dma_wait3A_145 = tpu.memref_slice %arg3[%add3A_55] : memref<61440xi32, #tpu.memory_space<hbm>> -> memref<240xi32, #tpu.memory_space<hbm>>
      %dma_wait3A_146 = tpu.memref_slice %arg3[%add3A_55] : memref<61440xi32, #tpu.memory_space<hbm>> -> memref<240xi32, #tpu.memory_space<hbm>>
      tpu.wait_dma2 semaphore(%run_scoped3A : memref<!tpu.dma_semaphore, #tpu.memory_space<semaphore_mem>>) src(%dma_wait3A_146 : memref<240xi32, #tpu.memory_space<hbm>>) dst(%arg5 : memref<240xi32, #tpu.memory_space<vmem>>)
      tpu.yield
    }) : () -> ()
    %dma_wait3A_56 = arith.constant 0 : i32
    %dma_wait3A_57 = arith.constant 0 : i32
    %dma_wait3A_58 = tpu.memref_slice %arg2[%dma_wait3A_56, %dma_wait3A_57] : memref<4096x128xf32, #tpu.memory_space<hbm>> -> memref<4096x128xf32, #tpu.memory_space<hbm>>
    tpu.wait_indirect_dma semaphore(%arg9 : memref<!tpu.dma_semaphore, #tpu.memory_space<semaphore_mem>>) src(%dma_wait3A_58 : memref<4096x128xf32, #tpu.memory_space<hbm>>) dst(%arg8 : memref<240x128xf32, #tpu.memory_space<vmem>>)
    %add3A_59 = arith.constant 720 : i32
    %add3A_60 = arith.addi %mul3A_2, %add3A_59 : i32
    %dma_start3A_61 = arith.constant 0 : i32
    %dma_start3A_62 = tpu.memref_slice %arg4[%add3A_60, %dma_start3A_61] : memref<61440x128xf32, #tpu.memory_space<hbm>> -> memref<240x128xf32, #tpu.memory_space<hbm>>
    %dma_start3A_63 = arith.constant 0 : i32
    %dma_start3A_64 = tpu.memref_slice %arg4[%add3A_60, %dma_start3A_63] : memref<61440x128xf32, #tpu.memory_space<hbm>> -> memref<240x128xf32, #tpu.memory_space<hbm>>
    tpu.enqueue_dma source(%arg8 : memref<240x128xf32, #tpu.memory_space<vmem>>) target(%dma_start3A_64 : memref<240x128xf32, #tpu.memory_space<hbm>>) target_semaphore(%arg11 : memref<!tpu.dma_semaphore, #tpu.memory_space<semaphore_mem>>)
    %dma_wait3A_65 = arith.constant 0 : i32
    %dma_wait3A_66 = tpu.memref_slice %arg4[%add3A_42, %dma_wait3A_65] : memref<61440x128xf32, #tpu.memory_space<hbm>> -> memref<240x128xf32, #tpu.memory_space<hbm>>
    %dma_wait3A_67 = arith.constant 0 : i32
    %dma_wait3A_68 = tpu.memref_slice %arg4[%add3A_42, %dma_wait3A_67] : memref<61440x128xf32, #tpu.memory_space<hbm>> -> memref<240x128xf32, #tpu.memory_space<hbm>>
    tpu.wait_dma2 semaphore(%arg10 : memref<!tpu.dma_semaphore, #tpu.memory_space<semaphore_mem>>) src(%arg7 : memref<240x128xf32, #tpu.memory_space<vmem>>) dst(%dma_wait3A_68 : memref<240x128xf32, #tpu.memory_space<hbm>>)
    %dma_start3A_69 = arith.constant 0 : i32
    %dma_start3A_70 = arith.constant 0 : i32
    %dma_start3A_71 = tpu.memref_slice %arg2[%dma_start3A_69, %dma_start3A_70] : memref<4096x128xf32, #tpu.memory_space<hbm>> -> memref<4096x128xf32, #tpu.memory_space<hbm>>
    tpu.enqueue_indirect_dma source(%dma_start3A_71 : memref<4096x128xf32, #tpu.memory_space<hbm>>) target(%arg7 : memref<240x128xf32, #tpu.memory_space<vmem>>) offsets(%arg5 : memref<240xi32, #tpu.memory_space<vmem>>) semaphore(%arg9 : memref<!tpu.dma_semaphore, #tpu.memory_space<semaphore_mem>>)
    %add3A_72 = arith.constant 1200 : i32
    %add3A_73 = arith.addi %mul3A_2, %add3A_72 : i32
    "tpu.region"() ({
      %run_scoped3A = tpu.sem_alloc : memref<!tpu.dma_semaphore, #tpu.memory_space<semaphore_mem>>
      %dma_start3A_143 = tpu.memref_slice %arg3[%add3A_73] : memref<61440xi32, #tpu.memory_space<hbm>> -> memref<240xi32, #tpu.memory_space<hbm>>
      %dma_start3A_144 = tpu.memref_slice %arg3[%add3A_73] : memref<61440xi32, #tpu.memory_space<hbm>> -> memref<240xi32, #tpu.memory_space<hbm>>
      tpu.enqueue_dma source(%dma_start3A_144 : memref<240xi32, #tpu.memory_space<hbm>>) target(%arg6 : memref<240xi32, #tpu.memory_space<vmem>>) target_semaphore(%run_scoped3A : memref<!tpu.dma_semaphore, #tpu.memory_space<semaphore_mem>>)
      %dma_wait3A_145 = tpu.memref_slice %arg3[%add3A_73] : memref<61440xi32, #tpu.memory_space<hbm>> -> memref<240xi32, #tpu.memory_space<hbm>>
      %dma_wait3A_146 = tpu.memref_slice %arg3[%add3A_73] : memref<61440xi32, #tpu.memory_space<hbm>> -> memref<240xi32, #tpu.memory_space<hbm>>
      tpu.wait_dma2 semaphore(%run_scoped3A : memref<!tpu.dma_semaphore, #tpu.memory_space<semaphore_mem>>) src(%dma_wait3A_146 : memref<240xi32, #tpu.memory_space<hbm>>) dst(%arg6 : memref<240xi32, #tpu.memory_space<vmem>>)
      tpu.yield
    }) : () -> ()
    %dma_wait3A_74 = arith.constant 0 : i32
    %dma_wait3A_75 = arith.constant 0 : i32
    %dma_wait3A_76 = tpu.memref_slice %arg2[%dma_wait3A_74, %dma_wait3A_75] : memref<4096x128xf32, #tpu.memory_space<hbm>> -> memref<4096x128xf32, #tpu.memory_space<hbm>>
    tpu.wait_indirect_dma semaphore(%arg9 : memref<!tpu.dma_semaphore, #tpu.memory_space<semaphore_mem>>) src(%dma_wait3A_76 : memref<4096x128xf32, #tpu.memory_space<hbm>>) dst(%arg7 : memref<240x128xf32, #tpu.memory_space<vmem>>)
    %add3A_77 = arith.constant 960 : i32
    %add3A_78 = arith.addi %mul3A_2, %add3A_77 : i32
    %dma_start3A_79 = arith.constant 0 : i32
    %dma_start3A_80 = tpu.memref_slice %arg4[%add3A_78, %dma_start3A_79] : memref<61440x128xf32, #tpu.memory_space<hbm>> -> memref<240x128xf32, #tpu.memory_space<hbm>>
    %dma_start3A_81 = arith.constant 0 : i32
    %dma_start3A_82 = tpu.memref_slice %arg4[%add3A_78, %dma_start3A_81] : memref<61440x128xf32, #tpu.memory_space<hbm>> -> memref<240x128xf32, #tpu.memory_space<hbm>>
    tpu.enqueue_dma source(%arg7 : memref<240x128xf32, #tpu.memory_space<vmem>>) target(%dma_start3A_82 : memref<240x128xf32, #tpu.memory_space<hbm>>) target_semaphore(%arg10 : memref<!tpu.dma_semaphore, #tpu.memory_space<semaphore_mem>>)
    %dma_wait3A_83 = arith.constant 0 : i32
    %dma_wait3A_84 = tpu.memref_slice %arg4[%add3A_60, %dma_wait3A_83] : memref<61440x128xf32, #tpu.memory_space<hbm>> -> memref<240x128xf32, #tpu.memory_space<hbm>>
    %dma_wait3A_85 = arith.constant 0 : i32
    %dma_wait3A_86 = tpu.memref_slice %arg4[%add3A_60, %dma_wait3A_85] : memref<61440x128xf32, #tpu.memory_space<hbm>> -> memref<240x128xf32, #tpu.memory_space<hbm>>
    tpu.wait_dma2 semaphore(%arg11 : memref<!tpu.dma_semaphore, #tpu.memory_space<semaphore_mem>>) src(%arg8 : memref<240x128xf32, #tpu.memory_space<vmem>>) dst(%dma_wait3A_86 : memref<240x128xf32, #tpu.memory_space<hbm>>)
    %dma_start3A_87 = arith.constant 0 : i32
    %dma_start3A_88 = arith.constant 0 : i32
    %dma_start3A_89 = tpu.memref_slice %arg2[%dma_start3A_87, %dma_start3A_88] : memref<4096x128xf32, #tpu.memory_space<hbm>> -> memref<4096x128xf32, #tpu.memory_space<hbm>>
    tpu.enqueue_indirect_dma source(%dma_start3A_89 : memref<4096x128xf32, #tpu.memory_space<hbm>>) target(%arg8 : memref<240x128xf32, #tpu.memory_space<vmem>>) offsets(%arg6 : memref<240xi32, #tpu.memory_space<vmem>>) semaphore(%arg9 : memref<!tpu.dma_semaphore, #tpu.memory_space<semaphore_mem>>)
    %add3A_90 = arith.constant 1440 : i32
    %add3A_91 = arith.addi %mul3A_2, %add3A_90 : i32
    "tpu.region"() ({
      %run_scoped3A = tpu.sem_alloc : memref<!tpu.dma_semaphore, #tpu.memory_space<semaphore_mem>>
      %dma_start3A_143 = tpu.memref_slice %arg3[%add3A_91] : memref<61440xi32, #tpu.memory_space<hbm>> -> memref<240xi32, #tpu.memory_space<hbm>>
      %dma_start3A_144 = tpu.memref_slice %arg3[%add3A_91] : memref<61440xi32, #tpu.memory_space<hbm>> -> memref<240xi32, #tpu.memory_space<hbm>>
      tpu.enqueue_dma source(%dma_start3A_144 : memref<240xi32, #tpu.memory_space<hbm>>) target(%arg5 : memref<240xi32, #tpu.memory_space<vmem>>) target_semaphore(%run_scoped3A : memref<!tpu.dma_semaphore, #tpu.memory_space<semaphore_mem>>)
      %dma_wait3A_145 = tpu.memref_slice %arg3[%add3A_91] : memref<61440xi32, #tpu.memory_space<hbm>> -> memref<240xi32, #tpu.memory_space<hbm>>
      %dma_wait3A_146 = tpu.memref_slice %arg3[%add3A_91] : memref<61440xi32, #tpu.memory_space<hbm>> -> memref<240xi32, #tpu.memory_space<hbm>>
      tpu.wait_dma2 semaphore(%run_scoped3A : memref<!tpu.dma_semaphore, #tpu.memory_space<semaphore_mem>>) src(%dma_wait3A_146 : memref<240xi32, #tpu.memory_space<hbm>>) dst(%arg5 : memref<240xi32, #tpu.memory_space<vmem>>)
      tpu.yield
    }) : () -> ()
    %dma_wait3A_92 = arith.constant 0 : i32
    %dma_wait3A_93 = arith.constant 0 : i32
    %dma_wait3A_94 = tpu.memref_slice %arg2[%dma_wait3A_92, %dma_wait3A_93] : memref<4096x128xf32, #tpu.memory_space<hbm>> -> memref<4096x128xf32, #tpu.memory_space<hbm>>
    tpu.wait_indirect_dma semaphore(%arg9 : memref<!tpu.dma_semaphore, #tpu.memory_space<semaphore_mem>>) src(%dma_wait3A_94 : memref<4096x128xf32, #tpu.memory_space<hbm>>) dst(%arg8 : memref<240x128xf32, #tpu.memory_space<vmem>>)
    %add3A_95 = arith.constant 1200 : i32
    %add3A_96 = arith.addi %mul3A_2, %add3A_95 : i32
    %dma_start3A_97 = arith.constant 0 : i32
    %dma_start3A_98 = tpu.memref_slice %arg4[%add3A_96, %dma_start3A_97] : memref<61440x128xf32, #tpu.memory_space<hbm>> -> memref<240x128xf32, #tpu.memory_space<hbm>>
    %dma_start3A_99 = arith.constant 0 : i32
    %dma_start3A_100 = tpu.memref_slice %arg4[%add3A_96, %dma_start3A_99] : memref<61440x128xf32, #tpu.memory_space<hbm>> -> memref<240x128xf32, #tpu.memory_space<hbm>>
    tpu.enqueue_dma source(%arg8 : memref<240x128xf32, #tpu.memory_space<vmem>>) target(%dma_start3A_100 : memref<240x128xf32, #tpu.memory_space<hbm>>) target_semaphore(%arg11 : memref<!tpu.dma_semaphore, #tpu.memory_space<semaphore_mem>>)
    %dma_wait3A_101 = arith.constant 0 : i32
    %dma_wait3A_102 = tpu.memref_slice %arg4[%add3A_78, %dma_wait3A_101] : memref<61440x128xf32, #tpu.memory_space<hbm>> -> memref<240x128xf32, #tpu.memory_space<hbm>>
    %dma_wait3A_103 = arith.constant 0 : i32
    %dma_wait3A_104 = tpu.memref_slice %arg4[%add3A_78, %dma_wait3A_103] : memref<61440x128xf32, #tpu.memory_space<hbm>> -> memref<240x128xf32, #tpu.memory_space<hbm>>
    tpu.wait_dma2 semaphore(%arg10 : memref<!tpu.dma_semaphore, #tpu.memory_space<semaphore_mem>>) src(%arg7 : memref<240x128xf32, #tpu.memory_space<vmem>>) dst(%dma_wait3A_104 : memref<240x128xf32, #tpu.memory_space<hbm>>)
    %dma_start3A_105 = arith.constant 0 : i32
    %dma_start3A_106 = arith.constant 0 : i32
    %dma_start3A_107 = tpu.memref_slice %arg2[%dma_start3A_105, %dma_start3A_106] : memref<4096x128xf32, #tpu.memory_space<hbm>> -> memref<4096x128xf32, #tpu.memory_space<hbm>>
    tpu.enqueue_indirect_dma source(%dma_start3A_107 : memref<4096x128xf32, #tpu.memory_space<hbm>>) target(%arg7 : memref<240x128xf32, #tpu.memory_space<vmem>>) offsets(%arg5 : memref<240xi32, #tpu.memory_space<vmem>>) semaphore(%arg9 : memref<!tpu.dma_semaphore, #tpu.memory_space<semaphore_mem>>)
    %add3A_108 = arith.constant 1680 : i32
    %add3A_109 = arith.addi %mul3A_2, %add3A_108 : i32
    "tpu.region"() ({
      %run_scoped3A = tpu.sem_alloc : memref<!tpu.dma_semaphore, #tpu.memory_space<semaphore_mem>>
      %dma_start3A_143 = tpu.memref_slice %arg3[%add3A_109] : memref<61440xi32, #tpu.memory_space<hbm>> -> memref<240xi32, #tpu.memory_space<hbm>>
      %dma_start3A_144 = tpu.memref_slice %arg3[%add3A_109] : memref<61440xi32, #tpu.memory_space<hbm>> -> memref<240xi32, #tpu.memory_space<hbm>>
      tpu.enqueue_dma source(%dma_start3A_144 : memref<240xi32, #tpu.memory_space<hbm>>) target(%arg6 : memref<240xi32, #tpu.memory_space<vmem>>) target_semaphore(%run_scoped3A : memref<!tpu.dma_semaphore, #tpu.memory_space<semaphore_mem>>)
      %dma_wait3A_145 = tpu.memref_slice %arg3[%add3A_109] : memref<61440xi32, #tpu.memory_space<hbm>> -> memref<240xi32, #tpu.memory_space<hbm>>
      %dma_wait3A_146 = tpu.memref_slice %arg3[%add3A_109] : memref<61440xi32, #tpu.memory_space<hbm>> -> memref<240xi32, #tpu.memory_space<hbm>>
      tpu.wait_dma2 semaphore(%run_scoped3A : memref<!tpu.dma_semaphore, #tpu.memory_space<semaphore_mem>>) src(%dma_wait3A_146 : memref<240xi32, #tpu.memory_space<hbm>>) dst(%arg6 : memref<240xi32, #tpu.memory_space<vmem>>)
      tpu.yield
    }) : () -> ()
    %dma_wait3A_110 = arith.constant 0 : i32
    %dma_wait3A_111 = arith.constant 0 : i32
    %dma_wait3A_112 = tpu.memref_slice %arg2[%dma_wait3A_110, %dma_wait3A_111] : memref<4096x128xf32, #tpu.memory_space<hbm>> -> memref<4096x128xf32, #tpu.memory_space<hbm>>
    tpu.wait_indirect_dma semaphore(%arg9 : memref<!tpu.dma_semaphore, #tpu.memory_space<semaphore_mem>>) src(%dma_wait3A_112 : memref<4096x128xf32, #tpu.memory_space<hbm>>) dst(%arg7 : memref<240x128xf32, #tpu.memory_space<vmem>>)
    %add3A_113 = arith.constant 1440 : i32
    %add3A_114 = arith.addi %mul3A_2, %add3A_113 : i32
    %dma_start3A_115 = arith.constant 0 : i32
    %dma_start3A_116 = tpu.memref_slice %arg4[%add3A_114, %dma_start3A_115] : memref<61440x128xf32, #tpu.memory_space<hbm>> -> memref<240x128xf32, #tpu.memory_space<hbm>>
    %dma_start3A_117 = arith.constant 0 : i32
    %dma_start3A_118 = tpu.memref_slice %arg4[%add3A_114, %dma_start3A_117] : memref<61440x128xf32, #tpu.memory_space<hbm>> -> memref<240x128xf32, #tpu.memory_space<hbm>>
    tpu.enqueue_dma source(%arg7 : memref<240x128xf32, #tpu.memory_space<vmem>>) target(%dma_start3A_118 : memref<240x128xf32, #tpu.memory_space<hbm>>) target_semaphore(%arg10 : memref<!tpu.dma_semaphore, #tpu.memory_space<semaphore_mem>>)
    %dma_wait3A_119 = arith.constant 0 : i32
    %dma_wait3A_120 = tpu.memref_slice %arg4[%add3A_96, %dma_wait3A_119] : memref<61440x128xf32, #tpu.memory_space<hbm>> -> memref<240x128xf32, #tpu.memory_space<hbm>>
    %dma_wait3A_121 = arith.constant 0 : i32
    %dma_wait3A_122 = tpu.memref_slice %arg4[%add3A_96, %dma_wait3A_121] : memref<61440x128xf32, #tpu.memory_space<hbm>> -> memref<240x128xf32, #tpu.memory_space<hbm>>
    tpu.wait_dma2 semaphore(%arg11 : memref<!tpu.dma_semaphore, #tpu.memory_space<semaphore_mem>>) src(%arg8 : memref<240x128xf32, #tpu.memory_space<vmem>>) dst(%dma_wait3A_122 : memref<240x128xf32, #tpu.memory_space<hbm>>)
    %dma_start3A_123 = arith.constant 0 : i32
    %dma_start3A_124 = arith.constant 0 : i32
    %dma_start3A_125 = tpu.memref_slice %arg2[%dma_start3A_123, %dma_start3A_124] : memref<4096x128xf32, #tpu.memory_space<hbm>> -> memref<4096x128xf32, #tpu.memory_space<hbm>>
    tpu.enqueue_indirect_dma source(%dma_start3A_125 : memref<4096x128xf32, #tpu.memory_space<hbm>>) target(%arg8 : memref<240x128xf32, #tpu.memory_space<vmem>>) offsets(%arg6 : memref<240xi32, #tpu.memory_space<vmem>>) semaphore(%arg9 : memref<!tpu.dma_semaphore, #tpu.memory_space<semaphore_mem>>)
    %dma_wait3A_126 = arith.constant 0 : i32
    %dma_wait3A_127 = arith.constant 0 : i32
    %dma_wait3A_128 = tpu.memref_slice %arg2[%dma_wait3A_126, %dma_wait3A_127] : memref<4096x128xf32, #tpu.memory_space<hbm>> -> memref<4096x128xf32, #tpu.memory_space<hbm>>
    tpu.wait_indirect_dma semaphore(%arg9 : memref<!tpu.dma_semaphore, #tpu.memory_space<semaphore_mem>>) src(%dma_wait3A_128 : memref<4096x128xf32, #tpu.memory_space<hbm>>) dst(%arg8 : memref<240x128xf32, #tpu.memory_space<vmem>>)
    %add3A_129 = arith.constant 1680 : i32
    %add3A_130 = arith.addi %mul3A_2, %add3A_129 : i32
    %dma_start3A_131 = arith.constant 0 : i32
    %dma_start3A_132 = tpu.memref_slice %arg4[%add3A_130, %dma_start3A_131] : memref<61440x128xf32, #tpu.memory_space<hbm>> -> memref<240x128xf32, #tpu.memory_space<hbm>>
    %dma_start3A_133 = arith.constant 0 : i32
    %dma_start3A_134 = tpu.memref_slice %arg4[%add3A_130, %dma_start3A_133] : memref<61440x128xf32, #tpu.memory_space<hbm>> -> memref<240x128xf32, #tpu.memory_space<hbm>>
    tpu.enqueue_dma source(%arg8 : memref<240x128xf32, #tpu.memory_space<vmem>>) target(%dma_start3A_134 : memref<240x128xf32, #tpu.memory_space<hbm>>) target_semaphore(%arg11 : memref<!tpu.dma_semaphore, #tpu.memory_space<semaphore_mem>>)
    %dma_wait3A_135 = arith.constant 0 : i32
    %dma_wait3A_136 = tpu.memref_slice %arg4[%add3A_114, %dma_wait3A_135] : memref<61440x128xf32, #tpu.memory_space<hbm>> -> memref<240x128xf32, #tpu.memory_space<hbm>>
    %dma_wait3A_137 = arith.constant 0 : i32
    %dma_wait3A_138 = tpu.memref_slice %arg4[%add3A_114, %dma_wait3A_137] : memref<61440x128xf32, #tpu.memory_space<hbm>> -> memref<240x128xf32, #tpu.memory_space<hbm>>
    tpu.wait_dma2 semaphore(%arg10 : memref<!tpu.dma_semaphore, #tpu.memory_space<semaphore_mem>>) src(%arg7 : memref<240x128xf32, #tpu.memory_space<vmem>>) dst(%dma_wait3A_138 : memref<240x128xf32, #tpu.memory_space<hbm>>)
    %dma_wait3A_139 = arith.constant 0 : i32
    %dma_wait3A_140 = tpu.memref_slice %arg4[%add3A_130, %dma_wait3A_139] : memref<61440x128xf32, #tpu.memory_space<hbm>> -> memref<240x128xf32, #tpu.memory_space<hbm>>
    %dma_wait3A_141 = arith.constant 0 : i32
    %dma_wait3A_142 = tpu.memref_slice %arg4[%add3A_130, %dma_wait3A_141] : memref<61440x128xf32, #tpu.memory_space<hbm>> -> memref<240x128xf32, #tpu.memory_space<hbm>>
    tpu.wait_dma2 semaphore(%arg11 : memref<!tpu.dma_semaphore, #tpu.memory_space<semaphore_mem>>) src(%arg8 : memref<240x128xf32, #tpu.memory_space<vmem>>) dst(%dma_wait3A_142 : memref<240x128xf32, #tpu.memory_space<hbm>>)
    return
  }
}

#map = affine_map<(d0, d1) -> (0, 0)>
#map1 = affine_map<(d0, d1) -> (0)>
module attributes {stable_mosaic.version = 14 : i64} {
  func.func @gk(%arg0: i32, %arg1: i32, %arg2: memref<4096x128xf32, #tpu.memory_space<hbm>>, %arg3: memref<61440xi32, #tpu.memory_space<hbm>>, %arg4: memref<61440x128xf32, #tpu.memory_space<hbm>>, %arg5: memref<240xi32, #tpu.memory_space<vmem>>, %arg6: memref<240xi32, #tpu.memory_space<vmem>>, %arg7: memref<240x128xf32, #tpu.memory_space<vmem>>, %arg8: memref<240x128xf32, #tpu.memory_space<vmem>>, %arg9: memref<!tpu.dma_semaphore, #tpu.memory_space<semaphore_mem>>, %arg10: memref<!tpu.dma_semaphore, #tpu.memory_space<semaphore_mem>>, %arg11: memref<!tpu.dma_semaphore, #tpu.memory_space<semaphore_mem>>) attributes {dimension_semantics = [#tpu.dimension_semantics<core_parallel>, #tpu.dimension_semantics<subcore_parallel>], iteration_bounds = array<i64: 2, 16>, scalar_prefetch = 0 : i64, scratch_operands = 7 : i64, tpu.core_type = #tpu.core_type<sc_vector_subcore>, window_params = [{transform_indices = #map}, {transform_indices = #map1}, {transform_indices = #map}]} {
    %mul3A = arith.constant 2 : i32
    %mul3A_0 = arith.muli %arg1, %mul3A : i32
    %add3A = arith.addi %mul3A_0, %arg0 : i32
    %mul3A_1 = arith.constant 1920 : i32
    %mul3A_2 = arith.muli %add3A, %mul3A_1 : i32
    "tpu.region"() ({
      %run_scoped3A = tpu.sem_alloc : memref<!tpu.dma_semaphore, #tpu.memory_space<semaphore_mem>>
      %dma_start3A_143 = tpu.memref_slice %arg3[%mul3A_2] : memref<61440xi32, #tpu.memory_space<hbm>> -> memref<240xi32, #tpu.memory_space<hbm>>
      %dma_start3A_144 = tpu.memref_slice %arg3[%mul3A_2] : memref<61440xi32, #tpu.memory_space<hbm>> -> memref<240xi32, #tpu.memory_space<hbm>>
      tpu.enqueue_dma source(%dma_start3A_144 : memref<240xi32, #tpu.memory_space<hbm>>) target(%arg5 : memref<240xi32, #tpu.memory_space<vmem>>) target_semaphore(%run_scoped3A : memref<!tpu.dma_semaphore, #tpu.memory_space<semaphore_mem>>)
      %dma_wait3A_145 = tpu.memref_slice %arg3[%mul3A_2] : memref<61440xi32, #tpu.memory_space<hbm>> -> memref<240xi32, #tpu.memory_space<hbm>>
      %dma_wait3A_146 = tpu.memref_slice %arg3[%mul3A_2] : memref<61440xi32, #tpu.memory_space<hbm>> -> memref<240xi32, #tpu.memory_space<hbm>>
      tpu.wait_dma2 semaphore(%run_scoped3A : memref<!tpu.dma_semaphore, #tpu.memory_space<semaphore_mem>>) src(%dma_wait3A_146 : memref<240xi32, #tpu.memory_space<hbm>>) dst(%arg5 : memref<240xi32, #tpu.memory_space<vmem>>)
      tpu.yield
    }) : () -> ()
    %dma_start3A = arith.constant 0 : i32
    %dma_start3A_3 = arith.constant 0 : i32
    %dma_start3A_4 = tpu.memref_slice %arg2[%dma_start3A, %dma_start3A_3] : memref<4096x128xf32, #tpu.memory_space<hbm>> -> memref<4096x128xf32, #tpu.memory_space<hbm>>
    tpu.enqueue_indirect_dma source(%dma_start3A_4 : memref<4096x128xf32, #tpu.memory_space<hbm>>) target(%arg7 : memref<240x128xf32, #tpu.memory_space<vmem>>) offsets(%arg5 : memref<240xi32, #tpu.memory_space<vmem>>) semaphore(%arg9 : memref<!tpu.dma_semaphore, #tpu.memory_space<semaphore_mem>>)
    %add3A_5 = arith.constant 240 : i32
    %add3A_6 = arith.addi %mul3A_2, %add3A_5 : i32
    "tpu.region"() ({
      %run_scoped3A = tpu.sem_alloc : memref<!tpu.dma_semaphore, #tpu.memory_space<semaphore_mem>>
      %dma_start3A_143 = tpu.memref_slice %arg3[%add3A_6] : memref<61440xi32, #tpu.memory_space<hbm>> -> memref<240xi32, #tpu.memory_space<hbm>>
      %dma_start3A_144 = tpu.memref_slice %arg3[%add3A_6] : memref<61440xi32, #tpu.memory_space<hbm>> -> memref<240xi32, #tpu.memory_space<hbm>>
      tpu.enqueue_dma source(%dma_start3A_144 : memref<240xi32, #tpu.memory_space<hbm>>) target(%arg6 : memref<240xi32, #tpu.memory_space<vmem>>) target_semaphore(%run_scoped3A : memref<!tpu.dma_semaphore, #tpu.memory_space<semaphore_mem>>)
      %dma_wait3A_145 = tpu.memref_slice %arg3[%add3A_6] : memref<61440xi32, #tpu.memory_space<hbm>> -> memref<240xi32, #tpu.memory_space<hbm>>
      %dma_wait3A_146 = tpu.memref_slice %arg3[%add3A_6] : memref<61440xi32, #tpu.memory_space<hbm>> -> memref<240xi32, #tpu.memory_space<hbm>>
      tpu.wait_dma2 semaphore(%run_scoped3A : memref<!tpu.dma_semaphore, #tpu.memory_space<semaphore_mem>>) src(%dma_wait3A_146 : memref<240xi32, #tpu.memory_space<hbm>>) dst(%arg6 : memref<240xi32, #tpu.memory_space<vmem>>)
      tpu.yield
    }) : () -> ()
    %dma_wait3A = arith.constant 0 : i32
    %dma_wait3A_7 = arith.constant 0 : i32
    %dma_wait3A_8 = tpu.memref_slice %arg2[%dma_wait3A, %dma_wait3A_7] : memref<4096x128xf32, #tpu.memory_space<hbm>> -> memref<4096x128xf32, #tpu.memory_space<hbm>>
    tpu.wait_indirect_dma semaphore(%arg9 : memref<!tpu.dma_semaphore, #tpu.memory_space<semaphore_mem>>) src(%dma_wait3A_8 : memref<4096x128xf32, #tpu.memory_space<hbm>>) dst(%arg7 : memref<240x128xf32, #tpu.memory_space<vmem>>)
    %add3A_9 = arith.constant 0 : i32
    %add3A_10 = arith.addi %mul3A_2, %add3A_9 : i32
    %dma_start3A_11 = arith.constant 0 : i32
    %dma_start3A_12 = tpu.memref_slice %arg4[%add3A_10, %dma_start3A_11] : memref<61440x128xf32, #tpu.memory_space<hbm>> -> memref<240x128xf32, #tpu.memory_space<hbm>>
    %dma_start3A_13 = arith.constant 0 : i32
    %dma_start3A_14 = tpu.memref_slice %arg4[%add3A_10, %dma_start3A_13] : memref<61440x128xf32, #tpu.memory_space<hbm>> -> memref<240x128xf32, #tpu.memory_space<hbm>>
    tpu.enqueue_dma source(%arg7 : memref<240x128xf32, #tpu.memory_space<vmem>>) target(%dma_start3A_14 : memref<240x128xf32, #tpu.memory_space<hbm>>) target_semaphore(%arg10 : memref<!tpu.dma_semaphore, #tpu.memory_space<semaphore_mem>>)
    %dma_start3A_15 = arith.constant 0 : i32
    %dma_start3A_16 = arith.constant 0 : i32
    %dma_start3A_17 = tpu.memref_slice %arg2[%dma_start3A_15, %dma_start3A_16] : memref<4096x128xf32, #tpu.memory_space<hbm>> -> memref<4096x128xf32, #tpu.memory_space<hbm>>
    tpu.enqueue_indirect_dma source(%dma_start3A_17 : memref<4096x128xf32, #tpu.memory_space<hbm>>) target(%arg8 : memref<240x128xf32, #tpu.memory_space<vmem>>) offsets(%arg6 : memref<240xi32, #tpu.memory_space<vmem>>) semaphore(%arg9 : memref<!tpu.dma_semaphore, #tpu.memory_space<semaphore_mem>>)
    %add3A_18 = arith.constant 480 : i32
    %add3A_19 = arith.addi %mul3A_2, %add3A_18 : i32
    "tpu.region"() ({
      %run_scoped3A = tpu.sem_alloc : memref<!tpu.dma_semaphore, #tpu.memory_space<semaphore_mem>>
      %dma_start3A_143 = tpu.memref_slice %arg3[%add3A_19] : memref<61440xi32, #tpu.memory_space<hbm>> -> memref<240xi32, #tpu.memory_space<hbm>>
      %dma_start3A_144 = tpu.memref_slice %arg3[%add3A_19] : memref<61440xi32, #tpu.memory_space<hbm>> -> memref<240xi32, #tpu.memory_space<hbm>>
      tpu.enqueue_dma source(%dma_start3A_144 : memref<240xi32, #tpu.memory_space<hbm>>) target(%arg5 : memref<240xi32, #tpu.memory_space<vmem>>) target_semaphore(%run_scoped3A : memref<!tpu.dma_semaphore, #tpu.memory_space<semaphore_mem>>)
      %dma_wait3A_145 = tpu.memref_slice %arg3[%add3A_19] : memref<61440xi32, #tpu.memory_space<hbm>> -> memref<240xi32, #tpu.memory_space<hbm>>
      %dma_wait3A_146 = tpu.memref_slice %arg3[%add3A_19] : memref<61440xi32, #tpu.memory_space<hbm>> -> memref<240xi32, #tpu.memory_space<hbm>>
      tpu.wait_dma2 semaphore(%run_scoped3A : memref<!tpu.dma_semaphore, #tpu.memory_space<semaphore_mem>>) src(%dma_wait3A_146 : memref<240xi32, #tpu.memory_space<hbm>>) dst(%arg5 : memref<240xi32, #tpu.memory_space<vmem>>)
      tpu.yield
    }) : () -> ()
    %dma_wait3A_20 = arith.constant 0 : i32
    %dma_wait3A_21 = arith.constant 0 : i32
    %dma_wait3A_22 = tpu.memref_slice %arg2[%dma_wait3A_20, %dma_wait3A_21] : memref<4096x128xf32, #tpu.memory_space<hbm>> -> memref<4096x128xf32, #tpu.memory_space<hbm>>
    tpu.wait_indirect_dma semaphore(%arg9 : memref<!tpu.dma_semaphore, #tpu.memory_space<semaphore_mem>>) src(%dma_wait3A_22 : memref<4096x128xf32, #tpu.memory_space<hbm>>) dst(%arg8 : memref<240x128xf32, #tpu.memory_space<vmem>>)
    %add3A_23 = arith.constant 240 : i32
    %add3A_24 = arith.addi %mul3A_2, %add3A_23 : i32
    %dma_start3A_25 = arith.constant 0 : i32
    %dma_start3A_26 = tpu.memref_slice %arg4[%add3A_24, %dma_start3A_25] : memref<61440x128xf32, #tpu.memory_space<hbm>> -> memref<240x128xf32, #tpu.memory_space<hbm>>
    %dma_start3A_27 = arith.constant 0 : i32
    %dma_start3A_28 = tpu.memref_slice %arg4[%add3A_24, %dma_start3A_27] : memref<61440x128xf32, #tpu.memory_space<hbm>> -> memref<240x128xf32, #tpu.memory_space<hbm>>
    tpu.enqueue_dma source(%arg8 : memref<240x128xf32, #tpu.memory_space<vmem>>) target(%dma_start3A_28 : memref<240x128xf32, #tpu.memory_space<hbm>>) target_semaphore(%arg11 : memref<!tpu.dma_semaphore, #tpu.memory_space<semaphore_mem>>)
    %dma_wait3A_29 = arith.constant 0 : i32
    %dma_wait3A_30 = tpu.memref_slice %arg4[%add3A_10, %dma_wait3A_29] : memref<61440x128xf32, #tpu.memory_space<hbm>> -> memref<240x128xf32, #tpu.memory_space<hbm>>
    %dma_wait3A_31 = arith.constant 0 : i32
    %dma_wait3A_32 = tpu.memref_slice %arg4[%add3A_10, %dma_wait3A_31] : memref<61440x128xf32, #tpu.memory_space<hbm>> -> memref<240x128xf32, #tpu.memory_space<hbm>>
    tpu.wait_dma2 semaphore(%arg10 : memref<!tpu.dma_semaphore, #tpu.memory_space<semaphore_mem>>) src(%arg7 : memref<240x128xf32, #tpu.memory_space<vmem>>) dst(%dma_wait3A_32 : memref<240x128xf32, #tpu.memory_space<hbm>>)
    %dma_start3A_33 = arith.constant 0 : i32
    %dma_start3A_34 = arith.constant 0 : i32
    %dma_start3A_35 = tpu.memref_slice %arg2[%dma_start3A_33, %dma_start3A_34] : memref<4096x128xf32, #tpu.memory_space<hbm>> -> memref<4096x128xf32, #tpu.memory_space<hbm>>
    tpu.enqueue_indirect_dma source(%dma_start3A_35 : memref<4096x128xf32, #tpu.memory_space<hbm>>) target(%arg7 : memref<240x128xf32, #tpu.memory_space<vmem>>) offsets(%arg5 : memref<240xi32, #tpu.memory_space<vmem>>) semaphore(%arg9 : memref<!tpu.dma_semaphore, #tpu.memory_space<semaphore_mem>>)
    %add3A_36 = arith.constant 720 : i32
    %add3A_37 = arith.addi %mul3A_2, %add3A_36 : i32
    "tpu.region"() ({
      %run_scoped3A = tpu.sem_alloc : memref<!tpu.dma_semaphore, #tpu.memory_space<semaphore_mem>>
      %dma_start3A_143 = tpu.memref_slice %arg3[%add3A_37] : memref<61440xi32, #tpu.memory_space<hbm>> -> memref<240xi32, #tpu.memory_space<hbm>>
      %dma_start3A_144 = tpu.memref_slice %arg3[%add3A_37] : memref<61440xi32, #tpu.memory_space<hbm>> -> memref<240xi32, #tpu.memory_space<hbm>>
      tpu.enqueue_dma source(%dma_start3A_144 : memref<240xi32, #tpu.memory_space<hbm>>) target(%arg6 : memref<240xi32, #tpu.memory_space<vmem>>) target_semaphore(%run_scoped3A : memref<!tpu.dma_semaphore, #tpu.memory_space<semaphore_mem>>)
      %dma_wait3A_145 = tpu.memref_slice %arg3[%add3A_37] : memref<61440xi32, #tpu.memory_space<hbm>> -> memref<240xi32, #tpu.memory_space<hbm>>
      %dma_wait3A_146 = tpu.memref_slice %arg3[%add3A_37] : memref<61440xi32, #tpu.memory_space<hbm>> -> memref<240xi32, #tpu.memory_space<hbm>>
      tpu.wait_dma2 semaphore(%run_scoped3A : memref<!tpu.dma_semaphore, #tpu.memory_space<semaphore_mem>>) src(%dma_wait3A_146 : memref<240xi32, #tpu.memory_space<hbm>>) dst(%arg6 : memref<240xi32, #tpu.memory_space<vmem>>)
      tpu.yield
    }) : () -> ()
    %dma_wait3A_38 = arith.constant 0 : i32
    %dma_wait3A_39 = arith.constant 0 : i32
    %dma_wait3A_40 = tpu.memref_slice %arg2[%dma_wait3A_38, %dma_wait3A_39] : memref<4096x128xf32, #tpu.memory_space<hbm>> -> memref<4096x128xf32, #tpu.memory_space<hbm>>
    tpu.wait_indirect_dma semaphore(%arg9 : memref<!tpu.dma_semaphore, #tpu.memory_space<semaphore_mem>>) src(%dma_wait3A_40 : memref<4096x128xf32, #tpu.memory_space<hbm>>) dst(%arg7 : memref<240x128xf32, #tpu.memory_space<vmem>>)
    %add3A_41 = arith.constant 480 : i32
    %add3A_42 = arith.addi %mul3A_2, %add3A_41 : i32
    %dma_start3A_43 = arith.constant 0 : i32
    %dma_start3A_44 = tpu.memref_slice %arg4[%add3A_42, %dma_start3A_43] : memref<61440x128xf32, #tpu.memory_space<hbm>> -> memref<240x128xf32, #tpu.memory_space<hbm>>
    %dma_start3A_45 = arith.constant 0 : i32
    %dma_start3A_46 = tpu.memref_slice %arg4[%add3A_42, %dma_start3A_45] : memref<61440x128xf32, #tpu.memory_space<hbm>> -> memref<240x128xf32, #tpu.memory_space<hbm>>
    tpu.enqueue_dma source(%arg7 : memref<240x128xf32, #tpu.memory_space<vmem>>) target(%dma_start3A_46 : memref<240x128xf32, #tpu.memory_space<hbm>>) target_semaphore(%arg10 : memref<!tpu.dma_semaphore, #tpu.memory_space<semaphore_mem>>)
    %dma_wait3A_47 = arith.constant 0 : i32
    %dma_wait3A_48 = tpu.memref_slice %arg4[%add3A_24, %dma_wait3A_47] : memref<61440x128xf32, #tpu.memory_space<hbm>> -> memref<240x128xf32, #tpu.memory_space<hbm>>
    %dma_wait3A_49 = arith.constant 0 : i32
    %dma_wait3A_50 = tpu.memref_slice %arg4[%add3A_24, %dma_wait3A_49] : memref<61440x128xf32, #tpu.memory_space<hbm>> -> memref<240x128xf32, #tpu.memory_space<hbm>>
    tpu.wait_dma2 semaphore(%arg11 : memref<!tpu.dma_semaphore, #tpu.memory_space<semaphore_mem>>) src(%arg8 : memref<240x128xf32, #tpu.memory_space<vmem>>) dst(%dma_wait3A_50 : memref<240x128xf32, #tpu.memory_space<hbm>>)
    %dma_start3A_51 = arith.constant 0 : i32
    %dma_start3A_52 = arith.constant 0 : i32
    %dma_start3A_53 = tpu.memref_slice %arg2[%dma_start3A_51, %dma_start3A_52] : memref<4096x128xf32, #tpu.memory_space<hbm>> -> memref<4096x128xf32, #tpu.memory_space<hbm>>
    tpu.enqueue_indirect_dma source(%dma_start3A_53 : memref<4096x128xf32, #tpu.memory_space<hbm>>) target(%arg8 : memref<240x128xf32, #tpu.memory_space<vmem>>) offsets(%arg6 : memref<240xi32, #tpu.memory_space<vmem>>) semaphore(%arg9 : memref<!tpu.dma_semaphore, #tpu.memory_space<semaphore_mem>>)
    %add3A_54 = arith.constant 960 : i32
    %add3A_55 = arith.addi %mul3A_2, %add3A_54 : i32
    "tpu.region"() ({
      %run_scoped3A = tpu.sem_alloc : memref<!tpu.dma_semaphore, #tpu.memory_space<semaphore_mem>>
      %dma_start3A_143 = tpu.memref_slice %arg3[%add3A_55] : memref<61440xi32, #tpu.memory_space<hbm>> -> memref<240xi32, #tpu.memory_space<hbm>>
      %dma_start3A_144 = tpu.memref_slice %arg3[%add3A_55] : memref<61440xi32, #tpu.memory_space<hbm>> -> memref<240xi32, #tpu.memory_space<hbm>>
      tpu.enqueue_dma source(%dma_start3A_144 : memref<240xi32, #tpu.memory_space<hbm>>) target(%arg5 : memref<240xi32, #tpu.memory_space<vmem>>) target_semaphore(%run_scoped3A : memref<!tpu.dma_semaphore, #tpu.memory_space<semaphore_mem>>)
      %dma_wait3A_145 = tpu.memref_slice %arg3[%add3A_55] : memref<61440xi32, #tpu.memory_space<hbm>> -> memref<240xi32, #tpu.memory_space<hbm>>
      %dma_wait3A_146 = tpu.memref_slice %arg3[%add3A_55] : memref<61440xi32, #tpu.memory_space<hbm>> -> memref<240xi32, #tpu.memory_space<hbm>>
      tpu.wait_dma2 semaphore(%run_scoped3A : memref<!tpu.dma_semaphore, #tpu.memory_space<semaphore_mem>>) src(%dma_wait3A_146 : memref<240xi32, #tpu.memory_space<hbm>>) dst(%arg5 : memref<240xi32, #tpu.memory_space<vmem>>)
      tpu.yield
    }) : () -> ()
    %dma_wait3A_56 = arith.constant 0 : i32
    %dma_wait3A_57 = arith.constant 0 : i32
    %dma_wait3A_58 = tpu.memref_slice %arg2[%dma_wait3A_56, %dma_wait3A_57] : memref<4096x128xf32, #tpu.memory_space<hbm>> -> memref<4096x128xf32, #tpu.memory_space<hbm>>
    tpu.wait_indirect_dma semaphore(%arg9 : memref<!tpu.dma_semaphore, #tpu.memory_space<semaphore_mem>>) src(%dma_wait3A_58 : memref<4096x128xf32, #tpu.memory_space<hbm>>) dst(%arg8 : memref<240x128xf32, #tpu.memory_space<vmem>>)
    %add3A_59 = arith.constant 720 : i32
    %add3A_60 = arith.addi %mul3A_2, %add3A_59 : i32
    %dma_start3A_61 = arith.constant 0 : i32
    %dma_start3A_62 = tpu.memref_slice %arg4[%add3A_60, %dma_start3A_61] : memref<61440x128xf32, #tpu.memory_space<hbm>> -> memref<240x128xf32, #tpu.memory_space<hbm>>
    %dma_start3A_63 = arith.constant 0 : i32
    %dma_start3A_64 = tpu.memref_slice %arg4[%add3A_60, %dma_start3A_63] : memref<61440x128xf32, #tpu.memory_space<hbm>> -> memref<240x128xf32, #tpu.memory_space<hbm>>
    tpu.enqueue_dma source(%arg8 : memref<240x128xf32, #tpu.memory_space<vmem>>) target(%dma_start3A_64 : memref<240x128xf32, #tpu.memory_space<hbm>>) target_semaphore(%arg11 : memref<!tpu.dma_semaphore, #tpu.memory_space<semaphore_mem>>)
    %dma_wait3A_65 = arith.constant 0 : i32
    %dma_wait3A_66 = tpu.memref_slice %arg4[%add3A_42, %dma_wait3A_65] : memref<61440x128xf32, #tpu.memory_space<hbm>> -> memref<240x128xf32, #tpu.memory_space<hbm>>
    %dma_wait3A_67 = arith.constant 0 : i32
    %dma_wait3A_68 = tpu.memref_slice %arg4[%add3A_42, %dma_wait3A_67] : memref<61440x128xf32, #tpu.memory_space<hbm>> -> memref<240x128xf32, #tpu.memory_space<hbm>>
    tpu.wait_dma2 semaphore(%arg10 : memref<!tpu.dma_semaphore, #tpu.memory_space<semaphore_mem>>) src(%arg7 : memref<240x128xf32, #tpu.memory_space<vmem>>) dst(%dma_wait3A_68 : memref<240x128xf32, #tpu.memory_space<hbm>>)
    %dma_start3A_69 = arith.constant 0 : i32
    %dma_start3A_70 = arith.constant 0 : i32
    %dma_start3A_71 = tpu.memref_slice %arg2[%dma_start3A_69, %dma_start3A_70] : memref<4096x128xf32, #tpu.memory_space<hbm>> -> memref<4096x128xf32, #tpu.memory_space<hbm>>
    tpu.enqueue_indirect_dma source(%dma_start3A_71 : memref<4096x128xf32, #tpu.memory_space<hbm>>) target(%arg7 : memref<240x128xf32, #tpu.memory_space<vmem>>) offsets(%arg5 : memref<240xi32, #tpu.memory_space<vmem>>) semaphore(%arg9 : memref<!tpu.dma_semaphore, #tpu.memory_space<semaphore_mem>>)
    %add3A_72 = arith.constant 1200 : i32
    %add3A_73 = arith.addi %mul3A_2, %add3A_72 : i32
    "tpu.region"() ({
      %run_scoped3A = tpu.sem_alloc : memref<!tpu.dma_semaphore, #tpu.memory_space<semaphore_mem>>
      %dma_start3A_143 = tpu.memref_slice %arg3[%add3A_73] : memref<61440xi32, #tpu.memory_space<hbm>> -> memref<240xi32, #tpu.memory_space<hbm>>
      %dma_start3A_144 = tpu.memref_slice %arg3[%add3A_73] : memref<61440xi32, #tpu.memory_space<hbm>> -> memref<240xi32, #tpu.memory_space<hbm>>
      tpu.enqueue_dma source(%dma_start3A_144 : memref<240xi32, #tpu.memory_space<hbm>>) target(%arg6 : memref<240xi32, #tpu.memory_space<vmem>>) target_semaphore(%run_scoped3A : memref<!tpu.dma_semaphore, #tpu.memory_space<semaphore_mem>>)
      %dma_wait3A_145 = tpu.memref_slice %arg3[%add3A_73] : memref<61440xi32, #tpu.memory_space<hbm>> -> memref<240xi32, #tpu.memory_space<hbm>>
      %dma_wait3A_146 = tpu.memref_slice %arg3[%add3A_73] : memref<61440xi32, #tpu.memory_space<hbm>> -> memref<240xi32, #tpu.memory_space<hbm>>
      tpu.wait_dma2 semaphore(%run_scoped3A : memref<!tpu.dma_semaphore, #tpu.memory_space<semaphore_mem>>) src(%dma_wait3A_146 : memref<240xi32, #tpu.memory_space<hbm>>) dst(%arg6 : memref<240xi32, #tpu.memory_space<vmem>>)
      tpu.yield
    }) : () -> ()
    %dma_wait3A_74 = arith.constant 0 : i32
    %dma_wait3A_75 = arith.constant 0 : i32
    %dma_wait3A_76 = tpu.memref_slice %arg2[%dma_wait3A_74, %dma_wait3A_75] : memref<4096x128xf32, #tpu.memory_space<hbm>> -> memref<4096x128xf32, #tpu.memory_space<hbm>>
    tpu.wait_indirect_dma semaphore(%arg9 : memref<!tpu.dma_semaphore, #tpu.memory_space<semaphore_mem>>) src(%dma_wait3A_76 : memref<4096x128xf32, #tpu.memory_space<hbm>>) dst(%arg7 : memref<240x128xf32, #tpu.memory_space<vmem>>)
    %add3A_77 = arith.constant 960 : i32
    %add3A_78 = arith.addi %mul3A_2, %add3A_77 : i32
    %dma_start3A_79 = arith.constant 0 : i32
    %dma_start3A_80 = tpu.memref_slice %arg4[%add3A_78, %dma_start3A_79] : memref<61440x128xf32, #tpu.memory_space<hbm>> -> memref<240x128xf32, #tpu.memory_space<hbm>>
    %dma_start3A_81 = arith.constant 0 : i32
    %dma_start3A_82 = tpu.memref_slice %arg4[%add3A_78, %dma_start3A_81] : memref<61440x128xf32, #tpu.memory_space<hbm>> -> memref<240x128xf32, #tpu.memory_space<hbm>>
    tpu.enqueue_dma source(%arg7 : memref<240x128xf32, #tpu.memory_space<vmem>>) target(%dma_start3A_82 : memref<240x128xf32, #tpu.memory_space<hbm>>) target_semaphore(%arg10 : memref<!tpu.dma_semaphore, #tpu.memory_space<semaphore_mem>>)
    %dma_wait3A_83 = arith.constant 0 : i32
    %dma_wait3A_84 = tpu.memref_slice %arg4[%add3A_60, %dma_wait3A_83] : memref<61440x128xf32, #tpu.memory_space<hbm>> -> memref<240x128xf32, #tpu.memory_space<hbm>>
    %dma_wait3A_85 = arith.constant 0 : i32
    %dma_wait3A_86 = tpu.memref_slice %arg4[%add3A_60, %dma_wait3A_85] : memref<61440x128xf32, #tpu.memory_space<hbm>> -> memref<240x128xf32, #tpu.memory_space<hbm>>
    tpu.wait_dma2 semaphore(%arg11 : memref<!tpu.dma_semaphore, #tpu.memory_space<semaphore_mem>>) src(%arg8 : memref<240x128xf32, #tpu.memory_space<vmem>>) dst(%dma_wait3A_86 : memref<240x128xf32, #tpu.memory_space<hbm>>)
    %dma_start3A_87 = arith.constant 0 : i32
    %dma_start3A_88 = arith.constant 0 : i32
    %dma_start3A_89 = tpu.memref_slice %arg2[%dma_start3A_87, %dma_start3A_88] : memref<4096x128xf32, #tpu.memory_space<hbm>> -> memref<4096x128xf32, #tpu.memory_space<hbm>>
    tpu.enqueue_indirect_dma source(%dma_start3A_89 : memref<4096x128xf32, #tpu.memory_space<hbm>>) target(%arg8 : memref<240x128xf32, #tpu.memory_space<vmem>>) offsets(%arg6 : memref<240xi32, #tpu.memory_space<vmem>>) semaphore(%arg9 : memref<!tpu.dma_semaphore, #tpu.memory_space<semaphore_mem>>)
    %add3A_90 = arith.constant 1440 : i32
    %add3A_91 = arith.addi %mul3A_2, %add3A_90 : i32
    "tpu.region"() ({
      %run_scoped3A = tpu.sem_alloc : memref<!tpu.dma_semaphore, #tpu.memory_space<semaphore_mem>>
      %dma_start3A_143 = tpu.memref_slice %arg3[%add3A_91] : memref<61440xi32, #tpu.memory_space<hbm>> -> memref<240xi32, #tpu.memory_space<hbm>>
      %dma_start3A_144 = tpu.memref_slice %arg3[%add3A_91] : memref<61440xi32, #tpu.memory_space<hbm>> -> memref<240xi32, #tpu.memory_space<hbm>>
      tpu.enqueue_dma source(%dma_start3A_144 : memref<240xi32, #tpu.memory_space<hbm>>) target(%arg5 : memref<240xi32, #tpu.memory_space<vmem>>) target_semaphore(%run_scoped3A : memref<!tpu.dma_semaphore, #tpu.memory_space<semaphore_mem>>)
      %dma_wait3A_145 = tpu.memref_slice %arg3[%add3A_91] : memref<61440xi32, #tpu.memory_space<hbm>> -> memref<240xi32, #tpu.memory_space<hbm>>
      %dma_wait3A_146 = tpu.memref_slice %arg3[%add3A_91] : memref<61440xi32, #tpu.memory_space<hbm>> -> memref<240xi32, #tpu.memory_space<hbm>>
      tpu.wait_dma2 semaphore(%run_scoped3A : memref<!tpu.dma_semaphore, #tpu.memory_space<semaphore_mem>>) src(%dma_wait3A_146 : memref<240xi32, #tpu.memory_space<hbm>>) dst(%arg5 : memref<240xi32, #tpu.memory_space<vmem>>)
      tpu.yield
    }) : () -> ()
    %dma_wait3A_92 = arith.constant 0 : i32
    %dma_wait3A_93 = arith.constant 0 : i32
    %dma_wait3A_94 = tpu.memref_slice %arg2[%dma_wait3A_92, %dma_wait3A_93] : memref<4096x128xf32, #tpu.memory_space<hbm>> -> memref<4096x128xf32, #tpu.memory_space<hbm>>
    tpu.wait_indirect_dma semaphore(%arg9 : memref<!tpu.dma_semaphore, #tpu.memory_space<semaphore_mem>>) src(%dma_wait3A_94 : memref<4096x128xf32, #tpu.memory_space<hbm>>) dst(%arg8 : memref<240x128xf32, #tpu.memory_space<vmem>>)
    %add3A_95 = arith.constant 1200 : i32
    %add3A_96 = arith.addi %mul3A_2, %add3A_95 : i32
    %dma_start3A_97 = arith.constant 0 : i32
    %dma_start3A_98 = tpu.memref_slice %arg4[%add3A_96, %dma_start3A_97] : memref<61440x128xf32, #tpu.memory_space<hbm>> -> memref<240x128xf32, #tpu.memory_space<hbm>>
    %dma_start3A_99 = arith.constant 0 : i32
    %dma_start3A_100 = tpu.memref_slice %arg4[%add3A_96, %dma_start3A_99] : memref<61440x128xf32, #tpu.memory_space<hbm>> -> memref<240x128xf32, #tpu.memory_space<hbm>>
    tpu.enqueue_dma source(%arg8 : memref<240x128xf32, #tpu.memory_space<vmem>>) target(%dma_start3A_100 : memref<240x128xf32, #tpu.memory_space<hbm>>) target_semaphore(%arg11 : memref<!tpu.dma_semaphore, #tpu.memory_space<semaphore_mem>>)
    %dma_wait3A_101 = arith.constant 0 : i32
    %dma_wait3A_102 = tpu.memref_slice %arg4[%add3A_78, %dma_wait3A_101] : memref<61440x128xf32, #tpu.memory_space<hbm>> -> memref<240x128xf32, #tpu.memory_space<hbm>>
    %dma_wait3A_103 = arith.constant 0 : i32
    %dma_wait3A_104 = tpu.memref_slice %arg4[%add3A_78, %dma_wait3A_103] : memref<61440x128xf32, #tpu.memory_space<hbm>> -> memref<240x128xf32, #tpu.memory_space<hbm>>
    tpu.wait_dma2 semaphore(%arg10 : memref<!tpu.dma_semaphore, #tpu.memory_space<semaphore_mem>>) src(%arg7 : memref<240x128xf32, #tpu.memory_space<vmem>>) dst(%dma_wait3A_104 : memref<240x128xf32, #tpu.memory_space<hbm>>)
    %dma_start3A_105 = arith.constant 0 : i32
    %dma_start3A_106 = arith.constant 0 : i32
    %dma_start3A_107 = tpu.memref_slice %arg2[%dma_start3A_105, %dma_start3A_106] : memref<4096x128xf32, #tpu.memory_space<hbm>> -> memref<4096x128xf32, #tpu.memory_space<hbm>>
    tpu.enqueue_indirect_dma source(%dma_start3A_107 : memref<4096x128xf32, #tpu.memory_space<hbm>>) target(%arg7 : memref<240x128xf32, #tpu.memory_space<vmem>>) offsets(%arg5 : memref<240xi32, #tpu.memory_space<vmem>>) semaphore(%arg9 : memref<!tpu.dma_semaphore, #tpu.memory_space<semaphore_mem>>)
    %add3A_108 = arith.constant 1680 : i32
    %add3A_109 = arith.addi %mul3A_2, %add3A_108 : i32
    "tpu.region"() ({
      %run_scoped3A = tpu.sem_alloc : memref<!tpu.dma_semaphore, #tpu.memory_space<semaphore_mem>>
      %dma_start3A_143 = tpu.memref_slice %arg3[%add3A_109] : memref<61440xi32, #tpu.memory_space<hbm>> -> memref<240xi32, #tpu.memory_space<hbm>>
      %dma_start3A_144 = tpu.memref_slice %arg3[%add3A_109] : memref<61440xi32, #tpu.memory_space<hbm>> -> memref<240xi32, #tpu.memory_space<hbm>>
      tpu.enqueue_dma source(%dma_start3A_144 : memref<240xi32, #tpu.memory_space<hbm>>) target(%arg6 : memref<240xi32, #tpu.memory_space<vmem>>) target_semaphore(%run_scoped3A : memref<!tpu.dma_semaphore, #tpu.memory_space<semaphore_mem>>)
      %dma_wait3A_145 = tpu.memref_slice %arg3[%add3A_109] : memref<61440xi32, #tpu.memory_space<hbm>> -> memref<240xi32, #tpu.memory_space<hbm>>
      %dma_wait3A_146 = tpu.memref_slice %arg3[%add3A_109] : memref<61440xi32, #tpu.memory_space<hbm>> -> memref<240xi32, #tpu.memory_space<hbm>>
      tpu.wait_dma2 semaphore(%run_scoped3A : memref<!tpu.dma_semaphore, #tpu.memory_space<semaphore_mem>>) src(%dma_wait3A_146 : memref<240xi32, #tpu.memory_space<hbm>>) dst(%arg6 : memref<240xi32, #tpu.memory_space<vmem>>)
      tpu.yield
    }) : () -> ()
    %dma_wait3A_110 = arith.constant 0 : i32
    %dma_wait3A_111 = arith.constant 0 : i32
    %dma_wait3A_112 = tpu.memref_slice %arg2[%dma_wait3A_110, %dma_wait3A_111] : memref<4096x128xf32, #tpu.memory_space<hbm>> -> memref<4096x128xf32, #tpu.memory_space<hbm>>
    tpu.wait_indirect_dma semaphore(%arg9 : memref<!tpu.dma_semaphore, #tpu.memory_space<semaphore_mem>>) src(%dma_wait3A_112 : memref<4096x128xf32, #tpu.memory_space<hbm>>) dst(%arg7 : memref<240x128xf32, #tpu.memory_space<vmem>>)
    %add3A_113 = arith.constant 1440 : i32
    %add3A_114 = arith.addi %mul3A_2, %add3A_113 : i32
    %dma_start3A_115 = arith.constant 0 : i32
    %dma_start3A_116 = tpu.memref_slice %arg4[%add3A_114, %dma_start3A_115] : memref<61440x128xf32, #tpu.memory_space<hbm>> -> memref<240x128xf32, #tpu.memory_space<hbm>>
    %dma_start3A_117 = arith.constant 0 : i32
    %dma_start3A_118 = tpu.memref_slice %arg4[%add3A_114, %dma_start3A_117] : memref<61440x128xf32, #tpu.memory_space<hbm>> -> memref<240x128xf32, #tpu.memory_space<hbm>>
    tpu.enqueue_dma source(%arg7 : memref<240x128xf32, #tpu.memory_space<vmem>>) target(%dma_start3A_118 : memref<240x128xf32, #tpu.memory_space<hbm>>) target_semaphore(%arg10 : memref<!tpu.dma_semaphore, #tpu.memory_space<semaphore_mem>>)
    %dma_wait3A_119 = arith.constant 0 : i32
    %dma_wait3A_120 = tpu.memref_slice %arg4[%add3A_96, %dma_wait3A_119] : memref<61440x128xf32, #tpu.memory_space<hbm>> -> memref<240x128xf32, #tpu.memory_space<hbm>>
    %dma_wait3A_121 = arith.constant 0 : i32
    %dma_wait3A_122 = tpu.memref_slice %arg4[%add3A_96, %dma_wait3A_121] : memref<61440x128xf32, #tpu.memory_space<hbm>> -> memref<240x128xf32, #tpu.memory_space<hbm>>
    tpu.wait_dma2 semaphore(%arg11 : memref<!tpu.dma_semaphore, #tpu.memory_space<semaphore_mem>>) src(%arg8 : memref<240x128xf32, #tpu.memory_space<vmem>>) dst(%dma_wait3A_122 : memref<240x128xf32, #tpu.memory_space<hbm>>)
    %dma_start3A_123 = arith.constant 0 : i32
    %dma_start3A_124 = arith.constant 0 : i32
    %dma_start3A_125 = tpu.memref_slice %arg2[%dma_start3A_123, %dma_start3A_124] : memref<4096x128xf32, #tpu.memory_space<hbm>> -> memref<4096x128xf32, #tpu.memory_space<hbm>>
    tpu.enqueue_indirect_dma source(%dma_start3A_125 : memref<4096x128xf32, #tpu.memory_space<hbm>>) target(%arg8 : memref<240x128xf32, #tpu.memory_space<vmem>>) offsets(%arg6 : memref<240xi32, #tpu.memory_space<vmem>>) semaphore(%arg9 : memref<!tpu.dma_semaphore, #tpu.memory_space<semaphore_mem>>)
    %dma_wait3A_126 = arith.constant 0 : i32
    %dma_wait3A_127 = arith.constant 0 : i32
    %dma_wait3A_128 = tpu.memref_slice %arg2[%dma_wait3A_126, %dma_wait3A_127] : memref<4096x128xf32, #tpu.memory_space<hbm>> -> memref<4096x128xf32, #tpu.memory_space<hbm>>
    tpu.wait_indirect_dma semaphore(%arg9 : memref<!tpu.dma_semaphore, #tpu.memory_space<semaphore_mem>>) src(%dma_wait3A_128 : memref<4096x128xf32, #tpu.memory_space<hbm>>) dst(%arg8 : memref<240x128xf32, #tpu.memory_space<vmem>>)
    %add3A_129 = arith.constant 1680 : i32
    %add3A_130 = arith.addi %mul3A_2, %add3A_129 : i32
    %dma_start3A_131 = arith.constant 0 : i32
    %dma_start3A_132 = tpu.memref_slice %arg4[%add3A_130, %dma_start3A_131] : memref<61440x128xf32, #tpu.memory_space<hbm>> -> memref<240x128xf32, #tpu.memory_space<hbm>>
    %dma_start3A_133 = arith.constant 0 : i32
    %dma_start3A_134 = tpu.memref_slice %arg4[%add3A_130, %dma_start3A_133] : memref<61440x128xf32, #tpu.memory_space<hbm>> -> memref<240x128xf32, #tpu.memory_space<hbm>>
    tpu.enqueue_dma source(%arg8 : memref<240x128xf32, #tpu.memory_space<vmem>>) target(%dma_start3A_134 : memref<240x128xf32, #tpu.memory_space<hbm>>) target_semaphore(%arg11 : memref<!tpu.dma_semaphore, #tpu.memory_space<semaphore_mem>>)
    %dma_wait3A_135 = arith.constant 0 : i32
    %dma_wait3A_136 = tpu.memref_slice %arg4[%add3A_114, %dma_wait3A_135] : memref<61440x128xf32, #tpu.memory_space<hbm>> -> memref<240x128xf32, #tpu.memory_space<hbm>>
    %dma_wait3A_137 = arith.constant 0 : i32
    %dma_wait3A_138 = tpu.memref_slice %arg4[%add3A_114, %dma_wait3A_137] : memref<61440x128xf32, #tpu.memory_space<hbm>> -> memref<240x128xf32, #tpu.memory_space<hbm>>
    tpu.wait_dma2 semaphore(%arg10 : memref<!tpu.dma_semaphore, #tpu.memory_space<semaphore_mem>>) src(%arg7 : memref<240x128xf32, #tpu.memory_space<vmem>>) dst(%dma_wait3A_138 : memref<240x128xf32, #tpu.memory_space<hbm>>)
    %dma_wait3A_139 = arith.constant 0 : i32
    %dma_wait3A_140 = tpu.memref_slice %arg4[%add3A_130, %dma_wait3A_139] : memref<61440x128xf32, #tpu.memory_space<hbm>> -> memref<240x128xf32, #tpu.memory_space<hbm>>
    %dma_wait3A_141 = arith.constant 0 : i32
    %dma_wait3A_142 = tpu.memref_slice %arg4[%add3A_130, %dma_wait3A_141] : memref<61440x128xf32, #tpu.memory_space<hbm>> -> memref<240x128xf32, #tpu.memory_space<hbm>>
    tpu.wait_dma2 semaphore(%arg11 : memref<!tpu.dma_semaphore, #tpu.memory_space<semaphore_mem>>) src(%arg8 : memref<240x128xf32, #tpu.memory_space<vmem>>) dst(%dma_wait3A_142 : memref<240x128xf32, #tpu.memory_space<hbm>>)
    return
  }
}

module attributes {stable_mosaic.version = 14 : i64} {
  func.func @_tc_body(%arg0: i32, %arg1: memref<2x128x128xf32, #tpu.memory_space<vmem>>, %arg2: memref<2x30x128x128xf32, #tpu.memory_space<vmem>>, %arg3: memref<30x95x2x128xf32, #tpu.memory_space<vmem>>, %arg4: memref<32x128xf32, #tpu.memory_space<vmem>>, %arg5: memref<128x128xf32, #tpu.memory_space<vmem>>, %arg6: memref<9x128xf32, #tpu.memory_space<vmem>>, %arg7: memref<95x128xf32, #tpu.memory_space<vmem>>, %arg8: memref<1x128xf32, #tpu.memory_space<vmem>>, %arg9: memref<128x33xf32, #tpu.memory_space<vmem>>, %arg10: memref<1x33xf32, #tpu.memory_space<vmem>>, %arg11: memref<32x128xf32, #tpu.memory_space<vmem>>, %arg12: memref<1x128xf32, #tpu.memory_space<vmem>>, %arg13: memref<1x128xf32, #tpu.memory_space<vmem>>, %arg14: memref<1x1xf32, #tpu.memory_space<vmem>>, %arg15: memref<32x128xf32, #tpu.memory_space<vmem>>, %arg16: memref<32x128xf32, #tpu.memory_space<vmem>>, %arg17: memref<1x128xf32, #tpu.memory_space<vmem>>, %arg18: memref<128x32xf32, #tpu.memory_space<vmem>>, %arg19: memref<1x32xf32, #tpu.memory_space<vmem>>, %arg20: memref<1x32xf32, #tpu.memory_space<vmem>>, %arg21: memref<1x32xf32, #tpu.memory_space<vmem>>, %arg22: memref<1x1xf32, #tpu.memory_space<vmem>>, %arg23: memref<2x128x32xf32, #tpu.memory_space<vmem>>, %arg24: memref<2x128x3xf32, #tpu.memory_space<vmem>>) attributes {dimension_semantics = [#tpu.dimension_semantics<parallel>], iteration_bounds = array<i64: 8>, scalar_prefetch = 0 : i64, scratch_operands = 0 : i64, tpu.core_type = #tpu.core_type<tc>, window_params = [{transform_indices = @transform_0, window_bounds = array<i64: 2, 128, 128>}, {transform_indices = @transform_1, window_bounds = array<i64: 2, 30, 128, 128>}, {transform_indices = @transform_2, window_bounds = array<i64: 30, 95, 2, 128>}, {pipeline_mode = #tpu.pipeline_mode<synchronous>, transform_indices = @transform_3, window_bounds = array<i64: 32, 128>}, {pipeline_mode = #tpu.pipeline_mode<synchronous>, transform_indices = @transform_4, window_bounds = array<i64: 128, 128>}, {pipeline_mode = #tpu.pipeline_mode<synchronous>, transform_indices = @transform_5, window_bounds = array<i64: 9, 128>}, {pipeline_mode = #tpu.pipeline_mode<synchronous>, transform_indices = @transform_6, window_bounds = array<i64: 95, 128>}, {pipeline_mode = #tpu.pipeline_mode<synchronous>, transform_indices = @transform_7, window_bounds = array<i64: 1, 128>}, {pipeline_mode = #tpu.pipeline_mode<synchronous>, transform_indices = @transform_8, window_bounds = array<i64: 128, 33>}, {pipeline_mode = #tpu.pipeline_mode<synchronous>, transform_indices = @transform_9, window_bounds = array<i64: 1, 33>}, {pipeline_mode = #tpu.pipeline_mode<synchronous>, transform_indices = @transform_10, window_bounds = array<i64: 32, 128>}, {pipeline_mode = #tpu.pipeline_mode<synchronous>, transform_indices = @transform_11, window_bounds = array<i64: 1, 128>}, {pipeline_mode = #tpu.pipeline_mode<synchronous>, transform_indices = @transform_12, window_bounds = array<i64: 1, 128>}, {pipeline_mode = #tpu.pipeline_mode<synchronous>, transform_indices = @transform_13, window_bounds = array<i64: 1, 1>}, {pipeline_mode = #tpu.pipeline_mode<synchronous>, transform_indices = @transform_14, window_bounds = array<i64: 32, 128>}, {pipeline_mode = #tpu.pipeline_mode<synchronous>, transform_indices = @transform_15, window_bounds = array<i64: 32, 128>}, {pipeline_mode = #tpu.pipeline_mode<synchronous>, transform_indices = @transform_16, window_bounds = array<i64: 1, 128>}, {pipeline_mode = #tpu.pipeline_mode<synchronous>, transform_indices = @transform_17, window_bounds = array<i64: 128, 32>}, {pipeline_mode = #tpu.pipeline_mode<synchronous>, transform_indices = @transform_18, window_bounds = array<i64: 1, 32>}, {pipeline_mode = #tpu.pipeline_mode<synchronous>, transform_indices = @transform_19, window_bounds = array<i64: 1, 32>}, {pipeline_mode = #tpu.pipeline_mode<synchronous>, transform_indices = @transform_20, window_bounds = array<i64: 1, 32>}, {pipeline_mode = #tpu.pipeline_mode<synchronous>, transform_indices = @transform_21, window_bounds = array<i64: 1, 1>}, {transform_indices = @transform_22, window_bounds = array<i64: 2, 128, 32>}, {transform_indices = @transform_23, window_bounds = array<i64: 2, 128, 3>}]} {
    %get3A = arith.constant 0 : index
    %get3A_0 = arith.constant 0 : index
    %get3A_1 = arith.constant 0 : index
    %get3A_2 = vector.load %arg1[%get3A, %get3A_0, %get3A_1] : memref<2x128x128xf32, #tpu.memory_space<vmem>>, vector<2x128x128xf32>
    %slice3A = vector.extract_strided_slice %get3A_2 {offsets = [0, 0, 0], sizes = [2, 128, 32], strides = [1, 1, 1]} : vector<2x128x128xf32> to vector<2x128x32xf32>
    %reshape3A = vector.shape_cast %slice3A : vector<2x128x32xf32> to vector<256x32xf32>
    %slice3A_3 = vector.extract_strided_slice %get3A_2 {offsets = [0, 0, 32], sizes = [2, 128, 3], strides = [1, 1, 1]} : vector<2x128x128xf32> to vector<2x128x3xf32>
    %get3A_4 = arith.constant 0 : index
    %get3A_5 = arith.constant 0 : index
    %get3A_6 = arith.constant 0 : index
    %get3A_7 = arith.constant 0 : index
    %get3A_8 = vector.load %arg2[%get3A_4, %get3A_5, %get3A_6, %get3A_7] : memref<2x30x128x128xf32, #tpu.memory_space<vmem>>, vector<2x30x128x128xf32>
    %reshape3A_9 = vector.shape_cast %get3A_8 : vector<2x30x128x128xf32> to vector<7680x128xf32>
    %slice3A_10 = vector.extract_strided_slice %reshape3A_9 {offsets = [0, 32], sizes = [7680, 3], strides = [1, 1]} : vector<7680x128xf32> to vector<7680x3xf32>
    %get3A_11 = arith.constant 0 : index
    %get3A_12 = arith.constant 0 : index
    %get3A_13 = vector.load %arg4[%get3A_11, %get3A_12] : memref<32x128xf32, #tpu.memory_space<vmem>>, vector<32x128xf32>
    %dot_general3A = arith.constant dense<0.000000e+00> : vector<256x128xf32>
    %dot_general3A_14 = tpu.matmul %reshape3A, %get3A_13, %dot_general3A {dimension_numbers = #tpu.dot_dimension_numbers<[1], [0], [0], [1], [0, 0, 1, 1], [], []>, transpose_lhs_hint = false} : vector<256x32xf32>, vector<32x128xf32>, vector<256x128xf32> -> vector<256x128xf32>
    %reshape3A_15 = vector.shape_cast %dot_general3A_14 : vector<256x128xf32> to vector<2x1x128x128xf32>
    %broadcast_in_dim3A = vector.shape_cast %reshape3A_15 : vector<2x1x128x128xf32> to vector<2x1x128x128xf32>
    %broadcast_in_dim3A_16 = vector.broadcast %broadcast_in_dim3A : vector<2x1x128x128xf32> to vector<2x30x128x128xf32>
    %reshape3A_17 = vector.shape_cast %broadcast_in_dim3A_16 : vector<2x30x128x128xf32> to vector<7680x128xf32>
    %get3A_18 = arith.constant 0 : index
    %get3A_19 = arith.constant 0 : index
    %get3A_20 = vector.load %arg5[%get3A_18, %get3A_19] : memref<128x128xf32, #tpu.memory_space<vmem>>, vector<128x128xf32>
    %dot_general3A_21 = arith.constant dense<0.000000e+00> : vector<7680x128xf32>
    %dot_general3A_22 = tpu.matmul %reshape3A_9, %get3A_20, %dot_general3A_21 {dimension_numbers = #tpu.dot_dimension_numbers<[1], [0], [0], [1], [0, 0, 1, 1], [], []>, transpose_lhs_hint = false} : vector<7680x128xf32>, vector<128x128xf32>, vector<7680x128xf32> -> vector<7680x128xf32>
    %add3A = arith.addf %reshape3A_17, %dot_general3A_22 : vector<7680x128xf32>
    %get3A_23 = arith.constant 0 : index
    %get3A_24 = arith.constant 0 : index
    %get3A_25 = arith.constant 0 : index
    %get3A_26 = arith.constant 0 : index
    %get3A_27 = vector.load %arg3[%get3A_23, %get3A_24, %get3A_25, %get3A_26] : memref<30x95x2x128xf32, #tpu.memory_space<vmem>>, vector<30x95x1x128xf32>
    %get3A_28 = vector.shape_cast %get3A_27 : vector<30x95x1x128xf32> to vector<30x95x128xf32>
    %slice3A_29 = vector.extract_strided_slice %get3A_28 {offsets = [0, 0, 0], sizes = [1, 95, 128], strides = [1, 1, 1]} : vector<30x95x128xf32> to vector<1x95x128xf32>
    %squeeze3A = vector.shape_cast %slice3A_29 : vector<1x95x128xf32> to vector<95x128xf32>
    %get3A_30 = arith.constant 0 : index
    %get3A_31 = arith.constant 0 : index
    %get3A_32 = vector.load %arg7[%get3A_30, %get3A_31] : memref<95x128xf32, #tpu.memory_space<vmem>>, vector<95x128xf32>
    %dot_general3A_33 = arith.constant dense<0.000000e+00> : vector<128x128xf32>
    %dot_general3A_34 = tpu.matmul %squeeze3A, %get3A_32, %dot_general3A_33 {dimension_numbers = #tpu.dot_dimension_numbers<[0], [0], [1], [1], [0, 1, 1, 1], [], []>, transpose_lhs_hint = false} : vector<95x128xf32>, vector<95x128xf32>, vector<128x128xf32> -> vector<128x128xf32>
    %slice3A_35 = vector.extract_strided_slice %get3A_28 {offsets = [1, 0, 0], sizes = [1, 95, 128], strides = [1, 1, 1]} : vector<30x95x128xf32> to vector<1x95x128xf32>
    %squeeze3A_36 = vector.shape_cast %slice3A_35 : vector<1x95x128xf32> to vector<95x128xf32>
    %get3A_37 = arith.constant 0 : index
    %get3A_38 = arith.constant 0 : index
    %get3A_39 = vector.load %arg7[%get3A_37, %get3A_38] : memref<95x128xf32, #tpu.memory_space<vmem>>, vector<95x128xf32>
    %dot_general3A_40 = arith.constant dense<0.000000e+00> : vector<128x128xf32>
    %dot_general3A_41 = tpu.matmul %squeeze3A_36, %get3A_39, %dot_general3A_40 {dimension_numbers = #tpu.dot_dimension_numbers<[0], [0], [1], [1], [0, 1, 1, 1], [], []>, transpose_lhs_hint = false} : vector<95x128xf32>, vector<95x128xf32>, vector<128x128xf32> -> vector<128x128xf32>
    %slice3A_42 = vector.extract_strided_slice %get3A_28 {offsets = [2, 0, 0], sizes = [1, 95, 128], strides = [1, 1, 1]} : vector<30x95x128xf32> to vector<1x95x128xf32>
    %squeeze3A_43 = vector.shape_cast %slice3A_42 : vector<1x95x128xf32> to vector<95x128xf32>
    %get3A_44 = arith.constant 0 : index
    %get3A_45 = arith.constant 0 : index
    %get3A_46 = vector.load %arg7[%get3A_44, %get3A_45] : memref<95x128xf32, #tpu.memory_space<vmem>>, vector<95x128xf32>
    %dot_general3A_47 = arith.constant dense<0.000000e+00> : vector<128x128xf32>
    %dot_general3A_48 = tpu.matmul %squeeze3A_43, %get3A_46, %dot_general3A_47 {dimension_numbers = #tpu.dot_dimension_numbers<[0], [0], [1], [1], [0, 1, 1, 1], [], []>, transpose_lhs_hint = false} : vector<95x128xf32>, vector<95x128xf32>, vector<128x128xf32> -> vector<128x128xf32>
    %slice3A_49 = vector.extract_strided_slice %get3A_28 {offsets = [3, 0, 0], sizes = [1, 95, 128], strides = [1, 1, 1]} : vector<30x95x128xf32> to vector<1x95x128xf32>
    %squeeze3A_50 = vector.shape_cast %slice3A_49 : vector<1x95x128xf32> to vector<95x128xf32>
    %get3A_51 = arith.constant 0 : index
    %get3A_52 = arith.constant 0 : index
    %get3A_53 = vector.load %arg7[%get3A_51, %get3A_52] : memref<95x128xf32, #tpu.memory_space<vmem>>, vector<95x128xf32>
    %dot_general3A_54 = arith.constant dense<0.000000e+00> : vector<128x128xf32>
    %dot_general3A_55 = tpu.matmul %squeeze3A_50, %get3A_53, %dot_general3A_54 {dimension_numbers = #tpu.dot_dimension_numbers<[0], [0], [1], [1], [0, 1, 1, 1], [], []>, transpose_lhs_hint = false} : vector<95x128xf32>, vector<95x128xf32>, vector<128x128xf32> -> vector<128x128xf32>
    %slice3A_56 = vector.extract_strided_slice %get3A_28 {offsets = [4, 0, 0], sizes = [1, 95, 128], strides = [1, 1, 1]} : vector<30x95x128xf32> to vector<1x95x128xf32>
    %squeeze3A_57 = vector.shape_cast %slice3A_56 : vector<1x95x128xf32> to vector<95x128xf32>
    %get3A_58 = arith.constant 0 : index
    %get3A_59 = arith.constant 0 : index
    %get3A_60 = vector.load %arg7[%get3A_58, %get3A_59] : memref<95x128xf32, #tpu.memory_space<vmem>>, vector<95x128xf32>
    %dot_general3A_61 = arith.constant dense<0.000000e+00> : vector<128x128xf32>
    %dot_general3A_62 = tpu.matmul %squeeze3A_57, %get3A_60, %dot_general3A_61 {dimension_numbers = #tpu.dot_dimension_numbers<[0], [0], [1], [1], [0, 1, 1, 1], [], []>, transpose_lhs_hint = false} : vector<95x128xf32>, vector<95x128xf32>, vector<128x128xf32> -> vector<128x128xf32>
    %slice3A_63 = vector.extract_strided_slice %get3A_28 {offsets = [5, 0, 0], sizes = [1, 95, 128], strides = [1, 1, 1]} : vector<30x95x128xf32> to vector<1x95x128xf32>
    %squeeze3A_64 = vector.shape_cast %slice3A_63 : vector<1x95x128xf32> to vector<95x128xf32>
    %get3A_65 = arith.constant 0 : index
    %get3A_66 = arith.constant 0 : index
    %get3A_67 = vector.load %arg7[%get3A_65, %get3A_66] : memref<95x128xf32, #tpu.memory_space<vmem>>, vector<95x128xf32>
    %dot_general3A_68 = arith.constant dense<0.000000e+00> : vector<128x128xf32>
    %dot_general3A_69 = tpu.matmul %squeeze3A_64, %get3A_67, %dot_general3A_68 {dimension_numbers = #tpu.dot_dimension_numbers<[0], [0], [1], [1], [0, 1, 1, 1], [], []>, transpose_lhs_hint = false} : vector<95x128xf32>, vector<95x128xf32>, vector<128x128xf32> -> vector<128x128xf32>
    %slice3A_70 = vector.extract_strided_slice %get3A_28 {offsets = [6, 0, 0], sizes = [1, 95, 128], strides = [1, 1, 1]} : vector<30x95x128xf32> to vector<1x95x128xf32>
    %squeeze3A_71 = vector.shape_cast %slice3A_70 : vector<1x95x128xf32> to vector<95x128xf32>
    %get3A_72 = arith.constant 0 : index
    %get3A_73 = arith.constant 0 : index
    %get3A_74 = vector.load %arg7[%get3A_72, %get3A_73] : memref<95x128xf32, #tpu.memory_space<vmem>>, vector<95x128xf32>
    %dot_general3A_75 = arith.constant dense<0.000000e+00> : vector<128x128xf32>
    %dot_general3A_76 = tpu.matmul %squeeze3A_71, %get3A_74, %dot_general3A_75 {dimension_numbers = #tpu.dot_dimension_numbers<[0], [0], [1], [1], [0, 1, 1, 1], [], []>, transpose_lhs_hint = false} : vector<95x128xf32>, vector<95x128xf32>, vector<128x128xf32> -> vector<128x128xf32>
    %slice3A_77 = vector.extract_strided_slice %get3A_28 {offsets = [7, 0, 0], sizes = [1, 95, 128], strides = [1, 1, 1]} : vector<30x95x128xf32> to vector<1x95x128xf32>
    %squeeze3A_78 = vector.shape_cast %slice3A_77 : vector<1x95x128xf32> to vector<95x128xf32>
    %get3A_79 = arith.constant 0 : index
    %get3A_80 = arith.constant 0 : index
    %get3A_81 = vector.load %arg7[%get3A_79, %get3A_80] : memref<95x128xf32, #tpu.memory_space<vmem>>, vector<95x128xf32>
    %dot_general3A_82 = arith.constant dense<0.000000e+00> : vector<128x128xf32>
    %dot_general3A_83 = tpu.matmul %squeeze3A_78, %get3A_81, %dot_general3A_82 {dimension_numbers = #tpu.dot_dimension_numbers<[0], [0], [1], [1], [0, 1, 1, 1], [], []>, transpose_lhs_hint = false} : vector<95x128xf32>, vector<95x128xf32>, vector<128x128xf32> -> vector<128x128xf32>
    %slice3A_84 = vector.extract_strided_slice %get3A_28 {offsets = [8, 0, 0], sizes = [1, 95, 128], strides = [1, 1, 1]} : vector<30x95x128xf32> to vector<1x95x128xf32>
    %squeeze3A_85 = vector.shape_cast %slice3A_84 : vector<1x95x128xf32> to vector<95x128xf32>
    %get3A_86 = arith.constant 0 : index
    %get3A_87 = arith.constant 0 : index
    %get3A_88 = vector.load %arg7[%get3A_86, %get3A_87] : memref<95x128xf32, #tpu.memory_space<vmem>>, vector<95x128xf32>
    %dot_general3A_89 = arith.constant dense<0.000000e+00> : vector<128x128xf32>
    %dot_general3A_90 = tpu.matmul %squeeze3A_85, %get3A_88, %dot_general3A_89 {dimension_numbers = #tpu.dot_dimension_numbers<[0], [0], [1], [1], [0, 1, 1, 1], [], []>, transpose_lhs_hint = false} : vector<95x128xf32>, vector<95x128xf32>, vector<128x128xf32> -> vector<128x128xf32>
    %slice3A_91 = vector.extract_strided_slice %get3A_28 {offsets = [9, 0, 0], sizes = [1, 95, 128], strides = [1, 1, 1]} : vector<30x95x128xf32> to vector<1x95x128xf32>
    %squeeze3A_92 = vector.shape_cast %slice3A_91 : vector<1x95x128xf32> to vector<95x128xf32>
    %get3A_93 = arith.constant 0 : index
    %get3A_94 = arith.constant 0 : index
    %get3A_95 = vector.load %arg7[%get3A_93, %get3A_94] : memref<95x128xf32, #tpu.memory_space<vmem>>, vector<95x128xf32>
    %dot_general3A_96 = arith.constant dense<0.000000e+00> : vector<128x128xf32>
    %dot_general3A_97 = tpu.matmul %squeeze3A_92, %get3A_95, %dot_general3A_96 {dimension_numbers = #tpu.dot_dimension_numbers<[0], [0], [1], [1], [0, 1, 1, 1], [], []>, transpose_lhs_hint = false} : vector<95x128xf32>, vector<95x128xf32>, vector<128x128xf32> -> vector<128x128xf32>
    %slice3A_98 = vector.extract_strided_slice %get3A_28 {offsets = [10, 0, 0], sizes = [1, 95, 128], strides = [1, 1, 1]} : vector<30x95x128xf32> to vector<1x95x128xf32>
    %squeeze3A_99 = vector.shape_cast %slice3A_98 : vector<1x95x128xf32> to vector<95x128xf32>
    %get3A_100 = arith.constant 0 : index
    %get3A_101 = arith.constant 0 : index
    %get3A_102 = vector.load %arg7[%get3A_100, %get3A_101] : memref<95x128xf32, #tpu.memory_space<vmem>>, vector<95x128xf32>
    %dot_general3A_103 = arith.constant dense<0.000000e+00> : vector<128x128xf32>
    %dot_general3A_104 = tpu.matmul %squeeze3A_99, %get3A_102, %dot_general3A_103 {dimension_numbers = #tpu.dot_dimension_numbers<[0], [0], [1], [1], [0, 1, 1, 1], [], []>, transpose_lhs_hint = false} : vector<95x128xf32>, vector<95x128xf32>, vector<128x128xf32> -> vector<128x128xf32>
    %slice3A_105 = vector.extract_strided_slice %get3A_28 {offsets = [11, 0, 0], sizes = [1, 95, 128], strides = [1, 1, 1]} : vector<30x95x128xf32> to vector<1x95x128xf32>
    %squeeze3A_106 = vector.shape_cast %slice3A_105 : vector<1x95x128xf32> to vector<95x128xf32>
    %get3A_107 = arith.constant 0 : index
    %get3A_108 = arith.constant 0 : index
    %get3A_109 = vector.load %arg7[%get3A_107, %get3A_108] : memref<95x128xf32, #tpu.memory_space<vmem>>, vector<95x128xf32>
    %dot_general3A_110 = arith.constant dense<0.000000e+00> : vector<128x128xf32>
    %dot_general3A_111 = tpu.matmul %squeeze3A_106, %get3A_109, %dot_general3A_110 {dimension_numbers = #tpu.dot_dimension_numbers<[0], [0], [1], [1], [0, 1, 1, 1], [], []>, transpose_lhs_hint = false} : vector<95x128xf32>, vector<95x128xf32>, vector<128x128xf32> -> vector<128x128xf32>
    %slice3A_112 = vector.extract_strided_slice %get3A_28 {offsets = [12, 0, 0], sizes = [1, 95, 128], strides = [1, 1, 1]} : vector<30x95x128xf32> to vector<1x95x128xf32>
    %squeeze3A_113 = vector.shape_cast %slice3A_112 : vector<1x95x128xf32> to vector<95x128xf32>
    %get3A_114 = arith.constant 0 : index
    %get3A_115 = arith.constant 0 : index
    %get3A_116 = vector.load %arg7[%get3A_114, %get3A_115] : memref<95x128xf32, #tpu.memory_space<vmem>>, vector<95x128xf32>
    %dot_general3A_117 = arith.constant dense<0.000000e+00> : vector<128x128xf32>
    %dot_general3A_118 = tpu.matmul %squeeze3A_113, %get3A_116, %dot_general3A_117 {dimension_numbers = #tpu.dot_dimension_numbers<[0], [0], [1], [1], [0, 1, 1, 1], [], []>, transpose_lhs_hint = false} : vector<95x128xf32>, vector<95x128xf32>, vector<128x128xf32> -> vector<128x128xf32>
    %slice3A_119 = vector.extract_strided_slice %get3A_28 {offsets = [13, 0, 0], sizes = [1, 95, 128], strides = [1, 1, 1]} : vector<30x95x128xf32> to vector<1x95x128xf32>
    %squeeze3A_120 = vector.shape_cast %slice3A_119 : vector<1x95x128xf32> to vector<95x128xf32>
    %get3A_121 = arith.constant 0 : index
    %get3A_122 = arith.constant 0 : index
    %get3A_123 = vector.load %arg7[%get3A_121, %get3A_122] : memref<95x128xf32, #tpu.memory_space<vmem>>, vector<95x128xf32>
    %dot_general3A_124 = arith.constant dense<0.000000e+00> : vector<128x128xf32>
    %dot_general3A_125 = tpu.matmul %squeeze3A_120, %get3A_123, %dot_general3A_124 {dimension_numbers = #tpu.dot_dimension_numbers<[0], [0], [1], [1], [0, 1, 1, 1], [], []>, transpose_lhs_hint = false} : vector<95x128xf32>, vector<95x128xf32>, vector<128x128xf32> -> vector<128x128xf32>
    %slice3A_126 = vector.extract_strided_slice %get3A_28 {offsets = [14, 0, 0], sizes = [1, 95, 128], strides = [1, 1, 1]} : vector<30x95x128xf32> to vector<1x95x128xf32>
    %squeeze3A_127 = vector.shape_cast %slice3A_126 : vector<1x95x128xf32> to vector<95x128xf32>
    %get3A_128 = arith.constant 0 : index
    %get3A_129 = arith.constant 0 : index
    %get3A_130 = vector.load %arg7[%get3A_128, %get3A_129] : memref<95x128xf32, #tpu.memory_space<vmem>>, vector<95x128xf32>
    %dot_general3A_131 = arith.constant dense<0.000000e+00> : vector<128x128xf32>
    %dot_general3A_132 = tpu.matmul %squeeze3A_127, %get3A_130, %dot_general3A_131 {dimension_numbers = #tpu.dot_dimension_numbers<[0], [0], [1], [1], [0, 1, 1, 1], [], []>, transpose_lhs_hint = false} : vector<95x128xf32>, vector<95x128xf32>, vector<128x128xf32> -> vector<128x128xf32>
    %slice3A_133 = vector.extract_strided_slice %get3A_28 {offsets = [15, 0, 0], sizes = [1, 95, 128], strides = [1, 1, 1]} : vector<30x95x128xf32> to vector<1x95x128xf32>
    %squeeze3A_134 = vector.shape_cast %slice3A_133 : vector<1x95x128xf32> to vector<95x128xf32>
    %get3A_135 = arith.constant 0 : index
    %get3A_136 = arith.constant 0 : index
    %get3A_137 = vector.load %arg7[%get3A_135, %get3A_136] : memref<95x128xf32, #tpu.memory_space<vmem>>, vector<95x128xf32>
    %dot_general3A_138 = arith.constant dense<0.000000e+00> : vector<128x128xf32>
    %dot_general3A_139 = tpu.matmul %squeeze3A_134, %get3A_137, %dot_general3A_138 {dimension_numbers = #tpu.dot_dimension_numbers<[0], [0], [1], [1], [0, 1, 1, 1], [], []>, transpose_lhs_hint = false} : vector<95x128xf32>, vector<95x128xf32>, vector<128x128xf32> -> vector<128x128xf32>
    %slice3A_140 = vector.extract_strided_slice %get3A_28 {offsets = [16, 0, 0], sizes = [1, 95, 128], strides = [1, 1, 1]} : vector<30x95x128xf32> to vector<1x95x128xf32>
    %squeeze3A_141 = vector.shape_cast %slice3A_140 : vector<1x95x128xf32> to vector<95x128xf32>
    %get3A_142 = arith.constant 0 : index
    %get3A_143 = arith.constant 0 : index
    %get3A_144 = vector.load %arg7[%get3A_142, %get3A_143] : memref<95x128xf32, #tpu.memory_space<vmem>>, vector<95x128xf32>
    %dot_general3A_145 = arith.constant dense<0.000000e+00> : vector<128x128xf32>
    %dot_general3A_146 = tpu.matmul %squeeze3A_141, %get3A_144, %dot_general3A_145 {dimension_numbers = #tpu.dot_dimension_numbers<[0], [0], [1], [1], [0, 1, 1, 1], [], []>, transpose_lhs_hint = false} : vector<95x128xf32>, vector<95x128xf32>, vector<128x128xf32> -> vector<128x128xf32>
    %slice3A_147 = vector.extract_strided_slice %get3A_28 {offsets = [17, 0, 0], sizes = [1, 95, 128], strides = [1, 1, 1]} : vector<30x95x128xf32> to vector<1x95x128xf32>
    %squeeze3A_148 = vector.shape_cast %slice3A_147 : vector<1x95x128xf32> to vector<95x128xf32>
    %get3A_149 = arith.constant 0 : index
    %get3A_150 = arith.constant 0 : index
    %get3A_151 = vector.load %arg7[%get3A_149, %get3A_150] : memref<95x128xf32, #tpu.memory_space<vmem>>, vector<95x128xf32>
    %dot_general3A_152 = arith.constant dense<0.000000e+00> : vector<128x128xf32>
    %dot_general3A_153 = tpu.matmul %squeeze3A_148, %get3A_151, %dot_general3A_152 {dimension_numbers = #tpu.dot_dimension_numbers<[0], [0], [1], [1], [0, 1, 1, 1], [], []>, transpose_lhs_hint = false} : vector<95x128xf32>, vector<95x128xf32>, vector<128x128xf32> -> vector<128x128xf32>
    %slice3A_154 = vector.extract_strided_slice %get3A_28 {offsets = [18, 0, 0], sizes = [1, 95, 128], strides = [1, 1, 1]} : vector<30x95x128xf32> to vector<1x95x128xf32>
    %squeeze3A_155 = vector.shape_cast %slice3A_154 : vector<1x95x128xf32> to vector<95x128xf32>
    %get3A_156 = arith.constant 0 : index
    %get3A_157 = arith.constant 0 : index
    %get3A_158 = vector.load %arg7[%get3A_156, %get3A_157] : memref<95x128xf32, #tpu.memory_space<vmem>>, vector<95x128xf32>
    %dot_general3A_159 = arith.constant dense<0.000000e+00> : vector<128x128xf32>
    %dot_general3A_160 = tpu.matmul %squeeze3A_155, %get3A_158, %dot_general3A_159 {dimension_numbers = #tpu.dot_dimension_numbers<[0], [0], [1], [1], [0, 1, 1, 1], [], []>, transpose_lhs_hint = false} : vector<95x128xf32>, vector<95x128xf32>, vector<128x128xf32> -> vector<128x128xf32>
    %slice3A_161 = vector.extract_strided_slice %get3A_28 {offsets = [19, 0, 0], sizes = [1, 95, 128], strides = [1, 1, 1]} : vector<30x95x128xf32> to vector<1x95x128xf32>
    %squeeze3A_162 = vector.shape_cast %slice3A_161 : vector<1x95x128xf32> to vector<95x128xf32>
    %get3A_163 = arith.constant 0 : index
    %get3A_164 = arith.constant 0 : index
    %get3A_165 = vector.load %arg7[%get3A_163, %get3A_164] : memref<95x128xf32, #tpu.memory_space<vmem>>, vector<95x128xf32>
    %dot_general3A_166 = arith.constant dense<0.000000e+00> : vector<128x128xf32>
    %dot_general3A_167 = tpu.matmul %squeeze3A_162, %get3A_165, %dot_general3A_166 {dimension_numbers = #tpu.dot_dimension_numbers<[0], [0], [1], [1], [0, 1, 1, 1], [], []>, transpose_lhs_hint = false} : vector<95x128xf32>, vector<95x128xf32>, vector<128x128xf32> -> vector<128x128xf32>
    %slice3A_168 = vector.extract_strided_slice %get3A_28 {offsets = [20, 0, 0], sizes = [1, 95, 128], strides = [1, 1, 1]} : vector<30x95x128xf32> to vector<1x95x128xf32>
    %squeeze3A_169 = vector.shape_cast %slice3A_168 : vector<1x95x128xf32> to vector<95x128xf32>
    %get3A_170 = arith.constant 0 : index
    %get3A_171 = arith.constant 0 : index
    %get3A_172 = vector.load %arg7[%get3A_170, %get3A_171] : memref<95x128xf32, #tpu.memory_space<vmem>>, vector<95x128xf32>
    %dot_general3A_173 = arith.constant dense<0.000000e+00> : vector<128x128xf32>
    %dot_general3A_174 = tpu.matmul %squeeze3A_169, %get3A_172, %dot_general3A_173 {dimension_numbers = #tpu.dot_dimension_numbers<[0], [0], [1], [1], [0, 1, 1, 1], [], []>, transpose_lhs_hint = false} : vector<95x128xf32>, vector<95x128xf32>, vector<128x128xf32> -> vector<128x128xf32>
    %slice3A_175 = vector.extract_strided_slice %get3A_28 {offsets = [21, 0, 0], sizes = [1, 95, 128], strides = [1, 1, 1]} : vector<30x95x128xf32> to vector<1x95x128xf32>
    %squeeze3A_176 = vector.shape_cast %slice3A_175 : vector<1x95x128xf32> to vector<95x128xf32>
    %get3A_177 = arith.constant 0 : index
    %get3A_178 = arith.constant 0 : index
    %get3A_179 = vector.load %arg7[%get3A_177, %get3A_178] : memref<95x128xf32, #tpu.memory_space<vmem>>, vector<95x128xf32>
    %dot_general3A_180 = arith.constant dense<0.000000e+00> : vector<128x128xf32>
    %dot_general3A_181 = tpu.matmul %squeeze3A_176, %get3A_179, %dot_general3A_180 {dimension_numbers = #tpu.dot_dimension_numbers<[0], [0], [1], [1], [0, 1, 1, 1], [], []>, transpose_lhs_hint = false} : vector<95x128xf32>, vector<95x128xf32>, vector<128x128xf32> -> vector<128x128xf32>
    %slice3A_182 = vector.extract_strided_slice %get3A_28 {offsets = [22, 0, 0], sizes = [1, 95, 128], strides = [1, 1, 1]} : vector<30x95x128xf32> to vector<1x95x128xf32>
    %squeeze3A_183 = vector.shape_cast %slice3A_182 : vector<1x95x128xf32> to vector<95x128xf32>
    %get3A_184 = arith.constant 0 : index
    %get3A_185 = arith.constant 0 : index
    %get3A_186 = vector.load %arg7[%get3A_184, %get3A_185] : memref<95x128xf32, #tpu.memory_space<vmem>>, vector<95x128xf32>
    %dot_general3A_187 = arith.constant dense<0.000000e+00> : vector<128x128xf32>
    %dot_general3A_188 = tpu.matmul %squeeze3A_183, %get3A_186, %dot_general3A_187 {dimension_numbers = #tpu.dot_dimension_numbers<[0], [0], [1], [1], [0, 1, 1, 1], [], []>, transpose_lhs_hint = false} : vector<95x128xf32>, vector<95x128xf32>, vector<128x128xf32> -> vector<128x128xf32>
    %slice3A_189 = vector.extract_strided_slice %get3A_28 {offsets = [23, 0, 0], sizes = [1, 95, 128], strides = [1, 1, 1]} : vector<30x95x128xf32> to vector<1x95x128xf32>
    %squeeze3A_190 = vector.shape_cast %slice3A_189 : vector<1x95x128xf32> to vector<95x128xf32>
    %get3A_191 = arith.constant 0 : index
    %get3A_192 = arith.constant 0 : index
    %get3A_193 = vector.load %arg7[%get3A_191, %get3A_192] : memref<95x128xf32, #tpu.memory_space<vmem>>, vector<95x128xf32>
    %dot_general3A_194 = arith.constant dense<0.000000e+00> : vector<128x128xf32>
    %dot_general3A_195 = tpu.matmul %squeeze3A_190, %get3A_193, %dot_general3A_194 {dimension_numbers = #tpu.dot_dimension_numbers<[0], [0], [1], [1], [0, 1, 1, 1], [], []>, transpose_lhs_hint = false} : vector<95x128xf32>, vector<95x128xf32>, vector<128x128xf32> -> vector<128x128xf32>
    %slice3A_196 = vector.extract_strided_slice %get3A_28 {offsets = [24, 0, 0], sizes = [1, 95, 128], strides = [1, 1, 1]} : vector<30x95x128xf32> to vector<1x95x128xf32>
    %squeeze3A_197 = vector.shape_cast %slice3A_196 : vector<1x95x128xf32> to vector<95x128xf32>
    %get3A_198 = arith.constant 0 : index
    %get3A_199 = arith.constant 0 : index
    %get3A_200 = vector.load %arg7[%get3A_198, %get3A_199] : memref<95x128xf32, #tpu.memory_space<vmem>>, vector<95x128xf32>
    %dot_general3A_201 = arith.constant dense<0.000000e+00> : vector<128x128xf32>
    %dot_general3A_202 = tpu.matmul %squeeze3A_197, %get3A_200, %dot_general3A_201 {dimension_numbers = #tpu.dot_dimension_numbers<[0], [0], [1], [1], [0, 1, 1, 1], [], []>, transpose_lhs_hint = false} : vector<95x128xf32>, vector<95x128xf32>, vector<128x128xf32> -> vector<128x128xf32>
    %slice3A_203 = vector.extract_strided_slice %get3A_28 {offsets = [25, 0, 0], sizes = [1, 95, 128], strides = [1, 1, 1]} : vector<30x95x128xf32> to vector<1x95x128xf32>
    %squeeze3A_204 = vector.shape_cast %slice3A_203 : vector<1x95x128xf32> to vector<95x128xf32>
    %get3A_205 = arith.constant 0 : index
    %get3A_206 = arith.constant 0 : index
    %get3A_207 = vector.load %arg7[%get3A_205, %get3A_206] : memref<95x128xf32, #tpu.memory_space<vmem>>, vector<95x128xf32>
    %dot_general3A_208 = arith.constant dense<0.000000e+00> : vector<128x128xf32>
    %dot_general3A_209 = tpu.matmul %squeeze3A_204, %get3A_207, %dot_general3A_208 {dimension_numbers = #tpu.dot_dimension_numbers<[0], [0], [1], [1], [0, 1, 1, 1], [], []>, transpose_lhs_hint = false} : vector<95x128xf32>, vector<95x128xf32>, vector<128x128xf32> -> vector<128x128xf32>
    %slice3A_210 = vector.extract_strided_slice %get3A_28 {offsets = [26, 0, 0], sizes = [1, 95, 128], strides = [1, 1, 1]} : vector<30x95x128xf32> to vector<1x95x128xf32>
    %squeeze3A_211 = vector.shape_cast %slice3A_210 : vector<1x95x128xf32> to vector<95x128xf32>
    %get3A_212 = arith.constant 0 : index
    %get3A_213 = arith.constant 0 : index
    %get3A_214 = vector.load %arg7[%get3A_212, %get3A_213] : memref<95x128xf32, #tpu.memory_space<vmem>>, vector<95x128xf32>
    %dot_general3A_215 = arith.constant dense<0.000000e+00> : vector<128x128xf32>
    %dot_general3A_216 = tpu.matmul %squeeze3A_211, %get3A_214, %dot_general3A_215 {dimension_numbers = #tpu.dot_dimension_numbers<[0], [0], [1], [1], [0, 1, 1, 1], [], []>, transpose_lhs_hint = false} : vector<95x128xf32>, vector<95x128xf32>, vector<128x128xf32> -> vector<128x128xf32>
    %slice3A_217 = vector.extract_strided_slice %get3A_28 {offsets = [27, 0, 0], sizes = [1, 95, 128], strides = [1, 1, 1]} : vector<30x95x128xf32> to vector<1x95x128xf32>
    %squeeze3A_218 = vector.shape_cast %slice3A_217 : vector<1x95x128xf32> to vector<95x128xf32>
    %get3A_219 = arith.constant 0 : index
    %get3A_220 = arith.constant 0 : index
    %get3A_221 = vector.load %arg7[%get3A_219, %get3A_220] : memref<95x128xf32, #tpu.memory_space<vmem>>, vector<95x128xf32>
    %dot_general3A_222 = arith.constant dense<0.000000e+00> : vector<128x128xf32>
    %dot_general3A_223 = tpu.matmul %squeeze3A_218, %get3A_221, %dot_general3A_222 {dimension_numbers = #tpu.dot_dimension_numbers<[0], [0], [1], [1], [0, 1, 1, 1], [], []>, transpose_lhs_hint = false} : vector<95x128xf32>, vector<95x128xf32>, vector<128x128xf32> -> vector<128x128xf32>
    %slice3A_224 = vector.extract_strided_slice %get3A_28 {offsets = [28, 0, 0], sizes = [1, 95, 128], strides = [1, 1, 1]} : vector<30x95x128xf32> to vector<1x95x128xf32>
    %squeeze3A_225 = vector.shape_cast %slice3A_224 : vector<1x95x128xf32> to vector<95x128xf32>
    %get3A_226 = arith.constant 0 : index
    %get3A_227 = arith.constant 0 : index
    %get3A_228 = vector.load %arg7[%get3A_226, %get3A_227] : memref<95x128xf32, #tpu.memory_space<vmem>>, vector<95x128xf32>
    %dot_general3A_229 = arith.constant dense<0.000000e+00> : vector<128x128xf32>
    %dot_general3A_230 = tpu.matmul %squeeze3A_225, %get3A_228, %dot_general3A_229 {dimension_numbers = #tpu.dot_dimension_numbers<[0], [0], [1], [1], [0, 1, 1, 1], [], []>, transpose_lhs_hint = false} : vector<95x128xf32>, vector<95x128xf32>, vector<128x128xf32> -> vector<128x128xf32>
    %slice3A_231 = vector.extract_strided_slice %get3A_28 {offsets = [29, 0, 0], sizes = [1, 95, 128], strides = [1, 1, 1]} : vector<30x95x128xf32> to vector<1x95x128xf32>
    %squeeze3A_232 = vector.shape_cast %slice3A_231 : vector<1x95x128xf32> to vector<95x128xf32>
    %get3A_233 = arith.constant 0 : index
    %get3A_234 = arith.constant 0 : index
    %get3A_235 = vector.load %arg7[%get3A_233, %get3A_234] : memref<95x128xf32, #tpu.memory_space<vmem>>, vector<95x128xf32>
    %dot_general3A_236 = arith.constant dense<0.000000e+00> : vector<128x128xf32>
    %dot_general3A_237 = tpu.matmul %squeeze3A_232, %get3A_235, %dot_general3A_236 {dimension_numbers = #tpu.dot_dimension_numbers<[0], [0], [1], [1], [0, 1, 1, 1], [], []>, transpose_lhs_hint = false} : vector<95x128xf32>, vector<95x128xf32>, vector<128x128xf32> -> vector<128x128xf32>
    %get3A_238 = arith.constant 0 : index
    %get3A_239 = arith.constant 0 : index
    %get3A_240 = arith.constant 1 : index
    %get3A_241 = arith.constant 0 : index
    %get3A_242 = vector.load %arg3[%get3A_238, %get3A_239, %get3A_240, %get3A_241] : memref<30x95x2x128xf32, #tpu.memory_space<vmem>>, vector<30x95x1x128xf32>
    %get3A_243 = vector.shape_cast %get3A_242 : vector<30x95x1x128xf32> to vector<30x95x128xf32>
    %slice3A_244 = vector.extract_strided_slice %get3A_243 {offsets = [0, 0, 0], sizes = [1, 95, 128], strides = [1, 1, 1]} : vector<30x95x128xf32> to vector<1x95x128xf32>
    %squeeze3A_245 = vector.shape_cast %slice3A_244 : vector<1x95x128xf32> to vector<95x128xf32>
    %get3A_246 = arith.constant 0 : index
    %get3A_247 = arith.constant 0 : index
    %get3A_248 = vector.load %arg7[%get3A_246, %get3A_247] : memref<95x128xf32, #tpu.memory_space<vmem>>, vector<95x128xf32>
    %dot_general3A_249 = arith.constant dense<0.000000e+00> : vector<128x128xf32>
    %dot_general3A_250 = tpu.matmul %squeeze3A_245, %get3A_248, %dot_general3A_249 {dimension_numbers = #tpu.dot_dimension_numbers<[0], [0], [1], [1], [0, 1, 1, 1], [], []>, transpose_lhs_hint = false} : vector<95x128xf32>, vector<95x128xf32>, vector<128x128xf32> -> vector<128x128xf32>
    %slice3A_251 = vector.extract_strided_slice %get3A_243 {offsets = [1, 0, 0], sizes = [1, 95, 128], strides = [1, 1, 1]} : vector<30x95x128xf32> to vector<1x95x128xf32>
    %squeeze3A_252 = vector.shape_cast %slice3A_251 : vector<1x95x128xf32> to vector<95x128xf32>
    %get3A_253 = arith.constant 0 : index
    %get3A_254 = arith.constant 0 : index
    %get3A_255 = vector.load %arg7[%get3A_253, %get3A_254] : memref<95x128xf32, #tpu.memory_space<vmem>>, vector<95x128xf32>
    %dot_general3A_256 = arith.constant dense<0.000000e+00> : vector<128x128xf32>
    %dot_general3A_257 = tpu.matmul %squeeze3A_252, %get3A_255, %dot_general3A_256 {dimension_numbers = #tpu.dot_dimension_numbers<[0], [0], [1], [1], [0, 1, 1, 1], [], []>, transpose_lhs_hint = false} : vector<95x128xf32>, vector<95x128xf32>, vector<128x128xf32> -> vector<128x128xf32>
    %slice3A_258 = vector.extract_strided_slice %get3A_243 {offsets = [2, 0, 0], sizes = [1, 95, 128], strides = [1, 1, 1]} : vector<30x95x128xf32> to vector<1x95x128xf32>
    %squeeze3A_259 = vector.shape_cast %slice3A_258 : vector<1x95x128xf32> to vector<95x128xf32>
    %get3A_260 = arith.constant 0 : index
    %get3A_261 = arith.constant 0 : index
    %get3A_262 = vector.load %arg7[%get3A_260, %get3A_261] : memref<95x128xf32, #tpu.memory_space<vmem>>, vector<95x128xf32>
    %dot_general3A_263 = arith.constant dense<0.000000e+00> : vector<128x128xf32>
    %dot_general3A_264 = tpu.matmul %squeeze3A_259, %get3A_262, %dot_general3A_263 {dimension_numbers = #tpu.dot_dimension_numbers<[0], [0], [1], [1], [0, 1, 1, 1], [], []>, transpose_lhs_hint = false} : vector<95x128xf32>, vector<95x128xf32>, vector<128x128xf32> -> vector<128x128xf32>
    %slice3A_265 = vector.extract_strided_slice %get3A_243 {offsets = [3, 0, 0], sizes = [1, 95, 128], strides = [1, 1, 1]} : vector<30x95x128xf32> to vector<1x95x128xf32>
    %squeeze3A_266 = vector.shape_cast %slice3A_265 : vector<1x95x128xf32> to vector<95x128xf32>
    %get3A_267 = arith.constant 0 : index
    %get3A_268 = arith.constant 0 : index
    %get3A_269 = vector.load %arg7[%get3A_267, %get3A_268] : memref<95x128xf32, #tpu.memory_space<vmem>>, vector<95x128xf32>
    %dot_general3A_270 = arith.constant dense<0.000000e+00> : vector<128x128xf32>
    %dot_general3A_271 = tpu.matmul %squeeze3A_266, %get3A_269, %dot_general3A_270 {dimension_numbers = #tpu.dot_dimension_numbers<[0], [0], [1], [1], [0, 1, 1, 1], [], []>, transpose_lhs_hint = false} : vector<95x128xf32>, vector<95x128xf32>, vector<128x128xf32> -> vector<128x128xf32>
    %slice3A_272 = vector.extract_strided_slice %get3A_243 {offsets = [4, 0, 0], sizes = [1, 95, 128], strides = [1, 1, 1]} : vector<30x95x128xf32> to vector<1x95x128xf32>
    %squeeze3A_273 = vector.shape_cast %slice3A_272 : vector<1x95x128xf32> to vector<95x128xf32>
    %get3A_274 = arith.constant 0 : index
    %get3A_275 = arith.constant 0 : index
    %get3A_276 = vector.load %arg7[%get3A_274, %get3A_275] : memref<95x128xf32, #tpu.memory_space<vmem>>, vector<95x128xf32>
    %dot_general3A_277 = arith.constant dense<0.000000e+00> : vector<128x128xf32>
    %dot_general3A_278 = tpu.matmul %squeeze3A_273, %get3A_276, %dot_general3A_277 {dimension_numbers = #tpu.dot_dimension_numbers<[0], [0], [1], [1], [0, 1, 1, 1], [], []>, transpose_lhs_hint = false} : vector<95x128xf32>, vector<95x128xf32>, vector<128x128xf32> -> vector<128x128xf32>
    %slice3A_279 = vector.extract_strided_slice %get3A_243 {offsets = [5, 0, 0], sizes = [1, 95, 128], strides = [1, 1, 1]} : vector<30x95x128xf32> to vector<1x95x128xf32>
    %squeeze3A_280 = vector.shape_cast %slice3A_279 : vector<1x95x128xf32> to vector<95x128xf32>
    %get3A_281 = arith.constant 0 : index
    %get3A_282 = arith.constant 0 : index
    %get3A_283 = vector.load %arg7[%get3A_281, %get3A_282] : memref<95x128xf32, #tpu.memory_space<vmem>>, vector<95x128xf32>
    %dot_general3A_284 = arith.constant dense<0.000000e+00> : vector<128x128xf32>
    %dot_general3A_285 = tpu.matmul %squeeze3A_280, %get3A_283, %dot_general3A_284 {dimension_numbers = #tpu.dot_dimension_numbers<[0], [0], [1], [1], [0, 1, 1, 1], [], []>, transpose_lhs_hint = false} : vector<95x128xf32>, vector<95x128xf32>, vector<128x128xf32> -> vector<128x128xf32>
    %slice3A_286 = vector.extract_strided_slice %get3A_243 {offsets = [6, 0, 0], sizes = [1, 95, 128], strides = [1, 1, 1]} : vector<30x95x128xf32> to vector<1x95x128xf32>
    %squeeze3A_287 = vector.shape_cast %slice3A_286 : vector<1x95x128xf32> to vector<95x128xf32>
    %get3A_288 = arith.constant 0 : index
    %get3A_289 = arith.constant 0 : index
    %get3A_290 = vector.load %arg7[%get3A_288, %get3A_289] : memref<95x128xf32, #tpu.memory_space<vmem>>, vector<95x128xf32>
    %dot_general3A_291 = arith.constant dense<0.000000e+00> : vector<128x128xf32>
    %dot_general3A_292 = tpu.matmul %squeeze3A_287, %get3A_290, %dot_general3A_291 {dimension_numbers = #tpu.dot_dimension_numbers<[0], [0], [1], [1], [0, 1, 1, 1], [], []>, transpose_lhs_hint = false} : vector<95x128xf32>, vector<95x128xf32>, vector<128x128xf32> -> vector<128x128xf32>
    %slice3A_293 = vector.extract_strided_slice %get3A_243 {offsets = [7, 0, 0], sizes = [1, 95, 128], strides = [1, 1, 1]} : vector<30x95x128xf32> to vector<1x95x128xf32>
    %squeeze3A_294 = vector.shape_cast %slice3A_293 : vector<1x95x128xf32> to vector<95x128xf32>
    %get3A_295 = arith.constant 0 : index
    %get3A_296 = arith.constant 0 : index
    %get3A_297 = vector.load %arg7[%get3A_295, %get3A_296] : memref<95x128xf32, #tpu.memory_space<vmem>>, vector<95x128xf32>
    %dot_general3A_298 = arith.constant dense<0.000000e+00> : vector<128x128xf32>
    %dot_general3A_299 = tpu.matmul %squeeze3A_294, %get3A_297, %dot_general3A_298 {dimension_numbers = #tpu.dot_dimension_numbers<[0], [0], [1], [1], [0, 1, 1, 1], [], []>, transpose_lhs_hint = false} : vector<95x128xf32>, vector<95x128xf32>, vector<128x128xf32> -> vector<128x128xf32>
    %slice3A_300 = vector.extract_strided_slice %get3A_243 {offsets = [8, 0, 0], sizes = [1, 95, 128], strides = [1, 1, 1]} : vector<30x95x128xf32> to vector<1x95x128xf32>
    %squeeze3A_301 = vector.shape_cast %slice3A_300 : vector<1x95x128xf32> to vector<95x128xf32>
    %get3A_302 = arith.constant 0 : index
    %get3A_303 = arith.constant 0 : index
    %get3A_304 = vector.load %arg7[%get3A_302, %get3A_303] : memref<95x128xf32, #tpu.memory_space<vmem>>, vector<95x128xf32>
    %dot_general3A_305 = arith.constant dense<0.000000e+00> : vector<128x128xf32>
    %dot_general3A_306 = tpu.matmul %squeeze3A_301, %get3A_304, %dot_general3A_305 {dimension_numbers = #tpu.dot_dimension_numbers<[0], [0], [1], [1], [0, 1, 1, 1], [], []>, transpose_lhs_hint = false} : vector<95x128xf32>, vector<95x128xf32>, vector<128x128xf32> -> vector<128x128xf32>
    %slice3A_307 = vector.extract_strided_slice %get3A_243 {offsets = [9, 0, 0], sizes = [1, 95, 128], strides = [1, 1, 1]} : vector<30x95x128xf32> to vector<1x95x128xf32>
    %squeeze3A_308 = vector.shape_cast %slice3A_307 : vector<1x95x128xf32> to vector<95x128xf32>
    %get3A_309 = arith.constant 0 : index
    %get3A_310 = arith.constant 0 : index
    %get3A_311 = vector.load %arg7[%get3A_309, %get3A_310] : memref<95x128xf32, #tpu.memory_space<vmem>>, vector<95x128xf32>
    %dot_general3A_312 = arith.constant dense<0.000000e+00> : vector<128x128xf32>
    %dot_general3A_313 = tpu.matmul %squeeze3A_308, %get3A_311, %dot_general3A_312 {dimension_numbers = #tpu.dot_dimension_numbers<[0], [0], [1], [1], [0, 1, 1, 1], [], []>, transpose_lhs_hint = false} : vector<95x128xf32>, vector<95x128xf32>, vector<128x128xf32> -> vector<128x128xf32>
    %slice3A_314 = vector.extract_strided_slice %get3A_243 {offsets = [10, 0, 0], sizes = [1, 95, 128], strides = [1, 1, 1]} : vector<30x95x128xf32> to vector<1x95x128xf32>
    %squeeze3A_315 = vector.shape_cast %slice3A_314 : vector<1x95x128xf32> to vector<95x128xf32>
    %get3A_316 = arith.constant 0 : index
    %get3A_317 = arith.constant 0 : index
    %get3A_318 = vector.load %arg7[%get3A_316, %get3A_317] : memref<95x128xf32, #tpu.memory_space<vmem>>, vector<95x128xf32>
    %dot_general3A_319 = arith.constant dense<0.000000e+00> : vector<128x128xf32>
    %dot_general3A_320 = tpu.matmul %squeeze3A_315, %get3A_318, %dot_general3A_319 {dimension_numbers = #tpu.dot_dimension_numbers<[0], [0], [1], [1], [0, 1, 1, 1], [], []>, transpose_lhs_hint = false} : vector<95x128xf32>, vector<95x128xf32>, vector<128x128xf32> -> vector<128x128xf32>
    %slice3A_321 = vector.extract_strided_slice %get3A_243 {offsets = [11, 0, 0], sizes = [1, 95, 128], strides = [1, 1, 1]} : vector<30x95x128xf32> to vector<1x95x128xf32>
    %squeeze3A_322 = vector.shape_cast %slice3A_321 : vector<1x95x128xf32> to vector<95x128xf32>
    %get3A_323 = arith.constant 0 : index
    %get3A_324 = arith.constant 0 : index
    %get3A_325 = vector.load %arg7[%get3A_323, %get3A_324] : memref<95x128xf32, #tpu.memory_space<vmem>>, vector<95x128xf32>
    %dot_general3A_326 = arith.constant dense<0.000000e+00> : vector<128x128xf32>
    %dot_general3A_327 = tpu.matmul %squeeze3A_322, %get3A_325, %dot_general3A_326 {dimension_numbers = #tpu.dot_dimension_numbers<[0], [0], [1], [1], [0, 1, 1, 1], [], []>, transpose_lhs_hint = false} : vector<95x128xf32>, vector<95x128xf32>, vector<128x128xf32> -> vector<128x128xf32>
    %slice3A_328 = vector.extract_strided_slice %get3A_243 {offsets = [12, 0, 0], sizes = [1, 95, 128], strides = [1, 1, 1]} : vector<30x95x128xf32> to vector<1x95x128xf32>
    %squeeze3A_329 = vector.shape_cast %slice3A_328 : vector<1x95x128xf32> to vector<95x128xf32>
    %get3A_330 = arith.constant 0 : index
    %get3A_331 = arith.constant 0 : index
    %get3A_332 = vector.load %arg7[%get3A_330, %get3A_331] : memref<95x128xf32, #tpu.memory_space<vmem>>, vector<95x128xf32>
    %dot_general3A_333 = arith.constant dense<0.000000e+00> : vector<128x128xf32>
    %dot_general3A_334 = tpu.matmul %squeeze3A_329, %get3A_332, %dot_general3A_333 {dimension_numbers = #tpu.dot_dimension_numbers<[0], [0], [1], [1], [0, 1, 1, 1], [], []>, transpose_lhs_hint = false} : vector<95x128xf32>, vector<95x128xf32>, vector<128x128xf32> -> vector<128x128xf32>
    %slice3A_335 = vector.extract_strided_slice %get3A_243 {offsets = [13, 0, 0], sizes = [1, 95, 128], strides = [1, 1, 1]} : vector<30x95x128xf32> to vector<1x95x128xf32>
    %squeeze3A_336 = vector.shape_cast %slice3A_335 : vector<1x95x128xf32> to vector<95x128xf32>
    %get3A_337 = arith.constant 0 : index
    %get3A_338 = arith.constant 0 : index
    %get3A_339 = vector.load %arg7[%get3A_337, %get3A_338] : memref<95x128xf32, #tpu.memory_space<vmem>>, vector<95x128xf32>
    %dot_general3A_340 = arith.constant dense<0.000000e+00> : vector<128x128xf32>
    %dot_general3A_341 = tpu.matmul %squeeze3A_336, %get3A_339, %dot_general3A_340 {dimension_numbers = #tpu.dot_dimension_numbers<[0], [0], [1], [1], [0, 1, 1, 1], [], []>, transpose_lhs_hint = false} : vector<95x128xf32>, vector<95x128xf32>, vector<128x128xf32> -> vector<128x128xf32>
    %slice3A_342 = vector.extract_strided_slice %get3A_243 {offsets = [14, 0, 0], sizes = [1, 95, 128], strides = [1, 1, 1]} : vector<30x95x128xf32> to vector<1x95x128xf32>
    %squeeze3A_343 = vector.shape_cast %slice3A_342 : vector<1x95x128xf32> to vector<95x128xf32>
    %get3A_344 = arith.constant 0 : index
    %get3A_345 = arith.constant 0 : index
    %get3A_346 = vector.load %arg7[%get3A_344, %get3A_345] : memref<95x128xf32, #tpu.memory_space<vmem>>, vector<95x128xf32>
    %dot_general3A_347 = arith.constant dense<0.000000e+00> : vector<128x128xf32>
    %dot_general3A_348 = tpu.matmul %squeeze3A_343, %get3A_346, %dot_general3A_347 {dimension_numbers = #tpu.dot_dimension_numbers<[0], [0], [1], [1], [0, 1, 1, 1], [], []>, transpose_lhs_hint = false} : vector<95x128xf32>, vector<95x128xf32>, vector<128x128xf32> -> vector<128x128xf32>
    %slice3A_349 = vector.extract_strided_slice %get3A_243 {offsets = [15, 0, 0], sizes = [1, 95, 128], strides = [1, 1, 1]} : vector<30x95x128xf32> to vector<1x95x128xf32>
    %squeeze3A_350 = vector.shape_cast %slice3A_349 : vector<1x95x128xf32> to vector<95x128xf32>
    %get3A_351 = arith.constant 0 : index
    %get3A_352 = arith.constant 0 : index
    %get3A_353 = vector.load %arg7[%get3A_351, %get3A_352] : memref<95x128xf32, #tpu.memory_space<vmem>>, vector<95x128xf32>
    %dot_general3A_354 = arith.constant dense<0.000000e+00> : vector<128x128xf32>
    %dot_general3A_355 = tpu.matmul %squeeze3A_350, %get3A_353, %dot_general3A_354 {dimension_numbers = #tpu.dot_dimension_numbers<[0], [0], [1], [1], [0, 1, 1, 1], [], []>, transpose_lhs_hint = false} : vector<95x128xf32>, vector<95x128xf32>, vector<128x128xf32> -> vector<128x128xf32>
    %slice3A_356 = vector.extract_strided_slice %get3A_243 {offsets = [16, 0, 0], sizes = [1, 95, 128], strides = [1, 1, 1]} : vector<30x95x128xf32> to vector<1x95x128xf32>
    %squeeze3A_357 = vector.shape_cast %slice3A_356 : vector<1x95x128xf32> to vector<95x128xf32>
    %get3A_358 = arith.constant 0 : index
    %get3A_359 = arith.constant 0 : index
    %get3A_360 = vector.load %arg7[%get3A_358, %get3A_359] : memref<95x128xf32, #tpu.memory_space<vmem>>, vector<95x128xf32>
    %dot_general3A_361 = arith.constant dense<0.000000e+00> : vector<128x128xf32>
    %dot_general3A_362 = tpu.matmul %squeeze3A_357, %get3A_360, %dot_general3A_361 {dimension_numbers = #tpu.dot_dimension_numbers<[0], [0], [1], [1], [0, 1, 1, 1], [], []>, transpose_lhs_hint = false} : vector<95x128xf32>, vector<95x128xf32>, vector<128x128xf32> -> vector<128x128xf32>
    %slice3A_363 = vector.extract_strided_slice %get3A_243 {offsets = [17, 0, 0], sizes = [1, 95, 128], strides = [1, 1, 1]} : vector<30x95x128xf32> to vector<1x95x128xf32>
    %squeeze3A_364 = vector.shape_cast %slice3A_363 : vector<1x95x128xf32> to vector<95x128xf32>
    %get3A_365 = arith.constant 0 : index
    %get3A_366 = arith.constant 0 : index
    %get3A_367 = vector.load %arg7[%get3A_365, %get3A_366] : memref<95x128xf32, #tpu.memory_space<vmem>>, vector<95x128xf32>
    %dot_general3A_368 = arith.constant dense<0.000000e+00> : vector<128x128xf32>
    %dot_general3A_369 = tpu.matmul %squeeze3A_364, %get3A_367, %dot_general3A_368 {dimension_numbers = #tpu.dot_dimension_numbers<[0], [0], [1], [1], [0, 1, 1, 1], [], []>, transpose_lhs_hint = false} : vector<95x128xf32>, vector<95x128xf32>, vector<128x128xf32> -> vector<128x128xf32>
    %slice3A_370 = vector.extract_strided_slice %get3A_243 {offsets = [18, 0, 0], sizes = [1, 95, 128], strides = [1, 1, 1]} : vector<30x95x128xf32> to vector<1x95x128xf32>
    %squeeze3A_371 = vector.shape_cast %slice3A_370 : vector<1x95x128xf32> to vector<95x128xf32>
    %get3A_372 = arith.constant 0 : index
    %get3A_373 = arith.constant 0 : index
    %get3A_374 = vector.load %arg7[%get3A_372, %get3A_373] : memref<95x128xf32, #tpu.memory_space<vmem>>, vector<95x128xf32>
    %dot_general3A_375 = arith.constant dense<0.000000e+00> : vector<128x128xf32>
    %dot_general3A_376 = tpu.matmul %squeeze3A_371, %get3A_374, %dot_general3A_375 {dimension_numbers = #tpu.dot_dimension_numbers<[0], [0], [1], [1], [0, 1, 1, 1], [], []>, transpose_lhs_hint = false} : vector<95x128xf32>, vector<95x128xf32>, vector<128x128xf32> -> vector<128x128xf32>
    %slice3A_377 = vector.extract_strided_slice %get3A_243 {offsets = [19, 0, 0], sizes = [1, 95, 128], strides = [1, 1, 1]} : vector<30x95x128xf32> to vector<1x95x128xf32>
    %squeeze3A_378 = vector.shape_cast %slice3A_377 : vector<1x95x128xf32> to vector<95x128xf32>
    %get3A_379 = arith.constant 0 : index
    %get3A_380 = arith.constant 0 : index
    %get3A_381 = vector.load %arg7[%get3A_379, %get3A_380] : memref<95x128xf32, #tpu.memory_space<vmem>>, vector<95x128xf32>
    %dot_general3A_382 = arith.constant dense<0.000000e+00> : vector<128x128xf32>
    %dot_general3A_383 = tpu.matmul %squeeze3A_378, %get3A_381, %dot_general3A_382 {dimension_numbers = #tpu.dot_dimension_numbers<[0], [0], [1], [1], [0, 1, 1, 1], [], []>, transpose_lhs_hint = false} : vector<95x128xf32>, vector<95x128xf32>, vector<128x128xf32> -> vector<128x128xf32>
    %slice3A_384 = vector.extract_strided_slice %get3A_243 {offsets = [20, 0, 0], sizes = [1, 95, 128], strides = [1, 1, 1]} : vector<30x95x128xf32> to vector<1x95x128xf32>
    %squeeze3A_385 = vector.shape_cast %slice3A_384 : vector<1x95x128xf32> to vector<95x128xf32>
    %get3A_386 = arith.constant 0 : index
    %get3A_387 = arith.constant 0 : index
    %get3A_388 = vector.load %arg7[%get3A_386, %get3A_387] : memref<95x128xf32, #tpu.memory_space<vmem>>, vector<95x128xf32>
    %dot_general3A_389 = arith.constant dense<0.000000e+00> : vector<128x128xf32>
    %dot_general3A_390 = tpu.matmul %squeeze3A_385, %get3A_388, %dot_general3A_389 {dimension_numbers = #tpu.dot_dimension_numbers<[0], [0], [1], [1], [0, 1, 1, 1], [], []>, transpose_lhs_hint = false} : vector<95x128xf32>, vector<95x128xf32>, vector<128x128xf32> -> vector<128x128xf32>
    %slice3A_391 = vector.extract_strided_slice %get3A_243 {offsets = [21, 0, 0], sizes = [1, 95, 128], strides = [1, 1, 1]} : vector<30x95x128xf32> to vector<1x95x128xf32>
    %squeeze3A_392 = vector.shape_cast %slice3A_391 : vector<1x95x128xf32> to vector<95x128xf32>
    %get3A_393 = arith.constant 0 : index
    %get3A_394 = arith.constant 0 : index
    %get3A_395 = vector.load %arg7[%get3A_393, %get3A_394] : memref<95x128xf32, #tpu.memory_space<vmem>>, vector<95x128xf32>
    %dot_general3A_396 = arith.constant dense<0.000000e+00> : vector<128x128xf32>
    %dot_general3A_397 = tpu.matmul %squeeze3A_392, %get3A_395, %dot_general3A_396 {dimension_numbers = #tpu.dot_dimension_numbers<[0], [0], [1], [1], [0, 1, 1, 1], [], []>, transpose_lhs_hint = false} : vector<95x128xf32>, vector<95x128xf32>, vector<128x128xf32> -> vector<128x128xf32>
    %slice3A_398 = vector.extract_strided_slice %get3A_243 {offsets = [22, 0, 0], sizes = [1, 95, 128], strides = [1, 1, 1]} : vector<30x95x128xf32> to vector<1x95x128xf32>
    %squeeze3A_399 = vector.shape_cast %slice3A_398 : vector<1x95x128xf32> to vector<95x128xf32>
    %get3A_400 = arith.constant 0 : index
    %get3A_401 = arith.constant 0 : index
    %get3A_402 = vector.load %arg7[%get3A_400, %get3A_401] : memref<95x128xf32, #tpu.memory_space<vmem>>, vector<95x128xf32>
    %dot_general3A_403 = arith.constant dense<0.000000e+00> : vector<128x128xf32>
    %dot_general3A_404 = tpu.matmul %squeeze3A_399, %get3A_402, %dot_general3A_403 {dimension_numbers = #tpu.dot_dimension_numbers<[0], [0], [1], [1], [0, 1, 1, 1], [], []>, transpose_lhs_hint = false} : vector<95x128xf32>, vector<95x128xf32>, vector<128x128xf32> -> vector<128x128xf32>
    %slice3A_405 = vector.extract_strided_slice %get3A_243 {offsets = [23, 0, 0], sizes = [1, 95, 128], strides = [1, 1, 1]} : vector<30x95x128xf32> to vector<1x95x128xf32>
    %squeeze3A_406 = vector.shape_cast %slice3A_405 : vector<1x95x128xf32> to vector<95x128xf32>
    %get3A_407 = arith.constant 0 : index
    %get3A_408 = arith.constant 0 : index
    %get3A_409 = vector.load %arg7[%get3A_407, %get3A_408] : memref<95x128xf32, #tpu.memory_space<vmem>>, vector<95x128xf32>
    %dot_general3A_410 = arith.constant dense<0.000000e+00> : vector<128x128xf32>
    %dot_general3A_411 = tpu.matmul %squeeze3A_406, %get3A_409, %dot_general3A_410 {dimension_numbers = #tpu.dot_dimension_numbers<[0], [0], [1], [1], [0, 1, 1, 1], [], []>, transpose_lhs_hint = false} : vector<95x128xf32>, vector<95x128xf32>, vector<128x128xf32> -> vector<128x128xf32>
    %slice3A_412 = vector.extract_strided_slice %get3A_243 {offsets = [24, 0, 0], sizes = [1, 95, 128], strides = [1, 1, 1]} : vector<30x95x128xf32> to vector<1x95x128xf32>
    %squeeze3A_413 = vector.shape_cast %slice3A_412 : vector<1x95x128xf32> to vector<95x128xf32>
    %get3A_414 = arith.constant 0 : index
    %get3A_415 = arith.constant 0 : index
    %get3A_416 = vector.load %arg7[%get3A_414, %get3A_415] : memref<95x128xf32, #tpu.memory_space<vmem>>, vector<95x128xf32>
    %dot_general3A_417 = arith.constant dense<0.000000e+00> : vector<128x128xf32>
    %dot_general3A_418 = tpu.matmul %squeeze3A_413, %get3A_416, %dot_general3A_417 {dimension_numbers = #tpu.dot_dimension_numbers<[0], [0], [1], [1], [0, 1, 1, 1], [], []>, transpose_lhs_hint = false} : vector<95x128xf32>, vector<95x128xf32>, vector<128x128xf32> -> vector<128x128xf32>
    %slice3A_419 = vector.extract_strided_slice %get3A_243 {offsets = [25, 0, 0], sizes = [1, 95, 128], strides = [1, 1, 1]} : vector<30x95x128xf32> to vector<1x95x128xf32>
    %squeeze3A_420 = vector.shape_cast %slice3A_419 : vector<1x95x128xf32> to vector<95x128xf32>
    %get3A_421 = arith.constant 0 : index
    %get3A_422 = arith.constant 0 : index
    %get3A_423 = vector.load %arg7[%get3A_421, %get3A_422] : memref<95x128xf32, #tpu.memory_space<vmem>>, vector<95x128xf32>
    %dot_general3A_424 = arith.constant dense<0.000000e+00> : vector<128x128xf32>
    %dot_general3A_425 = tpu.matmul %squeeze3A_420, %get3A_423, %dot_general3A_424 {dimension_numbers = #tpu.dot_dimension_numbers<[0], [0], [1], [1], [0, 1, 1, 1], [], []>, transpose_lhs_hint = false} : vector<95x128xf32>, vector<95x128xf32>, vector<128x128xf32> -> vector<128x128xf32>
    %slice3A_426 = vector.extract_strided_slice %get3A_243 {offsets = [26, 0, 0], sizes = [1, 95, 128], strides = [1, 1, 1]} : vector<30x95x128xf32> to vector<1x95x128xf32>
    %squeeze3A_427 = vector.shape_cast %slice3A_426 : vector<1x95x128xf32> to vector<95x128xf32>
    %get3A_428 = arith.constant 0 : index
    %get3A_429 = arith.constant 0 : index
    %get3A_430 = vector.load %arg7[%get3A_428, %get3A_429] : memref<95x128xf32, #tpu.memory_space<vmem>>, vector<95x128xf32>
    %dot_general3A_431 = arith.constant dense<0.000000e+00> : vector<128x128xf32>
    %dot_general3A_432 = tpu.matmul %squeeze3A_427, %get3A_430, %dot_general3A_431 {dimension_numbers = #tpu.dot_dimension_numbers<[0], [0], [1], [1], [0, 1, 1, 1], [], []>, transpose_lhs_hint = false} : vector<95x128xf32>, vector<95x128xf32>, vector<128x128xf32> -> vector<128x128xf32>
    %slice3A_433 = vector.extract_strided_slice %get3A_243 {offsets = [27, 0, 0], sizes = [1, 95, 128], strides = [1, 1, 1]} : vector<30x95x128xf32> to vector<1x95x128xf32>
    %squeeze3A_434 = vector.shape_cast %slice3A_433 : vector<1x95x128xf32> to vector<95x128xf32>
    %get3A_435 = arith.constant 0 : index
    %get3A_436 = arith.constant 0 : index
    %get3A_437 = vector.load %arg7[%get3A_435, %get3A_436] : memref<95x128xf32, #tpu.memory_space<vmem>>, vector<95x128xf32>
    %dot_general3A_438 = arith.constant dense<0.000000e+00> : vector<128x128xf32>
    %dot_general3A_439 = tpu.matmul %squeeze3A_434, %get3A_437, %dot_general3A_438 {dimension_numbers = #tpu.dot_dimension_numbers<[0], [0], [1], [1], [0, 1, 1, 1], [], []>, transpose_lhs_hint = false} : vector<95x128xf32>, vector<95x128xf32>, vector<128x128xf32> -> vector<128x128xf32>
    %slice3A_440 = vector.extract_strided_slice %get3A_243 {offsets = [28, 0, 0], sizes = [1, 95, 128], strides = [1, 1, 1]} : vector<30x95x128xf32> to vector<1x95x128xf32>
    %squeeze3A_441 = vector.shape_cast %slice3A_440 : vector<1x95x128xf32> to vector<95x128xf32>
    %get3A_442 = arith.constant 0 : index
    %get3A_443 = arith.constant 0 : index
    %get3A_444 = vector.load %arg7[%get3A_442, %get3A_443] : memref<95x128xf32, #tpu.memory_space<vmem>>, vector<95x128xf32>
    %dot_general3A_445 = arith.constant dense<0.000000e+00> : vector<128x128xf32>
    %dot_general3A_446 = tpu.matmul %squeeze3A_441, %get3A_444, %dot_general3A_445 {dimension_numbers = #tpu.dot_dimension_numbers<[0], [0], [1], [1], [0, 1, 1, 1], [], []>, transpose_lhs_hint = false} : vector<95x128xf32>, vector<95x128xf32>, vector<128x128xf32> -> vector<128x128xf32>
    %slice3A_447 = vector.extract_strided_slice %get3A_243 {offsets = [29, 0, 0], sizes = [1, 95, 128], strides = [1, 1, 1]} : vector<30x95x128xf32> to vector<1x95x128xf32>
    %squeeze3A_448 = vector.shape_cast %slice3A_447 : vector<1x95x128xf32> to vector<95x128xf32>
    %get3A_449 = arith.constant 0 : index
    %get3A_450 = arith.constant 0 : index
    %get3A_451 = vector.load %arg7[%get3A_449, %get3A_450] : memref<95x128xf32, #tpu.memory_space<vmem>>, vector<95x128xf32>
    %dot_general3A_452 = arith.constant dense<0.000000e+00> : vector<128x128xf32>
    %dot_general3A_453 = tpu.matmul %squeeze3A_448, %get3A_451, %dot_general3A_452 {dimension_numbers = #tpu.dot_dimension_numbers<[0], [0], [1], [1], [0, 1, 1, 1], [], []>, transpose_lhs_hint = false} : vector<95x128xf32>, vector<95x128xf32>, vector<128x128xf32> -> vector<128x128xf32>
    %concatenate3A = tpu.concatenate %dot_general3A_34, %dot_general3A_41, %dot_general3A_48, %dot_general3A_55, %dot_general3A_62, %dot_general3A_69, %dot_general3A_76, %dot_general3A_83, %dot_general3A_90, %dot_general3A_97, %dot_general3A_104, %dot_general3A_111, %dot_general3A_118, %dot_general3A_125, %dot_general3A_132, %dot_general3A_139, %dot_general3A_146, %dot_general3A_153, %dot_general3A_160, %dot_general3A_167, %dot_general3A_174, %dot_general3A_181, %dot_general3A_188, %dot_general3A_195, %dot_general3A_202, %dot_general3A_209, %dot_general3A_216, %dot_general3A_223, %dot_general3A_230, %dot_general3A_237, %dot_general3A_250, %dot_general3A_257, %dot_general3A_264, %dot_general3A_271, %dot_general3A_278, %dot_general3A_285, %dot_general3A_292, %dot_general3A_299, %dot_general3A_306, %dot_general3A_313, %dot_general3A_320, %dot_general3A_327, %dot_general3A_334, %dot_general3A_341, %dot_general3A_348, %dot_general3A_355, %dot_general3A_362, %dot_general3A_369, %dot_general3A_376, %dot_general3A_383, %dot_general3A_390, %dot_general3A_397, %dot_general3A_404, %dot_general3A_411, %dot_general3A_418, %dot_general3A_425, %dot_general3A_432, %dot_general3A_439, %dot_general3A_446, %dot_general3A_453 in 0 : vector<128x128xf32>, vector<128x128xf32>, vector<128x128xf32>, vector<128x128xf32>, vector<128x128xf32>, vector<128x128xf32>, vector<128x128xf32>, vector<128x128xf32>, vector<128x128xf32>, vector<128x128xf32>, vector<128x128xf32>, vector<128x128xf32>, vector<128x128xf32>, vector<128x128xf32>, vector<128x128xf32>, vector<128x128xf32>, vector<128x128xf32>, vector<128x128xf32>, vector<128x128xf32>, vector<128x128xf32>, vector<128x128xf32>, vector<128x128xf32>, vector<128x128xf32>, vector<128x128xf32>, vector<128x128xf32>, vector<128x128xf32>, vector<128x128xf32>, vector<128x128xf32>, vector<128x128xf32>, vector<128x128xf32>, vector<128x128xf32>, vector<128x128xf32>, vector<128x128xf32>, vector<128x128xf32>, vector<128x128xf32>, vector<128x128xf32>, vector<128x128xf32>, vector<128x128xf32>, vector<128x128xf32>, vector<128x128xf32>, vector<128x128xf32>, vector<128x128xf32>, vector<128x128xf32>, vector<128x128xf32>, vector<128x128xf32>, vector<128x128xf32>, vector<128x128xf32>, vector<128x128xf32>, vector<128x128xf32>, vector<128x128xf32>, vector<128x128xf32>, vector<128x128xf32>, vector<128x128xf32>, vector<128x128xf32>, vector<128x128xf32>, vector<128x128xf32>, vector<128x128xf32>, vector<128x128xf32>, vector<128x128xf32>, vector<128x128xf32> -> vector<7680x128xf32>
    %add3A_454 = arith.addf %add3A, %concatenate3A : vector<7680x128xf32>
    %broadcast_in_dim3A_455 = vector.shape_cast %slice3A_3 : vector<2x128x3xf32> to vector<2x1x128x3xf32>
    %broadcast_in_dim3A_456 = vector.shape_cast %broadcast_in_dim3A_455 : vector<2x1x128x3xf32> to vector<2x1x128x3xf32>
    %broadcast_in_dim3A_457 = vector.broadcast %broadcast_in_dim3A_456 : vector<2x1x128x3xf32> to vector<2x30x128x3xf32>
    %reshape3A_458 = vector.shape_cast %broadcast_in_dim3A_457 : vector<2x30x128x3xf32> to vector<7680x3xf32>
    %sub3A = arith.subf %slice3A_10, %reshape3A_458 : vector<7680x3xf32>
    %transpose3A = tpu.transpose %sub3A, [1, 0] : vector<7680x3xf32> -> vector<3x7680xf32>
    %mul3A = arith.mulf %transpose3A, %transpose3A : vector<3x7680xf32>
    %reduce_sum3A = arith.constant dense<0.000000e+00> : vector<7680xf32>
    %reduce_sum3A_459 = vector.multi_reduction <add>, %mul3A, %reduce_sum3A [0] : vector<3x7680xf32> to vector<7680xf32>
    %broadcast_in_dim3A_460 = vector.shape_cast %reduce_sum3A_459 : vector<7680xf32> to vector<1x7680xf32>
    %mul3A_461 = arith.constant 1.250000e-01 : f32
    %mul3A_462 = vector.broadcast %mul3A_461 : f32 to vector<1x7680xf32>
    %mul3A_463 = arith.mulf %broadcast_in_dim3A_460, %mul3A_462 : vector<1x7680xf32>
    %sin3A = math.sin %mul3A_463 : vector<1x7680xf32>
    %cos3A = math.cos %mul3A_463 : vector<1x7680xf32>
    %mul3A_464 = arith.constant 2.000000e+00 : f32
    %mul3A_465 = vector.broadcast %mul3A_464 : f32 to vector<1x7680xf32>
    %mul3A_466 = arith.mulf %mul3A_465, %sin3A : vector<1x7680xf32>
    %mul3A_467 = arith.mulf %mul3A_466, %cos3A : vector<1x7680xf32>
    %mul3A_468 = arith.constant 2.000000e+00 : f32
    %mul3A_469 = vector.broadcast %mul3A_468 : f32 to vector<1x7680xf32>
    %mul3A_470 = arith.mulf %mul3A_469, %sin3A : vector<1x7680xf32>
    %mul3A_471 = arith.mulf %mul3A_470, %sin3A : vector<1x7680xf32>
    %sub3A_472 = arith.constant 1.000000e+00 : f32
    %sub3A_473 = vector.broadcast %sub3A_472 : f32 to vector<1x7680xf32>
    %sub3A_474 = arith.subf %sub3A_473, %mul3A_471 : vector<1x7680xf32>
    %mul3A_475 = arith.constant 2.000000e+00 : f32
    %mul3A_476 = vector.broadcast %mul3A_475 : f32 to vector<1x7680xf32>
    %mul3A_477 = arith.mulf %mul3A_476, %mul3A_467 : vector<1x7680xf32>
    %mul3A_478 = arith.mulf %mul3A_477, %sub3A_474 : vector<1x7680xf32>
    %mul3A_479 = arith.constant 2.000000e+00 : f32
    %mul3A_480 = vector.broadcast %mul3A_479 : f32 to vector<1x7680xf32>
    %mul3A_481 = arith.mulf %mul3A_480, %mul3A_467 : vector<1x7680xf32>
    %mul3A_482 = arith.mulf %mul3A_481, %mul3A_467 : vector<1x7680xf32>
    %sub3A_483 = arith.constant 1.000000e+00 : f32
    %sub3A_484 = vector.broadcast %sub3A_483 : f32 to vector<1x7680xf32>
    %sub3A_485 = arith.subf %sub3A_484, %mul3A_482 : vector<1x7680xf32>
    %mul3A_486 = arith.constant 2.000000e+00 : f32
    %mul3A_487 = vector.broadcast %mul3A_486 : f32 to vector<1x7680xf32>
    %mul3A_488 = arith.mulf %mul3A_487, %mul3A_478 : vector<1x7680xf32>
    %mul3A_489 = arith.mulf %mul3A_488, %sub3A_485 : vector<1x7680xf32>
    %mul3A_490 = arith.constant 2.000000e+00 : f32
    %mul3A_491 = vector.broadcast %mul3A_490 : f32 to vector<1x7680xf32>
    %mul3A_492 = arith.mulf %mul3A_491, %mul3A_478 : vector<1x7680xf32>
    %mul3A_493 = arith.mulf %mul3A_492, %mul3A_478 : vector<1x7680xf32>
    %sub3A_494 = arith.constant 1.000000e+00 : f32
    %sub3A_495 = vector.broadcast %sub3A_494 : f32 to vector<1x7680xf32>
    %sub3A_496 = arith.subf %sub3A_495, %mul3A_493 : vector<1x7680xf32>
    %concatenate3A_497 = tpu.concatenate %mul3A_489, %mul3A_478, %mul3A_467, %sin3A, %sub3A_496, %sub3A_485, %sub3A_474, %cos3A, %broadcast_in_dim3A_460 in 0 : vector<1x7680xf32>, vector<1x7680xf32>, vector<1x7680xf32>, vector<1x7680xf32>, vector<1x7680xf32>, vector<1x7680xf32>, vector<1x7680xf32>, vector<1x7680xf32>, vector<1x7680xf32> -> vector<9x7680xf32>
    %transpose3A_498 = tpu.transpose %concatenate3A_497, [1, 0] : vector<9x7680xf32> -> vector<7680x9xf32>
    %get3A_499 = arith.constant 0 : index
    %get3A_500 = arith.constant 0 : index
    %get3A_501 = vector.load %arg6[%get3A_499, %get3A_500] : memref<9x128xf32, #tpu.memory_space<vmem>>, vector<9x128xf32>
    %dot_general3A_502 = arith.constant dense<0.000000e+00> : vector<7680x128xf32>
    %dot_general3A_503 = tpu.matmul %transpose3A_498, %get3A_501, %dot_general3A_502 {dimension_numbers = #tpu.dot_dimension_numbers<[1], [0], [0], [1], [0, 0, 1, 1], [], []>, transpose_lhs_hint = false} : vector<7680x9xf32>, vector<9x128xf32>, vector<7680x128xf32> -> vector<7680x128xf32>
    %add3A_504 = arith.addf %add3A_454, %dot_general3A_503 : vector<7680x128xf32>
    %get3A_505 = arith.constant 0 : index
    %get3A_506 = arith.constant 0 : index
    %get3A_507 = vector.load %arg8[%get3A_505, %get3A_506] : memref<1x128xf32, #tpu.memory_space<vmem>>, vector<1x128xf32>
    %add3A_508 = vector.broadcast %get3A_507 : vector<1x128xf32> to vector<7680x128xf32>
    %add3A_509 = arith.addf %add3A_504, %add3A_508 : vector<7680x128xf32>
    %mul3A_510 = arith.constant 5.000000e-01 : f32
    %mul3A_511 = vector.broadcast %mul3A_510 : f32 to vector<7680x128xf32>
    %mul3A_512 = arith.mulf %add3A_509, %mul3A_511 : vector<7680x128xf32>
    %mul3A_513 = arith.constant 0.707106769 : f32
    %mul3A_514 = vector.broadcast %mul3A_513 : f32 to vector<7680x128xf32>
    %mul3A_515 = arith.mulf %add3A_509, %mul3A_514 : vector<7680x128xf32>
    %erf3A = math.erf %mul3A_515 : vector<7680x128xf32>
    %add3A_516 = arith.constant 1.000000e+00 : f32
    %add3A_517 = vector.broadcast %add3A_516 : f32 to vector<7680x128xf32>
    %add3A_518 = arith.addf %add3A_517, %erf3A : vector<7680x128xf32>
    %mul3A_519 = arith.mulf %mul3A_512, %add3A_518 : vector<7680x128xf32>
    %get3A_520 = arith.constant 0 : index
    %get3A_521 = arith.constant 0 : index
    %get3A_522 = vector.load %arg9[%get3A_520, %get3A_521] : memref<128x33xf32, #tpu.memory_space<vmem>>, vector<128x33xf32>
    %dot_general3A_523 = arith.constant dense<0.000000e+00> : vector<7680x33xf32>
    %dot_general3A_524 = tpu.matmul %mul3A_519, %get3A_522, %dot_general3A_523 {dimension_numbers = #tpu.dot_dimension_numbers<[1], [0], [0], [1], [0, 0, 1, 1], [], []>, transpose_lhs_hint = false} : vector<7680x128xf32>, vector<128x33xf32>, vector<7680x33xf32> -> vector<7680x33xf32>
    %get3A_525 = arith.constant 0 : index
    %get3A_526 = arith.constant 0 : index
    %get3A_527 = vector.load %arg10[%get3A_525, %get3A_526] : memref<1x33xf32, #tpu.memory_space<vmem>>, vector<1x33xf32>
    %add3A_528 = vector.broadcast %get3A_527 : vector<1x33xf32> to vector<7680x33xf32>
    %add3A_529 = arith.addf %dot_general3A_524, %add3A_528 : vector<7680x33xf32>
    %slice3A_530 = vector.extract_strided_slice %add3A_529 {offsets = [0, 32], sizes = [7680, 1], strides = [1, 1]} : vector<7680x33xf32> to vector<7680x1xf32>
    %logistic3A = arith.negf %slice3A_530 : vector<7680x1xf32>
    %logistic3A_531 = math.exp %logistic3A : vector<7680x1xf32>
    %logistic3A_532 = arith.constant 1.000000e+00 : f32
    %logistic3A_533 = vector.broadcast %logistic3A_532 : f32 to vector<7680x1xf32>
    %logistic3A_534 = arith.addf %logistic3A_533, %logistic3A_531 : vector<7680x1xf32>
    %logistic3A_535 = arith.divf %logistic3A_533, %logistic3A_534 : vector<7680x1xf32>
    %slice3A_536 = vector.extract_strided_slice %add3A_529 {offsets = [0, 0], sizes = [7680, 32], strides = [1, 1]} : vector<7680x33xf32> to vector<7680x32xf32>
    %mul3A_537 = vector.broadcast %logistic3A_535 : vector<7680x1xf32> to vector<7680x32xf32>
    %mul3A_538 = arith.mulf %slice3A_536, %mul3A_537 : vector<7680x32xf32>
    %get3A_539 = arith.constant 0 : index
    %get3A_540 = arith.constant 0 : index
    %get3A_541 = vector.load %arg11[%get3A_539, %get3A_540] : memref<32x128xf32, #tpu.memory_space<vmem>>, vector<32x128xf32>
    %dot_general3A_542 = arith.constant dense<0.000000e+00> : vector<7680x128xf32>
    %dot_general3A_543 = tpu.matmul %mul3A_538, %get3A_541, %dot_general3A_542 {dimension_numbers = #tpu.dot_dimension_numbers<[1], [0], [0], [1], [0, 0, 1, 1], [], []>, transpose_lhs_hint = false} : vector<7680x32xf32>, vector<32x128xf32>, vector<7680x128xf32> -> vector<7680x128xf32>
    %get3A_544 = arith.constant 0 : index
    %get3A_545 = arith.constant 0 : index
    %get3A_546 = vector.load %arg12[%get3A_544, %get3A_545] : memref<1x128xf32, #tpu.memory_space<vmem>>, vector<1x128xf32>
    %add3A_547 = vector.broadcast %get3A_546 : vector<1x128xf32> to vector<7680x128xf32>
    %add3A_548 = arith.addf %dot_general3A_543, %add3A_547 : vector<7680x128xf32>
    %mul3A_549 = arith.constant 5.000000e-01 : f32
    %mul3A_550 = vector.broadcast %mul3A_549 : f32 to vector<7680x128xf32>
    %mul3A_551 = arith.mulf %add3A_548, %mul3A_550 : vector<7680x128xf32>
    %mul3A_552 = arith.constant 0.707106769 : f32
    %mul3A_553 = vector.broadcast %mul3A_552 : f32 to vector<7680x128xf32>
    %mul3A_554 = arith.mulf %add3A_548, %mul3A_553 : vector<7680x128xf32>
    %erf3A_555 = math.erf %mul3A_554 : vector<7680x128xf32>
    %add3A_556 = arith.constant 1.000000e+00 : f32
    %add3A_557 = vector.broadcast %add3A_556 : f32 to vector<7680x128xf32>
    %add3A_558 = arith.addf %add3A_557, %erf3A_555 : vector<7680x128xf32>
    %mul3A_559 = arith.mulf %mul3A_551, %add3A_558 : vector<7680x128xf32>
    %get3A_560 = arith.constant 0 : index
    %get3A_561 = arith.constant 0 : index
    %get3A_562 = vector.load %arg13[%get3A_560, %get3A_561] : memref<1x128xf32, #tpu.memory_space<vmem>>, vector<1x128xf32>
    %dot_general3A_563 = arith.constant dense<0.000000e+00> : vector<1x7680xf32>
    %dot_general3A_564 = tpu.matmul %get3A_562, %mul3A_559, %dot_general3A_563 {dimension_numbers = #tpu.dot_dimension_numbers<[1], [1], [0], [0], [0, 0, 1, 0], [], []>, transpose_lhs_hint = false} : vector<1x128xf32>, vector<7680x128xf32>, vector<1x7680xf32> -> vector<1x7680xf32>
    %get3A_565 = arith.constant 0 : index
    %get3A_566 = arith.constant 0 : index
    %get3A_567 = vector.load %arg14[%get3A_565, %get3A_566] : memref<1x1xf32, #tpu.memory_space<vmem>>, vector<1x1xf32>
    %get3A_568 = vector.extract %get3A_567[0, 0] : f32 from vector<1x1xf32>
    %add3A_569 = vector.broadcast %get3A_568 : f32 to vector<1x7680xf32>
    %add3A_570 = arith.addf %dot_general3A_564, %add3A_569 : vector<1x7680xf32>
    %get3A_571 = arith.constant 0 : index
    %get3A_572 = arith.constant 0 : index
    %get3A_573 = vector.load %arg22[%get3A_571, %get3A_572] : memref<1x1xf32, #tpu.memory_space<vmem>>, vector<1x1xf32>
    %get3A_574 = vector.extract %get3A_573[0, 0] : f32 from vector<1x1xf32>
    %mul3A_575 = vector.broadcast %get3A_574 : f32 to vector<1x7680xf32>
    %mul3A_576 = arith.mulf %add3A_570, %mul3A_575 : vector<1x7680xf32>
    %sqrt3A = math.sqrt %broadcast_in_dim3A_460 : vector<1x7680xf32>
    %max3A = arith.constant 9.99999993E-9 : f32
    %max3A_577 = vector.broadcast %max3A : f32 to vector<1x7680xf32>
    %max3A_578 = arith.maximumf %sqrt3A, %max3A_577 : vector<1x7680xf32>
    %div3A = arith.divf %mul3A_576, %max3A_578 : vector<1x7680xf32>
    %mul3A_579 = vector.broadcast %div3A : vector<1x7680xf32> to vector<3x7680xf32>
    %mul3A_580 = arith.mulf %transpose3A, %mul3A_579 : vector<3x7680xf32>
    %transpose3A_581 = tpu.transpose %mul3A_580, [1, 0] : vector<3x7680xf32> -> vector<7680x3xf32>
    %reshape3A_582 = vector.shape_cast %transpose3A_581 : vector<7680x3xf32> to vector<2x30x128x3xf32>
    %reduce_sum3A_583 = arith.constant dense<0.000000e+00> : vector<2x128x3xf32>
    %reduce_sum3A_584 = vector.multi_reduction <add>, %reshape3A_582, %reduce_sum3A_583 [1] : vector<2x30x128x3xf32> to vector<2x128x3xf32>
    %add3A_585 = arith.addf %reduce_sum3A_584, %slice3A_3 : vector<2x128x3xf32>
    %swap3A = arith.constant 0 : index
    %swap3A_586 = arith.constant 0 : index
    %swap3A_587 = arith.constant 0 : index
    %swap3A_588 = vector.load %arg24[%swap3A, %swap3A_586, %swap3A_587] : memref<2x128x3xf32, #tpu.memory_space<vmem>>, vector<2x128x3xf32>
    tpu.vector_store %arg24[%swap3A, %swap3A_586, %swap3A_587], %add3A_585 {strides = array<i32>} : memref<2x128x3xf32, #tpu.memory_space<vmem>>, vector<2x128x3xf32>,
    %reshape3A_589 = vector.shape_cast %mul3A_538 : vector<7680x32xf32> to vector<2x30x128x32xf32>
    %reduce_sum3A_590 = arith.constant dense<0.000000e+00> : vector<2x128x32xf32>
    %reduce_sum3A_591 = vector.multi_reduction <add>, %reshape3A_589, %reduce_sum3A_590 [1] : vector<2x30x128x32xf32> to vector<2x128x32xf32>
    %reshape3A_592 = vector.shape_cast %reduce_sum3A_591 : vector<2x128x32xf32> to vector<256x32xf32>
    %reduce_sum3A_593 = arith.constant dense<0.000000e+00> : vector<256xf32>
    %reduce_sum3A_594 = vector.multi_reduction <add>, %reshape3A, %reduce_sum3A_593 [1] : vector<256x32xf32> to vector<256xf32>
    %broadcast_in_dim3A_595 = vector.shape_cast %reduce_sum3A_594 : vector<256xf32> to vector<256x1xf32>
    %div3A_596 = arith.constant 3.200000e+01 : f32
    %div3A_597 = vector.broadcast %div3A_596 : f32 to vector<256x1xf32>
    %div3A_598 = arith.divf %broadcast_in_dim3A_595, %div3A_597 : vector<256x1xf32>
    %sub3A_599 = vector.broadcast %div3A_598 : vector<256x1xf32> to vector<256x32xf32>
    %sub3A_600 = arith.subf %reshape3A, %sub3A_599 : vector<256x32xf32>
    %integer_pow3A = arith.mulf %sub3A_600, %sub3A_600 : vector<256x32xf32>
    %reduce_sum3A_601 = arith.constant dense<0.000000e+00> : vector<256xf32>
    %reduce_sum3A_602 = vector.multi_reduction <add>, %integer_pow3A, %reduce_sum3A_601 [1] : vector<256x32xf32> to vector<256xf32>
    %broadcast_in_dim3A_603 = vector.shape_cast %reduce_sum3A_602 : vector<256xf32> to vector<256x1xf32>
    %div3A_604 = arith.constant 3.200000e+01 : f32
    %div3A_605 = vector.broadcast %div3A_604 : f32 to vector<256x1xf32>
    %div3A_606 = arith.divf %broadcast_in_dim3A_603, %div3A_605 : vector<256x1xf32>
    %sub3A_607 = vector.broadcast %div3A_598 : vector<256x1xf32> to vector<256x32xf32>
    %sub3A_608 = arith.subf %reshape3A, %sub3A_607 : vector<256x32xf32>
    %add3A_609 = arith.constant 9.99999974E-6 : f32
    %add3A_610 = vector.broadcast %add3A_609 : f32 to vector<256x1xf32>
    %add3A_611 = arith.addf %div3A_606, %add3A_610 : vector<256x1xf32>
    %sqrt3A_612 = math.sqrt %add3A_611 : vector<256x1xf32>
    %div3A_613 = vector.broadcast %sqrt3A_612 : vector<256x1xf32> to vector<256x32xf32>
    %div3A_614 = arith.divf %sub3A_608, %div3A_613 : vector<256x32xf32>
    %get3A_615 = arith.constant 0 : index
    %get3A_616 = arith.constant 0 : index
    %get3A_617 = vector.load %arg20[%get3A_615, %get3A_616] : memref<1x32xf32, #tpu.memory_space<vmem>>, vector<1x32xf32>
    %mul3A_618 = vector.broadcast %get3A_617 : vector<1x32xf32> to vector<256x32xf32>
    %mul3A_619 = arith.mulf %div3A_614, %mul3A_618 : vector<256x32xf32>
    %get3A_620 = arith.constant 0 : index
    %get3A_621 = arith.constant 0 : index
    %get3A_622 = vector.load %arg21[%get3A_620, %get3A_621] : memref<1x32xf32, #tpu.memory_space<vmem>>, vector<1x32xf32>
    %add3A_623 = vector.broadcast %get3A_622 : vector<1x32xf32> to vector<256x32xf32>
    %add3A_624 = arith.addf %mul3A_619, %add3A_623 : vector<256x32xf32>
    %get3A_625 = arith.constant 0 : index
    %get3A_626 = arith.constant 0 : index
    %get3A_627 = vector.load %arg15[%get3A_625, %get3A_626] : memref<32x128xf32, #tpu.memory_space<vmem>>, vector<32x128xf32>
    %dot_general3A_628 = arith.constant dense<0.000000e+00> : vector<256x128xf32>
    %dot_general3A_629 = tpu.matmul %add3A_624, %get3A_627, %dot_general3A_628 {dimension_numbers = #tpu.dot_dimension_numbers<[1], [0], [0], [1], [0, 0, 1, 1], [], []>, transpose_lhs_hint = false} : vector<256x32xf32>, vector<32x128xf32>, vector<256x128xf32> -> vector<256x128xf32>
    %get3A_630 = arith.constant 0 : index
    %get3A_631 = arith.constant 0 : index
    %get3A_632 = vector.load %arg16[%get3A_630, %get3A_631] : memref<32x128xf32, #tpu.memory_space<vmem>>, vector<32x128xf32>
    %dot_general3A_633 = arith.constant dense<0.000000e+00> : vector<256x128xf32>
    %dot_general3A_634 = tpu.matmul %reshape3A_592, %get3A_632, %dot_general3A_633 {dimension_numbers = #tpu.dot_dimension_numbers<[1], [0], [0], [1], [0, 0, 1, 1], [], []>, transpose_lhs_hint = false} : vector<256x32xf32>, vector<32x128xf32>, vector<256x128xf32> -> vector<256x128xf32>
    %add3A_635 = arith.addf %dot_general3A_629, %dot_general3A_634 : vector<256x128xf32>
    %get3A_636 = arith.constant 0 : index
    %get3A_637 = arith.constant 0 : index
    %get3A_638 = vector.load %arg17[%get3A_636, %get3A_637] : memref<1x128xf32, #tpu.memory_space<vmem>>, vector<1x128xf32>
    %add3A_639 = vector.broadcast %get3A_638 : vector<1x128xf32> to vector<256x128xf32>
    %add3A_640 = arith.addf %add3A_635, %add3A_639 : vector<256x128xf32>
    %mul3A_641 = arith.constant 5.000000e-01 : f32
    %mul3A_642 = vector.broadcast %mul3A_641 : f32 to vector<256x128xf32>
    %mul3A_643 = arith.mulf %add3A_640, %mul3A_642 : vector<256x128xf32>
    %mul3A_644 = arith.constant 0.707106769 : f32
    %mul3A_645 = vector.broadcast %mul3A_644 : f32 to vector<256x128xf32>
    %mul3A_646 = arith.mulf %add3A_640, %mul3A_645 : vector<256x128xf32>
    %erf3A_647 = math.erf %mul3A_646 : vector<256x128xf32>
    %add3A_648 = arith.constant 1.000000e+00 : f32
    %add3A_649 = vector.broadcast %add3A_648 : f32 to vector<256x128xf32>
    %add3A_650 = arith.addf %add3A_649, %erf3A_647 : vector<256x128xf32>
    %mul3A_651 = arith.mulf %mul3A_643, %add3A_650 : vector<256x128xf32>
    %get3A_652 = arith.constant 0 : index
    %get3A_653 = arith.constant 0 : index
    %get3A_654 = vector.load %arg18[%get3A_652, %get3A_653] : memref<128x32xf32, #tpu.memory_space<vmem>>, vector<128x32xf32>
    %dot_general3A_655 = arith.constant dense<0.000000e+00> : vector<256x32xf32>
    %dot_general3A_656 = tpu.matmul %mul3A_651, %get3A_654, %dot_general3A_655 {dimension_numbers = #tpu.dot_dimension_numbers<[1], [0], [0], [1], [0, 0, 1, 1], [], []>, transpose_lhs_hint = false} : vector<256x128xf32>, vector<128x32xf32>, vector<256x32xf32> -> vector<256x32xf32>
    %get3A_657 = arith.constant 0 : index
    %get3A_658 = arith.constant 0 : index
    %get3A_659 = vector.load %arg19[%get3A_657, %get3A_658] : memref<1x32xf32, #tpu.memory_space<vmem>>, vector<1x32xf32>
    %add3A_660 = vector.broadcast %get3A_659 : vector<1x32xf32> to vector<256x32xf32>
    %add3A_661 = arith.addf %dot_general3A_656, %add3A_660 : vector<256x32xf32>
    %add3A_662 = arith.addf %add3A_661, %reshape3A : vector<256x32xf32>
    %reshape3A_663 = vector.shape_cast %add3A_662 : vector<256x32xf32> to vector<2x128x32xf32>
    %swap3A_664 = arith.constant 0 : index
    %swap3A_665 = arith.constant 0 : index
    %swap3A_666 = arith.constant 0 : index
    %swap3A_667 = vector.load %arg23[%swap3A_664, %swap3A_665, %swap3A_666] : memref<2x128x32xf32, #tpu.memory_space<vmem>>, vector<2x128x32xf32>
    tpu.vector_store %arg23[%swap3A_664, %swap3A_665, %swap3A_666], %reshape3A_663 {strides = array<i32>} : memref<2x128x32xf32, #tpu.memory_space<vmem>>, vector<2x128x32xf32>,
    return
  }
  func.func @transform_0(%arg0: i32) -> (i32, i32, i32) {
    %add3A = arith.constant 8 : i32
    %add3A_0 = arith.addi %arg0, %add3A : i32
    %c0_i32 = arith.constant 0 : i32
    %c0_i32_1 = arith.constant 0 : i32
    %c0_i32_2 = arith.constant 0 : i32
    return %c0_i32, %add3A_0, %c0_i32_1 : i32, i32, i32
  }
  func.func @transform_1(%arg0: i32) -> (i32, i32, i32, i32) {
    %c0_i32 = arith.constant 0 : i32
    %c0_i32_0 = arith.constant 0 : i32
    %c0_i32_1 = arith.constant 0 : i32
    %c0_i32_2 = arith.constant 0 : i32
    return %c0_i32, %c0_i32_0, %arg0, %c0_i32_1 : i32, i32, i32, i32
  }
  func.func @transform_2(%arg0: i32) -> (i32, i32, i32, i32) {
    %add3A = arith.constant 8 : i32
    %add3A_0 = arith.addi %arg0, %add3A : i32
    %c0_i32 = arith.constant 0 : i32
    %c0_i32_1 = arith.constant 0 : i32
    %c0_i32_2 = arith.constant 0 : i32
    %c0_i32_3 = arith.constant 0 : i32
    return %c0_i32, %c0_i32_1, %c0_i32_2, %add3A_0 : i32, i32, i32, i32
  }
  func.func @transform_3(%arg0: i32) -> (i32, i32) {
    %c0_i32 = arith.constant 0 : i32
    %c0_i32_0 = arith.constant 0 : i32
    %c0_i32_1 = arith.constant 0 : i32
    return %c0_i32, %c0_i32_0 : i32, i32
  }
  func.func @transform_4(%arg0: i32) -> (i32, i32) {
    %c0_i32 = arith.constant 0 : i32
    %c0_i32_0 = arith.constant 0 : i32
    %c0_i32_1 = arith.constant 0 : i32
    return %c0_i32, %c0_i32_0 : i32, i32
  }
  func.func @transform_5(%arg0: i32) -> (i32, i32) {
    %c0_i32 = arith.constant 0 : i32
    %c0_i32_0 = arith.constant 0 : i32
    %c0_i32_1 = arith.constant 0 : i32
    return %c0_i32, %c0_i32_0 : i32, i32
  }
  func.func @transform_6(%arg0: i32) -> (i32, i32) {
    %c0_i32 = arith.constant 0 : i32
    %c0_i32_0 = arith.constant 0 : i32
    %c0_i32_1 = arith.constant 0 : i32
    return %c0_i32, %c0_i32_0 : i32, i32
  }
  func.func @transform_7(%arg0: i32) -> (i32, i32) {
    %c0_i32 = arith.constant 0 : i32
    %c0_i32_0 = arith.constant 0 : i32
    %c0_i32_1 = arith.constant 0 : i32
    return %c0_i32, %c0_i32_0 : i32, i32
  }
  func.func @transform_8(%arg0: i32) -> (i32, i32) {
    %c0_i32 = arith.constant 0 : i32
    %c0_i32_0 = arith.constant 0 : i32
    %c0_i32_1 = arith.constant 0 : i32
    return %c0_i32, %c0_i32_0 : i32, i32
  }
  func.func @transform_9(%arg0: i32) -> (i32, i32) {
    %c0_i32 = arith.constant 0 : i32
    %c0_i32_0 = arith.constant 0 : i32
    %c0_i32_1 = arith.constant 0 : i32
    return %c0_i32, %c0_i32_0 : i32, i32
  }
  func.func @transform_10(%arg0: i32) -> (i32, i32) {
    %c0_i32 = arith.constant 0 : i32
    %c0_i32_0 = arith.constant 0 : i32
    %c0_i32_1 = arith.constant 0 : i32
    return %c0_i32, %c0_i32_0 : i32, i32
  }
  func.func @transform_11(%arg0: i32) -> (i32, i32) {
    %c0_i32 = arith.constant 0 : i32
    %c0_i32_0 = arith.constant 0 : i32
    %c0_i32_1 = arith.constant 0 : i32
    return %c0_i32, %c0_i32_0 : i32, i32
  }
  func.func @transform_12(%arg0: i32) -> (i32, i32) {
    %c0_i32 = arith.constant 0 : i32
    %c0_i32_0 = arith.constant 0 : i32
    %c0_i32_1 = arith.constant 0 : i32
    return %c0_i32, %c0_i32_0 : i32, i32
  }
  func.func @transform_13(%arg0: i32) -> (i32, i32) {
    %c0_i32 = arith.constant 0 : i32
    %c0_i32_0 = arith.constant 0 : i32
    %c0_i32_1 = arith.constant 0 : i32
    return %c0_i32, %c0_i32_0 : i32, i32
  }
  func.func @transform_14(%arg0: i32) -> (i32, i32) {
    %c0_i32 = arith.constant 0 : i32
    %c0_i32_0 = arith.constant 0 : i32
    %c0_i32_1 = arith.constant 0 : i32
    return %c0_i32, %c0_i32_0 : i32, i32
  }
  func.func @transform_15(%arg0: i32) -> (i32, i32) {
    %c0_i32 = arith.constant 0 : i32
    %c0_i32_0 = arith.constant 0 : i32
    %c0_i32_1 = arith.constant 0 : i32
    return %c0_i32, %c0_i32_0 : i32, i32
  }
  func.func @transform_16(%arg0: i32) -> (i32, i32) {
    %c0_i32 = arith.constant 0 : i32
    %c0_i32_0 = arith.constant 0 : i32
    %c0_i32_1 = arith.constant 0 : i32
    return %c0_i32, %c0_i32_0 : i32, i32
  }
  func.func @transform_17(%arg0: i32) -> (i32, i32) {
    %c0_i32 = arith.constant 0 : i32
    %c0_i32_0 = arith.constant 0 : i32
    %c0_i32_1 = arith.constant 0 : i32
    return %c0_i32, %c0_i32_0 : i32, i32
  }
  func.func @transform_18(%arg0: i32) -> (i32, i32) {
    %c0_i32 = arith.constant 0 : i32
    %c0_i32_0 = arith.constant 0 : i32
    %c0_i32_1 = arith.constant 0 : i32
    return %c0_i32, %c0_i32_0 : i32, i32
  }
  func.func @transform_19(%arg0: i32) -> (i32, i32) {
    %c0_i32 = arith.constant 0 : i32
    %c0_i32_0 = arith.constant 0 : i32
    %c0_i32_1 = arith.constant 0 : i32
    return %c0_i32, %c0_i32_0 : i32, i32
  }
  func.func @transform_20(%arg0: i32) -> (i32, i32) {
    %c0_i32 = arith.constant 0 : i32
    %c0_i32_0 = arith.constant 0 : i32
    %c0_i32_1 = arith.constant 0 : i32
    return %c0_i32, %c0_i32_0 : i32, i32
  }
  func.func @transform_21(%arg0: i32) -> (i32, i32) {
    %c0_i32 = arith.constant 0 : i32
    %c0_i32_0 = arith.constant 0 : i32
    %c0_i32_1 = arith.constant 0 : i32
    return %c0_i32, %c0_i32_0 : i32, i32
  }
  func.func @transform_22(%arg0: i32) -> (i32, i32, i32) {
    %c0_i32 = arith.constant 0 : i32
    %c0_i32_0 = arith.constant 0 : i32
    %c0_i32_1 = arith.constant 0 : i32
    return %c0_i32, %arg0, %c0_i32_0 : i32, i32, i32
  }
  func.func @transform_23(%arg0: i32) -> (i32, i32, i32) {
    %c0_i32 = arith.constant 0 : i32
    %c0_i32_0 = arith.constant 0 : i32
    %c0_i32_1 = arith.constant 0 : i32
    return %c0_i32, %arg0, %c0_i32_0 : i32, i32, i32
  }
}

module attributes {stable_mosaic.version = 14 : i64} {
  func.func @_tc_body(%arg0: i32, %arg1: memref<2x128x128xf32, #tpu.memory_space<vmem>>, %arg2: memref<2x30x128x128xf32, #tpu.memory_space<vmem>>, %arg3: memref<30x95x2x128xf32, #tpu.memory_space<vmem>>, %arg4: memref<32x128xf32, #tpu.memory_space<vmem>>, %arg5: memref<128x128xf32, #tpu.memory_space<vmem>>, %arg6: memref<9x128xf32, #tpu.memory_space<vmem>>, %arg7: memref<95x128xf32, #tpu.memory_space<vmem>>, %arg8: memref<1x128xf32, #tpu.memory_space<vmem>>, %arg9: memref<128x33xf32, #tpu.memory_space<vmem>>, %arg10: memref<1x33xf32, #tpu.memory_space<vmem>>, %arg11: memref<32x128xf32, #tpu.memory_space<vmem>>, %arg12: memref<1x128xf32, #tpu.memory_space<vmem>>, %arg13: memref<1x128xf32, #tpu.memory_space<vmem>>, %arg14: memref<1x1xf32, #tpu.memory_space<vmem>>, %arg15: memref<32x128xf32, #tpu.memory_space<vmem>>, %arg16: memref<32x128xf32, #tpu.memory_space<vmem>>, %arg17: memref<1x128xf32, #tpu.memory_space<vmem>>, %arg18: memref<128x32xf32, #tpu.memory_space<vmem>>, %arg19: memref<1x32xf32, #tpu.memory_space<vmem>>, %arg20: memref<1x32xf32, #tpu.memory_space<vmem>>, %arg21: memref<1x32xf32, #tpu.memory_space<vmem>>, %arg22: memref<1x1xf32, #tpu.memory_space<vmem>>, %arg23: memref<2x128x32xf32, #tpu.memory_space<vmem>>, %arg24: memref<2x128x3xf32, #tpu.memory_space<vmem>>) attributes {dimension_semantics = [#tpu.dimension_semantics<parallel>], iteration_bounds = array<i64: 8>, scalar_prefetch = 0 : i64, scratch_operands = 0 : i64, tpu.core_type = #tpu.core_type<tc>, window_params = [{transform_indices = @transform_0, window_bounds = array<i64: 2, 128, 128>}, {transform_indices = @transform_1, window_bounds = array<i64: 2, 30, 128, 128>}, {transform_indices = @transform_2, window_bounds = array<i64: 30, 95, 2, 128>}, {pipeline_mode = #tpu.pipeline_mode<synchronous>, transform_indices = @transform_3, window_bounds = array<i64: 32, 128>}, {pipeline_mode = #tpu.pipeline_mode<synchronous>, transform_indices = @transform_4, window_bounds = array<i64: 128, 128>}, {pipeline_mode = #tpu.pipeline_mode<synchronous>, transform_indices = @transform_5, window_bounds = array<i64: 9, 128>}, {pipeline_mode = #tpu.pipeline_mode<synchronous>, transform_indices = @transform_6, window_bounds = array<i64: 95, 128>}, {pipeline_mode = #tpu.pipeline_mode<synchronous>, transform_indices = @transform_7, window_bounds = array<i64: 1, 128>}, {pipeline_mode = #tpu.pipeline_mode<synchronous>, transform_indices = @transform_8, window_bounds = array<i64: 128, 33>}, {pipeline_mode = #tpu.pipeline_mode<synchronous>, transform_indices = @transform_9, window_bounds = array<i64: 1, 33>}, {pipeline_mode = #tpu.pipeline_mode<synchronous>, transform_indices = @transform_10, window_bounds = array<i64: 32, 128>}, {pipeline_mode = #tpu.pipeline_mode<synchronous>, transform_indices = @transform_11, window_bounds = array<i64: 1, 128>}, {pipeline_mode = #tpu.pipeline_mode<synchronous>, transform_indices = @transform_12, window_bounds = array<i64: 1, 128>}, {pipeline_mode = #tpu.pipeline_mode<synchronous>, transform_indices = @transform_13, window_bounds = array<i64: 1, 1>}, {pipeline_mode = #tpu.pipeline_mode<synchronous>, transform_indices = @transform_14, window_bounds = array<i64: 32, 128>}, {pipeline_mode = #tpu.pipeline_mode<synchronous>, transform_indices = @transform_15, window_bounds = array<i64: 32, 128>}, {pipeline_mode = #tpu.pipeline_mode<synchronous>, transform_indices = @transform_16, window_bounds = array<i64: 1, 128>}, {pipeline_mode = #tpu.pipeline_mode<synchronous>, transform_indices = @transform_17, window_bounds = array<i64: 128, 32>}, {pipeline_mode = #tpu.pipeline_mode<synchronous>, transform_indices = @transform_18, window_bounds = array<i64: 1, 32>}, {pipeline_mode = #tpu.pipeline_mode<synchronous>, transform_indices = @transform_19, window_bounds = array<i64: 1, 32>}, {pipeline_mode = #tpu.pipeline_mode<synchronous>, transform_indices = @transform_20, window_bounds = array<i64: 1, 32>}, {pipeline_mode = #tpu.pipeline_mode<synchronous>, transform_indices = @transform_21, window_bounds = array<i64: 1, 1>}, {transform_indices = @transform_22, window_bounds = array<i64: 2, 128, 32>}, {transform_indices = @transform_23, window_bounds = array<i64: 2, 128, 3>}]} {
    %get3A = arith.constant 0 : index
    %get3A_0 = arith.constant 0 : index
    %get3A_1 = arith.constant 0 : index
    %get3A_2 = vector.load %arg1[%get3A, %get3A_0, %get3A_1] : memref<2x128x128xf32, #tpu.memory_space<vmem>>, vector<2x128x128xf32>
    %slice3A = vector.extract_strided_slice %get3A_2 {offsets = [0, 0, 0], sizes = [2, 128, 32], strides = [1, 1, 1]} : vector<2x128x128xf32> to vector<2x128x32xf32>
    %reshape3A = vector.shape_cast %slice3A : vector<2x128x32xf32> to vector<256x32xf32>
    %slice3A_3 = vector.extract_strided_slice %get3A_2 {offsets = [0, 0, 32], sizes = [2, 128, 3], strides = [1, 1, 1]} : vector<2x128x128xf32> to vector<2x128x3xf32>
    %get3A_4 = arith.constant 0 : index
    %get3A_5 = arith.constant 0 : index
    %get3A_6 = arith.constant 0 : index
    %get3A_7 = arith.constant 0 : index
    %get3A_8 = vector.load %arg2[%get3A_4, %get3A_5, %get3A_6, %get3A_7] : memref<2x30x128x128xf32, #tpu.memory_space<vmem>>, vector<2x30x128x128xf32>
    %reshape3A_9 = vector.shape_cast %get3A_8 : vector<2x30x128x128xf32> to vector<7680x128xf32>
    %slice3A_10 = vector.extract_strided_slice %reshape3A_9 {offsets = [0, 32], sizes = [7680, 3], strides = [1, 1]} : vector<7680x128xf32> to vector<7680x3xf32>
    %get3A_11 = arith.constant 0 : index
    %get3A_12 = arith.constant 0 : index
    %get3A_13 = vector.load %arg4[%get3A_11, %get3A_12] : memref<32x128xf32, #tpu.memory_space<vmem>>, vector<32x128xf32>
    %dot_general3A = arith.constant dense<0.000000e+00> : vector<256x128xf32>
    %dot_general3A_14 = tpu.matmul %reshape3A, %get3A_13, %dot_general3A {dimension_numbers = #tpu.dot_dimension_numbers<[1], [0], [0], [1], [0, 0, 1, 1], [], []>, transpose_lhs_hint = false} : vector<256x32xf32>, vector<32x128xf32>, vector<256x128xf32> -> vector<256x128xf32>
    %reshape3A_15 = vector.shape_cast %dot_general3A_14 : vector<256x128xf32> to vector<2x1x128x128xf32>
    %broadcast_in_dim3A = vector.shape_cast %reshape3A_15 : vector<2x1x128x128xf32> to vector<2x1x128x128xf32>
    %broadcast_in_dim3A_16 = vector.broadcast %broadcast_in_dim3A : vector<2x1x128x128xf32> to vector<2x30x128x128xf32>
    %reshape3A_17 = vector.shape_cast %broadcast_in_dim3A_16 : vector<2x30x128x128xf32> to vector<7680x128xf32>
    %get3A_18 = arith.constant 0 : index
    %get3A_19 = arith.constant 0 : index
    %get3A_20 = vector.load %arg5[%get3A_18, %get3A_19] : memref<128x128xf32, #tpu.memory_space<vmem>>, vector<128x128xf32>
    %dot_general3A_21 = arith.constant dense<0.000000e+00> : vector<7680x128xf32>
    %dot_general3A_22 = tpu.matmul %reshape3A_9, %get3A_20, %dot_general3A_21 {dimension_numbers = #tpu.dot_dimension_numbers<[1], [0], [0], [1], [0, 0, 1, 1], [], []>, transpose_lhs_hint = false} : vector<7680x128xf32>, vector<128x128xf32>, vector<7680x128xf32> -> vector<7680x128xf32>
    %add3A = arith.addf %reshape3A_17, %dot_general3A_22 : vector<7680x128xf32>
    %get3A_23 = arith.constant 0 : index
    %get3A_24 = arith.constant 0 : index
    %get3A_25 = arith.constant 0 : index
    %get3A_26 = arith.constant 0 : index
    %get3A_27 = vector.load %arg3[%get3A_23, %get3A_24, %get3A_25, %get3A_26] : memref<30x95x2x128xf32, #tpu.memory_space<vmem>>, vector<30x95x1x128xf32>
    %get3A_28 = vector.shape_cast %get3A_27 : vector<30x95x1x128xf32> to vector<30x95x128xf32>
    %slice3A_29 = vector.extract_strided_slice %get3A_28 {offsets = [0, 0, 0], sizes = [1, 95, 128], strides = [1, 1, 1]} : vector<30x95x128xf32> to vector<1x95x128xf32>
    %squeeze3A = vector.shape_cast %slice3A_29 : vector<1x95x128xf32> to vector<95x128xf32>
    %get3A_30 = arith.constant 0 : index
    %get3A_31 = arith.constant 0 : index
    %get3A_32 = vector.load %arg7[%get3A_30, %get3A_31] : memref<95x128xf32, #tpu.memory_space<vmem>>, vector<95x128xf32>
    %dot_general3A_33 = arith.constant dense<0.000000e+00> : vector<128x128xf32>
    %dot_general3A_34 = tpu.matmul %squeeze3A, %get3A_32, %dot_general3A_33 {dimension_numbers = #tpu.dot_dimension_numbers<[0], [0], [1], [1], [0, 1, 1, 1], [], []>, transpose_lhs_hint = false} : vector<95x128xf32>, vector<95x128xf32>, vector<128x128xf32> -> vector<128x128xf32>
    %slice3A_35 = vector.extract_strided_slice %get3A_28 {offsets = [1, 0, 0], sizes = [1, 95, 128], strides = [1, 1, 1]} : vector<30x95x128xf32> to vector<1x95x128xf32>
    %squeeze3A_36 = vector.shape_cast %slice3A_35 : vector<1x95x128xf32> to vector<95x128xf32>
    %get3A_37 = arith.constant 0 : index
    %get3A_38 = arith.constant 0 : index
    %get3A_39 = vector.load %arg7[%get3A_37, %get3A_38] : memref<95x128xf32, #tpu.memory_space<vmem>>, vector<95x128xf32>
    %dot_general3A_40 = arith.constant dense<0.000000e+00> : vector<128x128xf32>
    %dot_general3A_41 = tpu.matmul %squeeze3A_36, %get3A_39, %dot_general3A_40 {dimension_numbers = #tpu.dot_dimension_numbers<[0], [0], [1], [1], [0, 1, 1, 1], [], []>, transpose_lhs_hint = false} : vector<95x128xf32>, vector<95x128xf32>, vector<128x128xf32> -> vector<128x128xf32>
    %slice3A_42 = vector.extract_strided_slice %get3A_28 {offsets = [2, 0, 0], sizes = [1, 95, 128], strides = [1, 1, 1]} : vector<30x95x128xf32> to vector<1x95x128xf32>
    %squeeze3A_43 = vector.shape_cast %slice3A_42 : vector<1x95x128xf32> to vector<95x128xf32>
    %get3A_44 = arith.constant 0 : index
    %get3A_45 = arith.constant 0 : index
    %get3A_46 = vector.load %arg7[%get3A_44, %get3A_45] : memref<95x128xf32, #tpu.memory_space<vmem>>, vector<95x128xf32>
    %dot_general3A_47 = arith.constant dense<0.000000e+00> : vector<128x128xf32>
    %dot_general3A_48 = tpu.matmul %squeeze3A_43, %get3A_46, %dot_general3A_47 {dimension_numbers = #tpu.dot_dimension_numbers<[0], [0], [1], [1], [0, 1, 1, 1], [], []>, transpose_lhs_hint = false} : vector<95x128xf32>, vector<95x128xf32>, vector<128x128xf32> -> vector<128x128xf32>
    %slice3A_49 = vector.extract_strided_slice %get3A_28 {offsets = [3, 0, 0], sizes = [1, 95, 128], strides = [1, 1, 1]} : vector<30x95x128xf32> to vector<1x95x128xf32>
    %squeeze3A_50 = vector.shape_cast %slice3A_49 : vector<1x95x128xf32> to vector<95x128xf32>
    %get3A_51 = arith.constant 0 : index
    %get3A_52 = arith.constant 0 : index
    %get3A_53 = vector.load %arg7[%get3A_51, %get3A_52] : memref<95x128xf32, #tpu.memory_space<vmem>>, vector<95x128xf32>
    %dot_general3A_54 = arith.constant dense<0.000000e+00> : vector<128x128xf32>
    %dot_general3A_55 = tpu.matmul %squeeze3A_50, %get3A_53, %dot_general3A_54 {dimension_numbers = #tpu.dot_dimension_numbers<[0], [0], [1], [1], [0, 1, 1, 1], [], []>, transpose_lhs_hint = false} : vector<95x128xf32>, vector<95x128xf32>, vector<128x128xf32> -> vector<128x128xf32>
    %slice3A_56 = vector.extract_strided_slice %get3A_28 {offsets = [4, 0, 0], sizes = [1, 95, 128], strides = [1, 1, 1]} : vector<30x95x128xf32> to vector<1x95x128xf32>
    %squeeze3A_57 = vector.shape_cast %slice3A_56 : vector<1x95x128xf32> to vector<95x128xf32>
    %get3A_58 = arith.constant 0 : index
    %get3A_59 = arith.constant 0 : index
    %get3A_60 = vector.load %arg7[%get3A_58, %get3A_59] : memref<95x128xf32, #tpu.memory_space<vmem>>, vector<95x128xf32>
    %dot_general3A_61 = arith.constant dense<0.000000e+00> : vector<128x128xf32>
    %dot_general3A_62 = tpu.matmul %squeeze3A_57, %get3A_60, %dot_general3A_61 {dimension_numbers = #tpu.dot_dimension_numbers<[0], [0], [1], [1], [0, 1, 1, 1], [], []>, transpose_lhs_hint = false} : vector<95x128xf32>, vector<95x128xf32>, vector<128x128xf32> -> vector<128x128xf32>
    %slice3A_63 = vector.extract_strided_slice %get3A_28 {offsets = [5, 0, 0], sizes = [1, 95, 128], strides = [1, 1, 1]} : vector<30x95x128xf32> to vector<1x95x128xf32>
    %squeeze3A_64 = vector.shape_cast %slice3A_63 : vector<1x95x128xf32> to vector<95x128xf32>
    %get3A_65 = arith.constant 0 : index
    %get3A_66 = arith.constant 0 : index
    %get3A_67 = vector.load %arg7[%get3A_65, %get3A_66] : memref<95x128xf32, #tpu.memory_space<vmem>>, vector<95x128xf32>
    %dot_general3A_68 = arith.constant dense<0.000000e+00> : vector<128x128xf32>
    %dot_general3A_69 = tpu.matmul %squeeze3A_64, %get3A_67, %dot_general3A_68 {dimension_numbers = #tpu.dot_dimension_numbers<[0], [0], [1], [1], [0, 1, 1, 1], [], []>, transpose_lhs_hint = false} : vector<95x128xf32>, vector<95x128xf32>, vector<128x128xf32> -> vector<128x128xf32>
    %slice3A_70 = vector.extract_strided_slice %get3A_28 {offsets = [6, 0, 0], sizes = [1, 95, 128], strides = [1, 1, 1]} : vector<30x95x128xf32> to vector<1x95x128xf32>
    %squeeze3A_71 = vector.shape_cast %slice3A_70 : vector<1x95x128xf32> to vector<95x128xf32>
    %get3A_72 = arith.constant 0 : index
    %get3A_73 = arith.constant 0 : index
    %get3A_74 = vector.load %arg7[%get3A_72, %get3A_73] : memref<95x128xf32, #tpu.memory_space<vmem>>, vector<95x128xf32>
    %dot_general3A_75 = arith.constant dense<0.000000e+00> : vector<128x128xf32>
    %dot_general3A_76 = tpu.matmul %squeeze3A_71, %get3A_74, %dot_general3A_75 {dimension_numbers = #tpu.dot_dimension_numbers<[0], [0], [1], [1], [0, 1, 1, 1], [], []>, transpose_lhs_hint = false} : vector<95x128xf32>, vector<95x128xf32>, vector<128x128xf32> -> vector<128x128xf32>
    %slice3A_77 = vector.extract_strided_slice %get3A_28 {offsets = [7, 0, 0], sizes = [1, 95, 128], strides = [1, 1, 1]} : vector<30x95x128xf32> to vector<1x95x128xf32>
    %squeeze3A_78 = vector.shape_cast %slice3A_77 : vector<1x95x128xf32> to vector<95x128xf32>
    %get3A_79 = arith.constant 0 : index
    %get3A_80 = arith.constant 0 : index
    %get3A_81 = vector.load %arg7[%get3A_79, %get3A_80] : memref<95x128xf32, #tpu.memory_space<vmem>>, vector<95x128xf32>
    %dot_general3A_82 = arith.constant dense<0.000000e+00> : vector<128x128xf32>
    %dot_general3A_83 = tpu.matmul %squeeze3A_78, %get3A_81, %dot_general3A_82 {dimension_numbers = #tpu.dot_dimension_numbers<[0], [0], [1], [1], [0, 1, 1, 1], [], []>, transpose_lhs_hint = false} : vector<95x128xf32>, vector<95x128xf32>, vector<128x128xf32> -> vector<128x128xf32>
    %slice3A_84 = vector.extract_strided_slice %get3A_28 {offsets = [8, 0, 0], sizes = [1, 95, 128], strides = [1, 1, 1]} : vector<30x95x128xf32> to vector<1x95x128xf32>
    %squeeze3A_85 = vector.shape_cast %slice3A_84 : vector<1x95x128xf32> to vector<95x128xf32>
    %get3A_86 = arith.constant 0 : index
    %get3A_87 = arith.constant 0 : index
    %get3A_88 = vector.load %arg7[%get3A_86, %get3A_87] : memref<95x128xf32, #tpu.memory_space<vmem>>, vector<95x128xf32>
    %dot_general3A_89 = arith.constant dense<0.000000e+00> : vector<128x128xf32>
    %dot_general3A_90 = tpu.matmul %squeeze3A_85, %get3A_88, %dot_general3A_89 {dimension_numbers = #tpu.dot_dimension_numbers<[0], [0], [1], [1], [0, 1, 1, 1], [], []>, transpose_lhs_hint = false} : vector<95x128xf32>, vector<95x128xf32>, vector<128x128xf32> -> vector<128x128xf32>
    %slice3A_91 = vector.extract_strided_slice %get3A_28 {offsets = [9, 0, 0], sizes = [1, 95, 128], strides = [1, 1, 1]} : vector<30x95x128xf32> to vector<1x95x128xf32>
    %squeeze3A_92 = vector.shape_cast %slice3A_91 : vector<1x95x128xf32> to vector<95x128xf32>
    %get3A_93 = arith.constant 0 : index
    %get3A_94 = arith.constant 0 : index
    %get3A_95 = vector.load %arg7[%get3A_93, %get3A_94] : memref<95x128xf32, #tpu.memory_space<vmem>>, vector<95x128xf32>
    %dot_general3A_96 = arith.constant dense<0.000000e+00> : vector<128x128xf32>
    %dot_general3A_97 = tpu.matmul %squeeze3A_92, %get3A_95, %dot_general3A_96 {dimension_numbers = #tpu.dot_dimension_numbers<[0], [0], [1], [1], [0, 1, 1, 1], [], []>, transpose_lhs_hint = false} : vector<95x128xf32>, vector<95x128xf32>, vector<128x128xf32> -> vector<128x128xf32>
    %slice3A_98 = vector.extract_strided_slice %get3A_28 {offsets = [10, 0, 0], sizes = [1, 95, 128], strides = [1, 1, 1]} : vector<30x95x128xf32> to vector<1x95x128xf32>
    %squeeze3A_99 = vector.shape_cast %slice3A_98 : vector<1x95x128xf32> to vector<95x128xf32>
    %get3A_100 = arith.constant 0 : index
    %get3A_101 = arith.constant 0 : index
    %get3A_102 = vector.load %arg7[%get3A_100, %get3A_101] : memref<95x128xf32, #tpu.memory_space<vmem>>, vector<95x128xf32>
    %dot_general3A_103 = arith.constant dense<0.000000e+00> : vector<128x128xf32>
    %dot_general3A_104 = tpu.matmul %squeeze3A_99, %get3A_102, %dot_general3A_103 {dimension_numbers = #tpu.dot_dimension_numbers<[0], [0], [1], [1], [0, 1, 1, 1], [], []>, transpose_lhs_hint = false} : vector<95x128xf32>, vector<95x128xf32>, vector<128x128xf32> -> vector<128x128xf32>
    %slice3A_105 = vector.extract_strided_slice %get3A_28 {offsets = [11, 0, 0], sizes = [1, 95, 128], strides = [1, 1, 1]} : vector<30x95x128xf32> to vector<1x95x128xf32>
    %squeeze3A_106 = vector.shape_cast %slice3A_105 : vector<1x95x128xf32> to vector<95x128xf32>
    %get3A_107 = arith.constant 0 : index
    %get3A_108 = arith.constant 0 : index
    %get3A_109 = vector.load %arg7[%get3A_107, %get3A_108] : memref<95x128xf32, #tpu.memory_space<vmem>>, vector<95x128xf32>
    %dot_general3A_110 = arith.constant dense<0.000000e+00> : vector<128x128xf32>
    %dot_general3A_111 = tpu.matmul %squeeze3A_106, %get3A_109, %dot_general3A_110 {dimension_numbers = #tpu.dot_dimension_numbers<[0], [0], [1], [1], [0, 1, 1, 1], [], []>, transpose_lhs_hint = false} : vector<95x128xf32>, vector<95x128xf32>, vector<128x128xf32> -> vector<128x128xf32>
    %slice3A_112 = vector.extract_strided_slice %get3A_28 {offsets = [12, 0, 0], sizes = [1, 95, 128], strides = [1, 1, 1]} : vector<30x95x128xf32> to vector<1x95x128xf32>
    %squeeze3A_113 = vector.shape_cast %slice3A_112 : vector<1x95x128xf32> to vector<95x128xf32>
    %get3A_114 = arith.constant 0 : index
    %get3A_115 = arith.constant 0 : index
    %get3A_116 = vector.load %arg7[%get3A_114, %get3A_115] : memref<95x128xf32, #tpu.memory_space<vmem>>, vector<95x128xf32>
    %dot_general3A_117 = arith.constant dense<0.000000e+00> : vector<128x128xf32>
    %dot_general3A_118 = tpu.matmul %squeeze3A_113, %get3A_116, %dot_general3A_117 {dimension_numbers = #tpu.dot_dimension_numbers<[0], [0], [1], [1], [0, 1, 1, 1], [], []>, transpose_lhs_hint = false} : vector<95x128xf32>, vector<95x128xf32>, vector<128x128xf32> -> vector<128x128xf32>
    %slice3A_119 = vector.extract_strided_slice %get3A_28 {offsets = [13, 0, 0], sizes = [1, 95, 128], strides = [1, 1, 1]} : vector<30x95x128xf32> to vector<1x95x128xf32>
    %squeeze3A_120 = vector.shape_cast %slice3A_119 : vector<1x95x128xf32> to vector<95x128xf32>
    %get3A_121 = arith.constant 0 : index
    %get3A_122 = arith.constant 0 : index
    %get3A_123 = vector.load %arg7[%get3A_121, %get3A_122] : memref<95x128xf32, #tpu.memory_space<vmem>>, vector<95x128xf32>
    %dot_general3A_124 = arith.constant dense<0.000000e+00> : vector<128x128xf32>
    %dot_general3A_125 = tpu.matmul %squeeze3A_120, %get3A_123, %dot_general3A_124 {dimension_numbers = #tpu.dot_dimension_numbers<[0], [0], [1], [1], [0, 1, 1, 1], [], []>, transpose_lhs_hint = false} : vector<95x128xf32>, vector<95x128xf32>, vector<128x128xf32> -> vector<128x128xf32>
    %slice3A_126 = vector.extract_strided_slice %get3A_28 {offsets = [14, 0, 0], sizes = [1, 95, 128], strides = [1, 1, 1]} : vector<30x95x128xf32> to vector<1x95x128xf32>
    %squeeze3A_127 = vector.shape_cast %slice3A_126 : vector<1x95x128xf32> to vector<95x128xf32>
    %get3A_128 = arith.constant 0 : index
    %get3A_129 = arith.constant 0 : index
    %get3A_130 = vector.load %arg7[%get3A_128, %get3A_129] : memref<95x128xf32, #tpu.memory_space<vmem>>, vector<95x128xf32>
    %dot_general3A_131 = arith.constant dense<0.000000e+00> : vector<128x128xf32>
    %dot_general3A_132 = tpu.matmul %squeeze3A_127, %get3A_130, %dot_general3A_131 {dimension_numbers = #tpu.dot_dimension_numbers<[0], [0], [1], [1], [0, 1, 1, 1], [], []>, transpose_lhs_hint = false} : vector<95x128xf32>, vector<95x128xf32>, vector<128x128xf32> -> vector<128x128xf32>
    %slice3A_133 = vector.extract_strided_slice %get3A_28 {offsets = [15, 0, 0], sizes = [1, 95, 128], strides = [1, 1, 1]} : vector<30x95x128xf32> to vector<1x95x128xf32>
    %squeeze3A_134 = vector.shape_cast %slice3A_133 : vector<1x95x128xf32> to vector<95x128xf32>
    %get3A_135 = arith.constant 0 : index
    %get3A_136 = arith.constant 0 : index
    %get3A_137 = vector.load %arg7[%get3A_135, %get3A_136] : memref<95x128xf32, #tpu.memory_space<vmem>>, vector<95x128xf32>
    %dot_general3A_138 = arith.constant dense<0.000000e+00> : vector<128x128xf32>
    %dot_general3A_139 = tpu.matmul %squeeze3A_134, %get3A_137, %dot_general3A_138 {dimension_numbers = #tpu.dot_dimension_numbers<[0], [0], [1], [1], [0, 1, 1, 1], [], []>, transpose_lhs_hint = false} : vector<95x128xf32>, vector<95x128xf32>, vector<128x128xf32> -> vector<128x128xf32>
    %slice3A_140 = vector.extract_strided_slice %get3A_28 {offsets = [16, 0, 0], sizes = [1, 95, 128], strides = [1, 1, 1]} : vector<30x95x128xf32> to vector<1x95x128xf32>
    %squeeze3A_141 = vector.shape_cast %slice3A_140 : vector<1x95x128xf32> to vector<95x128xf32>
    %get3A_142 = arith.constant 0 : index
    %get3A_143 = arith.constant 0 : index
    %get3A_144 = vector.load %arg7[%get3A_142, %get3A_143] : memref<95x128xf32, #tpu.memory_space<vmem>>, vector<95x128xf32>
    %dot_general3A_145 = arith.constant dense<0.000000e+00> : vector<128x128xf32>
    %dot_general3A_146 = tpu.matmul %squeeze3A_141, %get3A_144, %dot_general3A_145 {dimension_numbers = #tpu.dot_dimension_numbers<[0], [0], [1], [1], [0, 1, 1, 1], [], []>, transpose_lhs_hint = false} : vector<95x128xf32>, vector<95x128xf32>, vector<128x128xf32> -> vector<128x128xf32>
    %slice3A_147 = vector.extract_strided_slice %get3A_28 {offsets = [17, 0, 0], sizes = [1, 95, 128], strides = [1, 1, 1]} : vector<30x95x128xf32> to vector<1x95x128xf32>
    %squeeze3A_148 = vector.shape_cast %slice3A_147 : vector<1x95x128xf32> to vector<95x128xf32>
    %get3A_149 = arith.constant 0 : index
    %get3A_150 = arith.constant 0 : index
    %get3A_151 = vector.load %arg7[%get3A_149, %get3A_150] : memref<95x128xf32, #tpu.memory_space<vmem>>, vector<95x128xf32>
    %dot_general3A_152 = arith.constant dense<0.000000e+00> : vector<128x128xf32>
    %dot_general3A_153 = tpu.matmul %squeeze3A_148, %get3A_151, %dot_general3A_152 {dimension_numbers = #tpu.dot_dimension_numbers<[0], [0], [1], [1], [0, 1, 1, 1], [], []>, transpose_lhs_hint = false} : vector<95x128xf32>, vector<95x128xf32>, vector<128x128xf32> -> vector<128x128xf32>
    %slice3A_154 = vector.extract_strided_slice %get3A_28 {offsets = [18, 0, 0], sizes = [1, 95, 128], strides = [1, 1, 1]} : vector<30x95x128xf32> to vector<1x95x128xf32>
    %squeeze3A_155 = vector.shape_cast %slice3A_154 : vector<1x95x128xf32> to vector<95x128xf32>
    %get3A_156 = arith.constant 0 : index
    %get3A_157 = arith.constant 0 : index
    %get3A_158 = vector.load %arg7[%get3A_156, %get3A_157] : memref<95x128xf32, #tpu.memory_space<vmem>>, vector<95x128xf32>
    %dot_general3A_159 = arith.constant dense<0.000000e+00> : vector<128x128xf32>
    %dot_general3A_160 = tpu.matmul %squeeze3A_155, %get3A_158, %dot_general3A_159 {dimension_numbers = #tpu.dot_dimension_numbers<[0], [0], [1], [1], [0, 1, 1, 1], [], []>, transpose_lhs_hint = false} : vector<95x128xf32>, vector<95x128xf32>, vector<128x128xf32> -> vector<128x128xf32>
    %slice3A_161 = vector.extract_strided_slice %get3A_28 {offsets = [19, 0, 0], sizes = [1, 95, 128], strides = [1, 1, 1]} : vector<30x95x128xf32> to vector<1x95x128xf32>
    %squeeze3A_162 = vector.shape_cast %slice3A_161 : vector<1x95x128xf32> to vector<95x128xf32>
    %get3A_163 = arith.constant 0 : index
    %get3A_164 = arith.constant 0 : index
    %get3A_165 = vector.load %arg7[%get3A_163, %get3A_164] : memref<95x128xf32, #tpu.memory_space<vmem>>, vector<95x128xf32>
    %dot_general3A_166 = arith.constant dense<0.000000e+00> : vector<128x128xf32>
    %dot_general3A_167 = tpu.matmul %squeeze3A_162, %get3A_165, %dot_general3A_166 {dimension_numbers = #tpu.dot_dimension_numbers<[0], [0], [1], [1], [0, 1, 1, 1], [], []>, transpose_lhs_hint = false} : vector<95x128xf32>, vector<95x128xf32>, vector<128x128xf32> -> vector<128x128xf32>
    %slice3A_168 = vector.extract_strided_slice %get3A_28 {offsets = [20, 0, 0], sizes = [1, 95, 128], strides = [1, 1, 1]} : vector<30x95x128xf32> to vector<1x95x128xf32>
    %squeeze3A_169 = vector.shape_cast %slice3A_168 : vector<1x95x128xf32> to vector<95x128xf32>
    %get3A_170 = arith.constant 0 : index
    %get3A_171 = arith.constant 0 : index
    %get3A_172 = vector.load %arg7[%get3A_170, %get3A_171] : memref<95x128xf32, #tpu.memory_space<vmem>>, vector<95x128xf32>
    %dot_general3A_173 = arith.constant dense<0.000000e+00> : vector<128x128xf32>
    %dot_general3A_174 = tpu.matmul %squeeze3A_169, %get3A_172, %dot_general3A_173 {dimension_numbers = #tpu.dot_dimension_numbers<[0], [0], [1], [1], [0, 1, 1, 1], [], []>, transpose_lhs_hint = false} : vector<95x128xf32>, vector<95x128xf32>, vector<128x128xf32> -> vector<128x128xf32>
    %slice3A_175 = vector.extract_strided_slice %get3A_28 {offsets = [21, 0, 0], sizes = [1, 95, 128], strides = [1, 1, 1]} : vector<30x95x128xf32> to vector<1x95x128xf32>
    %squeeze3A_176 = vector.shape_cast %slice3A_175 : vector<1x95x128xf32> to vector<95x128xf32>
    %get3A_177 = arith.constant 0 : index
    %get3A_178 = arith.constant 0 : index
    %get3A_179 = vector.load %arg7[%get3A_177, %get3A_178] : memref<95x128xf32, #tpu.memory_space<vmem>>, vector<95x128xf32>
    %dot_general3A_180 = arith.constant dense<0.000000e+00> : vector<128x128xf32>
    %dot_general3A_181 = tpu.matmul %squeeze3A_176, %get3A_179, %dot_general3A_180 {dimension_numbers = #tpu.dot_dimension_numbers<[0], [0], [1], [1], [0, 1, 1, 1], [], []>, transpose_lhs_hint = false} : vector<95x128xf32>, vector<95x128xf32>, vector<128x128xf32> -> vector<128x128xf32>
    %slice3A_182 = vector.extract_strided_slice %get3A_28 {offsets = [22, 0, 0], sizes = [1, 95, 128], strides = [1, 1, 1]} : vector<30x95x128xf32> to vector<1x95x128xf32>
    %squeeze3A_183 = vector.shape_cast %slice3A_182 : vector<1x95x128xf32> to vector<95x128xf32>
    %get3A_184 = arith.constant 0 : index
    %get3A_185 = arith.constant 0 : index
    %get3A_186 = vector.load %arg7[%get3A_184, %get3A_185] : memref<95x128xf32, #tpu.memory_space<vmem>>, vector<95x128xf32>
    %dot_general3A_187 = arith.constant dense<0.000000e+00> : vector<128x128xf32>
    %dot_general3A_188 = tpu.matmul %squeeze3A_183, %get3A_186, %dot_general3A_187 {dimension_numbers = #tpu.dot_dimension_numbers<[0], [0], [1], [1], [0, 1, 1, 1], [], []>, transpose_lhs_hint = false} : vector<95x128xf32>, vector<95x128xf32>, vector<128x128xf32> -> vector<128x128xf32>
    %slice3A_189 = vector.extract_strided_slice %get3A_28 {offsets = [23, 0, 0], sizes = [1, 95, 128], strides = [1, 1, 1]} : vector<30x95x128xf32> to vector<1x95x128xf32>
    %squeeze3A_190 = vector.shape_cast %slice3A_189 : vector<1x95x128xf32> to vector<95x128xf32>
    %get3A_191 = arith.constant 0 : index
    %get3A_192 = arith.constant 0 : index
    %get3A_193 = vector.load %arg7[%get3A_191, %get3A_192] : memref<95x128xf32, #tpu.memory_space<vmem>>, vector<95x128xf32>
    %dot_general3A_194 = arith.constant dense<0.000000e+00> : vector<128x128xf32>
    %dot_general3A_195 = tpu.matmul %squeeze3A_190, %get3A_193, %dot_general3A_194 {dimension_numbers = #tpu.dot_dimension_numbers<[0], [0], [1], [1], [0, 1, 1, 1], [], []>, transpose_lhs_hint = false} : vector<95x128xf32>, vector<95x128xf32>, vector<128x128xf32> -> vector<128x128xf32>
    %slice3A_196 = vector.extract_strided_slice %get3A_28 {offsets = [24, 0, 0], sizes = [1, 95, 128], strides = [1, 1, 1]} : vector<30x95x128xf32> to vector<1x95x128xf32>
    %squeeze3A_197 = vector.shape_cast %slice3A_196 : vector<1x95x128xf32> to vector<95x128xf32>
    %get3A_198 = arith.constant 0 : index
    %get3A_199 = arith.constant 0 : index
    %get3A_200 = vector.load %arg7[%get3A_198, %get3A_199] : memref<95x128xf32, #tpu.memory_space<vmem>>, vector<95x128xf32>
    %dot_general3A_201 = arith.constant dense<0.000000e+00> : vector<128x128xf32>
    %dot_general3A_202 = tpu.matmul %squeeze3A_197, %get3A_200, %dot_general3A_201 {dimension_numbers = #tpu.dot_dimension_numbers<[0], [0], [1], [1], [0, 1, 1, 1], [], []>, transpose_lhs_hint = false} : vector<95x128xf32>, vector<95x128xf32>, vector<128x128xf32> -> vector<128x128xf32>
    %slice3A_203 = vector.extract_strided_slice %get3A_28 {offsets = [25, 0, 0], sizes = [1, 95, 128], strides = [1, 1, 1]} : vector<30x95x128xf32> to vector<1x95x128xf32>
    %squeeze3A_204 = vector.shape_cast %slice3A_203 : vector<1x95x128xf32> to vector<95x128xf32>
    %get3A_205 = arith.constant 0 : index
    %get3A_206 = arith.constant 0 : index
    %get3A_207 = vector.load %arg7[%get3A_205, %get3A_206] : memref<95x128xf32, #tpu.memory_space<vmem>>, vector<95x128xf32>
    %dot_general3A_208 = arith.constant dense<0.000000e+00> : vector<128x128xf32>
    %dot_general3A_209 = tpu.matmul %squeeze3A_204, %get3A_207, %dot_general3A_208 {dimension_numbers = #tpu.dot_dimension_numbers<[0], [0], [1], [1], [0, 1, 1, 1], [], []>, transpose_lhs_hint = false} : vector<95x128xf32>, vector<95x128xf32>, vector<128x128xf32> -> vector<128x128xf32>
    %slice3A_210 = vector.extract_strided_slice %get3A_28 {offsets = [26, 0, 0], sizes = [1, 95, 128], strides = [1, 1, 1]} : vector<30x95x128xf32> to vector<1x95x128xf32>
    %squeeze3A_211 = vector.shape_cast %slice3A_210 : vector<1x95x128xf32> to vector<95x128xf32>
    %get3A_212 = arith.constant 0 : index
    %get3A_213 = arith.constant 0 : index
    %get3A_214 = vector.load %arg7[%get3A_212, %get3A_213] : memref<95x128xf32, #tpu.memory_space<vmem>>, vector<95x128xf32>
    %dot_general3A_215 = arith.constant dense<0.000000e+00> : vector<128x128xf32>
    %dot_general3A_216 = tpu.matmul %squeeze3A_211, %get3A_214, %dot_general3A_215 {dimension_numbers = #tpu.dot_dimension_numbers<[0], [0], [1], [1], [0, 1, 1, 1], [], []>, transpose_lhs_hint = false} : vector<95x128xf32>, vector<95x128xf32>, vector<128x128xf32> -> vector<128x128xf32>
    %slice3A_217 = vector.extract_strided_slice %get3A_28 {offsets = [27, 0, 0], sizes = [1, 95, 128], strides = [1, 1, 1]} : vector<30x95x128xf32> to vector<1x95x128xf32>
    %squeeze3A_218 = vector.shape_cast %slice3A_217 : vector<1x95x128xf32> to vector<95x128xf32>
    %get3A_219 = arith.constant 0 : index
    %get3A_220 = arith.constant 0 : index
    %get3A_221 = vector.load %arg7[%get3A_219, %get3A_220] : memref<95x128xf32, #tpu.memory_space<vmem>>, vector<95x128xf32>
    %dot_general3A_222 = arith.constant dense<0.000000e+00> : vector<128x128xf32>
    %dot_general3A_223 = tpu.matmul %squeeze3A_218, %get3A_221, %dot_general3A_222 {dimension_numbers = #tpu.dot_dimension_numbers<[0], [0], [1], [1], [0, 1, 1, 1], [], []>, transpose_lhs_hint = false} : vector<95x128xf32>, vector<95x128xf32>, vector<128x128xf32> -> vector<128x128xf32>
    %slice3A_224 = vector.extract_strided_slice %get3A_28 {offsets = [28, 0, 0], sizes = [1, 95, 128], strides = [1, 1, 1]} : vector<30x95x128xf32> to vector<1x95x128xf32>
    %squeeze3A_225 = vector.shape_cast %slice3A_224 : vector<1x95x128xf32> to vector<95x128xf32>
    %get3A_226 = arith.constant 0 : index
    %get3A_227 = arith.constant 0 : index
    %get3A_228 = vector.load %arg7[%get3A_226, %get3A_227] : memref<95x128xf32, #tpu.memory_space<vmem>>, vector<95x128xf32>
    %dot_general3A_229 = arith.constant dense<0.000000e+00> : vector<128x128xf32>
    %dot_general3A_230 = tpu.matmul %squeeze3A_225, %get3A_228, %dot_general3A_229 {dimension_numbers = #tpu.dot_dimension_numbers<[0], [0], [1], [1], [0, 1, 1, 1], [], []>, transpose_lhs_hint = false} : vector<95x128xf32>, vector<95x128xf32>, vector<128x128xf32> -> vector<128x128xf32>
    %slice3A_231 = vector.extract_strided_slice %get3A_28 {offsets = [29, 0, 0], sizes = [1, 95, 128], strides = [1, 1, 1]} : vector<30x95x128xf32> to vector<1x95x128xf32>
    %squeeze3A_232 = vector.shape_cast %slice3A_231 : vector<1x95x128xf32> to vector<95x128xf32>
    %get3A_233 = arith.constant 0 : index
    %get3A_234 = arith.constant 0 : index
    %get3A_235 = vector.load %arg7[%get3A_233, %get3A_234] : memref<95x128xf32, #tpu.memory_space<vmem>>, vector<95x128xf32>
    %dot_general3A_236 = arith.constant dense<0.000000e+00> : vector<128x128xf32>
    %dot_general3A_237 = tpu.matmul %squeeze3A_232, %get3A_235, %dot_general3A_236 {dimension_numbers = #tpu.dot_dimension_numbers<[0], [0], [1], [1], [0, 1, 1, 1], [], []>, transpose_lhs_hint = false} : vector<95x128xf32>, vector<95x128xf32>, vector<128x128xf32> -> vector<128x128xf32>
    %get3A_238 = arith.constant 0 : index
    %get3A_239 = arith.constant 0 : index
    %get3A_240 = arith.constant 1 : index
    %get3A_241 = arith.constant 0 : index
    %get3A_242 = vector.load %arg3[%get3A_238, %get3A_239, %get3A_240, %get3A_241] : memref<30x95x2x128xf32, #tpu.memory_space<vmem>>, vector<30x95x1x128xf32>
    %get3A_243 = vector.shape_cast %get3A_242 : vector<30x95x1x128xf32> to vector<30x95x128xf32>
    %slice3A_244 = vector.extract_strided_slice %get3A_243 {offsets = [0, 0, 0], sizes = [1, 95, 128], strides = [1, 1, 1]} : vector<30x95x128xf32> to vector<1x95x128xf32>
    %squeeze3A_245 = vector.shape_cast %slice3A_244 : vector<1x95x128xf32> to vector<95x128xf32>
    %get3A_246 = arith.constant 0 : index
    %get3A_247 = arith.constant 0 : index
    %get3A_248 = vector.load %arg7[%get3A_246, %get3A_247] : memref<95x128xf32, #tpu.memory_space<vmem>>, vector<95x128xf32>
    %dot_general3A_249 = arith.constant dense<0.000000e+00> : vector<128x128xf32>
    %dot_general3A_250 = tpu.matmul %squeeze3A_245, %get3A_248, %dot_general3A_249 {dimension_numbers = #tpu.dot_dimension_numbers<[0], [0], [1], [1], [0, 1, 1, 1], [], []>, transpose_lhs_hint = false} : vector<95x128xf32>, vector<95x128xf32>, vector<128x128xf32> -> vector<128x128xf32>
    %slice3A_251 = vector.extract_strided_slice %get3A_243 {offsets = [1, 0, 0], sizes = [1, 95, 128], strides = [1, 1, 1]} : vector<30x95x128xf32> to vector<1x95x128xf32>
    %squeeze3A_252 = vector.shape_cast %slice3A_251 : vector<1x95x128xf32> to vector<95x128xf32>
    %get3A_253 = arith.constant 0 : index
    %get3A_254 = arith.constant 0 : index
    %get3A_255 = vector.load %arg7[%get3A_253, %get3A_254] : memref<95x128xf32, #tpu.memory_space<vmem>>, vector<95x128xf32>
    %dot_general3A_256 = arith.constant dense<0.000000e+00> : vector<128x128xf32>
    %dot_general3A_257 = tpu.matmul %squeeze3A_252, %get3A_255, %dot_general3A_256 {dimension_numbers = #tpu.dot_dimension_numbers<[0], [0], [1], [1], [0, 1, 1, 1], [], []>, transpose_lhs_hint = false} : vector<95x128xf32>, vector<95x128xf32>, vector<128x128xf32> -> vector<128x128xf32>
    %slice3A_258 = vector.extract_strided_slice %get3A_243 {offsets = [2, 0, 0], sizes = [1, 95, 128], strides = [1, 1, 1]} : vector<30x95x128xf32> to vector<1x95x128xf32>
    %squeeze3A_259 = vector.shape_cast %slice3A_258 : vector<1x95x128xf32> to vector<95x128xf32>
    %get3A_260 = arith.constant 0 : index
    %get3A_261 = arith.constant 0 : index
    %get3A_262 = vector.load %arg7[%get3A_260, %get3A_261] : memref<95x128xf32, #tpu.memory_space<vmem>>, vector<95x128xf32>
    %dot_general3A_263 = arith.constant dense<0.000000e+00> : vector<128x128xf32>
    %dot_general3A_264 = tpu.matmul %squeeze3A_259, %get3A_262, %dot_general3A_263 {dimension_numbers = #tpu.dot_dimension_numbers<[0], [0], [1], [1], [0, 1, 1, 1], [], []>, transpose_lhs_hint = false} : vector<95x128xf32>, vector<95x128xf32>, vector<128x128xf32> -> vector<128x128xf32>
    %slice3A_265 = vector.extract_strided_slice %get3A_243 {offsets = [3, 0, 0], sizes = [1, 95, 128], strides = [1, 1, 1]} : vector<30x95x128xf32> to vector<1x95x128xf32>
    %squeeze3A_266 = vector.shape_cast %slice3A_265 : vector<1x95x128xf32> to vector<95x128xf32>
    %get3A_267 = arith.constant 0 : index
    %get3A_268 = arith.constant 0 : index
    %get3A_269 = vector.load %arg7[%get3A_267, %get3A_268] : memref<95x128xf32, #tpu.memory_space<vmem>>, vector<95x128xf32>
    %dot_general3A_270 = arith.constant dense<0.000000e+00> : vector<128x128xf32>
    %dot_general3A_271 = tpu.matmul %squeeze3A_266, %get3A_269, %dot_general3A_270 {dimension_numbers = #tpu.dot_dimension_numbers<[0], [0], [1], [1], [0, 1, 1, 1], [], []>, transpose_lhs_hint = false} : vector<95x128xf32>, vector<95x128xf32>, vector<128x128xf32> -> vector<128x128xf32>
    %slice3A_272 = vector.extract_strided_slice %get3A_243 {offsets = [4, 0, 0], sizes = [1, 95, 128], strides = [1, 1, 1]} : vector<30x95x128xf32> to vector<1x95x128xf32>
    %squeeze3A_273 = vector.shape_cast %slice3A_272 : vector<1x95x128xf32> to vector<95x128xf32>
    %get3A_274 = arith.constant 0 : index
    %get3A_275 = arith.constant 0 : index
    %get3A_276 = vector.load %arg7[%get3A_274, %get3A_275] : memref<95x128xf32, #tpu.memory_space<vmem>>, vector<95x128xf32>
    %dot_general3A_277 = arith.constant dense<0.000000e+00> : vector<128x128xf32>
    %dot_general3A_278 = tpu.matmul %squeeze3A_273, %get3A_276, %dot_general3A_277 {dimension_numbers = #tpu.dot_dimension_numbers<[0], [0], [1], [1], [0, 1, 1, 1], [], []>, transpose_lhs_hint = false} : vector<95x128xf32>, vector<95x128xf32>, vector<128x128xf32> -> vector<128x128xf32>
    %slice3A_279 = vector.extract_strided_slice %get3A_243 {offsets = [5, 0, 0], sizes = [1, 95, 128], strides = [1, 1, 1]} : vector<30x95x128xf32> to vector<1x95x128xf32>
    %squeeze3A_280 = vector.shape_cast %slice3A_279 : vector<1x95x128xf32> to vector<95x128xf32>
    %get3A_281 = arith.constant 0 : index
    %get3A_282 = arith.constant 0 : index
    %get3A_283 = vector.load %arg7[%get3A_281, %get3A_282] : memref<95x128xf32, #tpu.memory_space<vmem>>, vector<95x128xf32>
    %dot_general3A_284 = arith.constant dense<0.000000e+00> : vector<128x128xf32>
    %dot_general3A_285 = tpu.matmul %squeeze3A_280, %get3A_283, %dot_general3A_284 {dimension_numbers = #tpu.dot_dimension_numbers<[0], [0], [1], [1], [0, 1, 1, 1], [], []>, transpose_lhs_hint = false} : vector<95x128xf32>, vector<95x128xf32>, vector<128x128xf32> -> vector<128x128xf32>
    %slice3A_286 = vector.extract_strided_slice %get3A_243 {offsets = [6, 0, 0], sizes = [1, 95, 128], strides = [1, 1, 1]} : vector<30x95x128xf32> to vector<1x95x128xf32>
    %squeeze3A_287 = vector.shape_cast %slice3A_286 : vector<1x95x128xf32> to vector<95x128xf32>
    %get3A_288 = arith.constant 0 : index
    %get3A_289 = arith.constant 0 : index
    %get3A_290 = vector.load %arg7[%get3A_288, %get3A_289] : memref<95x128xf32, #tpu.memory_space<vmem>>, vector<95x128xf32>
    %dot_general3A_291 = arith.constant dense<0.000000e+00> : vector<128x128xf32>
    %dot_general3A_292 = tpu.matmul %squeeze3A_287, %get3A_290, %dot_general3A_291 {dimension_numbers = #tpu.dot_dimension_numbers<[0], [0], [1], [1], [0, 1, 1, 1], [], []>, transpose_lhs_hint = false} : vector<95x128xf32>, vector<95x128xf32>, vector<128x128xf32> -> vector<128x128xf32>
    %slice3A_293 = vector.extract_strided_slice %get3A_243 {offsets = [7, 0, 0], sizes = [1, 95, 128], strides = [1, 1, 1]} : vector<30x95x128xf32> to vector<1x95x128xf32>
    %squeeze3A_294 = vector.shape_cast %slice3A_293 : vector<1x95x128xf32> to vector<95x128xf32>
    %get3A_295 = arith.constant 0 : index
    %get3A_296 = arith.constant 0 : index
    %get3A_297 = vector.load %arg7[%get3A_295, %get3A_296] : memref<95x128xf32, #tpu.memory_space<vmem>>, vector<95x128xf32>
    %dot_general3A_298 = arith.constant dense<0.000000e+00> : vector<128x128xf32>
    %dot_general3A_299 = tpu.matmul %squeeze3A_294, %get3A_297, %dot_general3A_298 {dimension_numbers = #tpu.dot_dimension_numbers<[0], [0], [1], [1], [0, 1, 1, 1], [], []>, transpose_lhs_hint = false} : vector<95x128xf32>, vector<95x128xf32>, vector<128x128xf32> -> vector<128x128xf32>
    %slice3A_300 = vector.extract_strided_slice %get3A_243 {offsets = [8, 0, 0], sizes = [1, 95, 128], strides = [1, 1, 1]} : vector<30x95x128xf32> to vector<1x95x128xf32>
    %squeeze3A_301 = vector.shape_cast %slice3A_300 : vector<1x95x128xf32> to vector<95x128xf32>
    %get3A_302 = arith.constant 0 : index
    %get3A_303 = arith.constant 0 : index
    %get3A_304 = vector.load %arg7[%get3A_302, %get3A_303] : memref<95x128xf32, #tpu.memory_space<vmem>>, vector<95x128xf32>
    %dot_general3A_305 = arith.constant dense<0.000000e+00> : vector<128x128xf32>
    %dot_general3A_306 = tpu.matmul %squeeze3A_301, %get3A_304, %dot_general3A_305 {dimension_numbers = #tpu.dot_dimension_numbers<[0], [0], [1], [1], [0, 1, 1, 1], [], []>, transpose_lhs_hint = false} : vector<95x128xf32>, vector<95x128xf32>, vector<128x128xf32> -> vector<128x128xf32>
    %slice3A_307 = vector.extract_strided_slice %get3A_243 {offsets = [9, 0, 0], sizes = [1, 95, 128], strides = [1, 1, 1]} : vector<30x95x128xf32> to vector<1x95x128xf32>
    %squeeze3A_308 = vector.shape_cast %slice3A_307 : vector<1x95x128xf32> to vector<95x128xf32>
    %get3A_309 = arith.constant 0 : index
    %get3A_310 = arith.constant 0 : index
    %get3A_311 = vector.load %arg7[%get3A_309, %get3A_310] : memref<95x128xf32, #tpu.memory_space<vmem>>, vector<95x128xf32>
    %dot_general3A_312 = arith.constant dense<0.000000e+00> : vector<128x128xf32>
    %dot_general3A_313 = tpu.matmul %squeeze3A_308, %get3A_311, %dot_general3A_312 {dimension_numbers = #tpu.dot_dimension_numbers<[0], [0], [1], [1], [0, 1, 1, 1], [], []>, transpose_lhs_hint = false} : vector<95x128xf32>, vector<95x128xf32>, vector<128x128xf32> -> vector<128x128xf32>
    %slice3A_314 = vector.extract_strided_slice %get3A_243 {offsets = [10, 0, 0], sizes = [1, 95, 128], strides = [1, 1, 1]} : vector<30x95x128xf32> to vector<1x95x128xf32>
    %squeeze3A_315 = vector.shape_cast %slice3A_314 : vector<1x95x128xf32> to vector<95x128xf32>
    %get3A_316 = arith.constant 0 : index
    %get3A_317 = arith.constant 0 : index
    %get3A_318 = vector.load %arg7[%get3A_316, %get3A_317] : memref<95x128xf32, #tpu.memory_space<vmem>>, vector<95x128xf32>
    %dot_general3A_319 = arith.constant dense<0.000000e+00> : vector<128x128xf32>
    %dot_general3A_320 = tpu.matmul %squeeze3A_315, %get3A_318, %dot_general3A_319 {dimension_numbers = #tpu.dot_dimension_numbers<[0], [0], [1], [1], [0, 1, 1, 1], [], []>, transpose_lhs_hint = false} : vector<95x128xf32>, vector<95x128xf32>, vector<128x128xf32> -> vector<128x128xf32>
    %slice3A_321 = vector.extract_strided_slice %get3A_243 {offsets = [11, 0, 0], sizes = [1, 95, 128], strides = [1, 1, 1]} : vector<30x95x128xf32> to vector<1x95x128xf32>
    %squeeze3A_322 = vector.shape_cast %slice3A_321 : vector<1x95x128xf32> to vector<95x128xf32>
    %get3A_323 = arith.constant 0 : index
    %get3A_324 = arith.constant 0 : index
    %get3A_325 = vector.load %arg7[%get3A_323, %get3A_324] : memref<95x128xf32, #tpu.memory_space<vmem>>, vector<95x128xf32>
    %dot_general3A_326 = arith.constant dense<0.000000e+00> : vector<128x128xf32>
    %dot_general3A_327 = tpu.matmul %squeeze3A_322, %get3A_325, %dot_general3A_326 {dimension_numbers = #tpu.dot_dimension_numbers<[0], [0], [1], [1], [0, 1, 1, 1], [], []>, transpose_lhs_hint = false} : vector<95x128xf32>, vector<95x128xf32>, vector<128x128xf32> -> vector<128x128xf32>
    %slice3A_328 = vector.extract_strided_slice %get3A_243 {offsets = [12, 0, 0], sizes = [1, 95, 128], strides = [1, 1, 1]} : vector<30x95x128xf32> to vector<1x95x128xf32>
    %squeeze3A_329 = vector.shape_cast %slice3A_328 : vector<1x95x128xf32> to vector<95x128xf32>
    %get3A_330 = arith.constant 0 : index
    %get3A_331 = arith.constant 0 : index
    %get3A_332 = vector.load %arg7[%get3A_330, %get3A_331] : memref<95x128xf32, #tpu.memory_space<vmem>>, vector<95x128xf32>
    %dot_general3A_333 = arith.constant dense<0.000000e+00> : vector<128x128xf32>
    %dot_general3A_334 = tpu.matmul %squeeze3A_329, %get3A_332, %dot_general3A_333 {dimension_numbers = #tpu.dot_dimension_numbers<[0], [0], [1], [1], [0, 1, 1, 1], [], []>, transpose_lhs_hint = false} : vector<95x128xf32>, vector<95x128xf32>, vector<128x128xf32> -> vector<128x128xf32>
    %slice3A_335 = vector.extract_strided_slice %get3A_243 {offsets = [13, 0, 0], sizes = [1, 95, 128], strides = [1, 1, 1]} : vector<30x95x128xf32> to vector<1x95x128xf32>
    %squeeze3A_336 = vector.shape_cast %slice3A_335 : vector<1x95x128xf32> to vector<95x128xf32>
    %get3A_337 = arith.constant 0 : index
    %get3A_338 = arith.constant 0 : index
    %get3A_339 = vector.load %arg7[%get3A_337, %get3A_338] : memref<95x128xf32, #tpu.memory_space<vmem>>, vector<95x128xf32>
    %dot_general3A_340 = arith.constant dense<0.000000e+00> : vector<128x128xf32>
    %dot_general3A_341 = tpu.matmul %squeeze3A_336, %get3A_339, %dot_general3A_340 {dimension_numbers = #tpu.dot_dimension_numbers<[0], [0], [1], [1], [0, 1, 1, 1], [], []>, transpose_lhs_hint = false} : vector<95x128xf32>, vector<95x128xf32>, vector<128x128xf32> -> vector<128x128xf32>
    %slice3A_342 = vector.extract_strided_slice %get3A_243 {offsets = [14, 0, 0], sizes = [1, 95, 128], strides = [1, 1, 1]} : vector<30x95x128xf32> to vector<1x95x128xf32>
    %squeeze3A_343 = vector.shape_cast %slice3A_342 : vector<1x95x128xf32> to vector<95x128xf32>
    %get3A_344 = arith.constant 0 : index
    %get3A_345 = arith.constant 0 : index
    %get3A_346 = vector.load %arg7[%get3A_344, %get3A_345] : memref<95x128xf32, #tpu.memory_space<vmem>>, vector<95x128xf32>
    %dot_general3A_347 = arith.constant dense<0.000000e+00> : vector<128x128xf32>
    %dot_general3A_348 = tpu.matmul %squeeze3A_343, %get3A_346, %dot_general3A_347 {dimension_numbers = #tpu.dot_dimension_numbers<[0], [0], [1], [1], [0, 1, 1, 1], [], []>, transpose_lhs_hint = false} : vector<95x128xf32>, vector<95x128xf32>, vector<128x128xf32> -> vector<128x128xf32>
    %slice3A_349 = vector.extract_strided_slice %get3A_243 {offsets = [15, 0, 0], sizes = [1, 95, 128], strides = [1, 1, 1]} : vector<30x95x128xf32> to vector<1x95x128xf32>
    %squeeze3A_350 = vector.shape_cast %slice3A_349 : vector<1x95x128xf32> to vector<95x128xf32>
    %get3A_351 = arith.constant 0 : index
    %get3A_352 = arith.constant 0 : index
    %get3A_353 = vector.load %arg7[%get3A_351, %get3A_352] : memref<95x128xf32, #tpu.memory_space<vmem>>, vector<95x128xf32>
    %dot_general3A_354 = arith.constant dense<0.000000e+00> : vector<128x128xf32>
    %dot_general3A_355 = tpu.matmul %squeeze3A_350, %get3A_353, %dot_general3A_354 {dimension_numbers = #tpu.dot_dimension_numbers<[0], [0], [1], [1], [0, 1, 1, 1], [], []>, transpose_lhs_hint = false} : vector<95x128xf32>, vector<95x128xf32>, vector<128x128xf32> -> vector<128x128xf32>
    %slice3A_356 = vector.extract_strided_slice %get3A_243 {offsets = [16, 0, 0], sizes = [1, 95, 128], strides = [1, 1, 1]} : vector<30x95x128xf32> to vector<1x95x128xf32>
    %squeeze3A_357 = vector.shape_cast %slice3A_356 : vector<1x95x128xf32> to vector<95x128xf32>
    %get3A_358 = arith.constant 0 : index
    %get3A_359 = arith.constant 0 : index
    %get3A_360 = vector.load %arg7[%get3A_358, %get3A_359] : memref<95x128xf32, #tpu.memory_space<vmem>>, vector<95x128xf32>
    %dot_general3A_361 = arith.constant dense<0.000000e+00> : vector<128x128xf32>
    %dot_general3A_362 = tpu.matmul %squeeze3A_357, %get3A_360, %dot_general3A_361 {dimension_numbers = #tpu.dot_dimension_numbers<[0], [0], [1], [1], [0, 1, 1, 1], [], []>, transpose_lhs_hint = false} : vector<95x128xf32>, vector<95x128xf32>, vector<128x128xf32> -> vector<128x128xf32>
    %slice3A_363 = vector.extract_strided_slice %get3A_243 {offsets = [17, 0, 0], sizes = [1, 95, 128], strides = [1, 1, 1]} : vector<30x95x128xf32> to vector<1x95x128xf32>
    %squeeze3A_364 = vector.shape_cast %slice3A_363 : vector<1x95x128xf32> to vector<95x128xf32>
    %get3A_365 = arith.constant 0 : index
    %get3A_366 = arith.constant 0 : index
    %get3A_367 = vector.load %arg7[%get3A_365, %get3A_366] : memref<95x128xf32, #tpu.memory_space<vmem>>, vector<95x128xf32>
    %dot_general3A_368 = arith.constant dense<0.000000e+00> : vector<128x128xf32>
    %dot_general3A_369 = tpu.matmul %squeeze3A_364, %get3A_367, %dot_general3A_368 {dimension_numbers = #tpu.dot_dimension_numbers<[0], [0], [1], [1], [0, 1, 1, 1], [], []>, transpose_lhs_hint = false} : vector<95x128xf32>, vector<95x128xf32>, vector<128x128xf32> -> vector<128x128xf32>
    %slice3A_370 = vector.extract_strided_slice %get3A_243 {offsets = [18, 0, 0], sizes = [1, 95, 128], strides = [1, 1, 1]} : vector<30x95x128xf32> to vector<1x95x128xf32>
    %squeeze3A_371 = vector.shape_cast %slice3A_370 : vector<1x95x128xf32> to vector<95x128xf32>
    %get3A_372 = arith.constant 0 : index
    %get3A_373 = arith.constant 0 : index
    %get3A_374 = vector.load %arg7[%get3A_372, %get3A_373] : memref<95x128xf32, #tpu.memory_space<vmem>>, vector<95x128xf32>
    %dot_general3A_375 = arith.constant dense<0.000000e+00> : vector<128x128xf32>
    %dot_general3A_376 = tpu.matmul %squeeze3A_371, %get3A_374, %dot_general3A_375 {dimension_numbers = #tpu.dot_dimension_numbers<[0], [0], [1], [1], [0, 1, 1, 1], [], []>, transpose_lhs_hint = false} : vector<95x128xf32>, vector<95x128xf32>, vector<128x128xf32> -> vector<128x128xf32>
    %slice3A_377 = vector.extract_strided_slice %get3A_243 {offsets = [19, 0, 0], sizes = [1, 95, 128], strides = [1, 1, 1]} : vector<30x95x128xf32> to vector<1x95x128xf32>
    %squeeze3A_378 = vector.shape_cast %slice3A_377 : vector<1x95x128xf32> to vector<95x128xf32>
    %get3A_379 = arith.constant 0 : index
    %get3A_380 = arith.constant 0 : index
    %get3A_381 = vector.load %arg7[%get3A_379, %get3A_380] : memref<95x128xf32, #tpu.memory_space<vmem>>, vector<95x128xf32>
    %dot_general3A_382 = arith.constant dense<0.000000e+00> : vector<128x128xf32>
    %dot_general3A_383 = tpu.matmul %squeeze3A_378, %get3A_381, %dot_general3A_382 {dimension_numbers = #tpu.dot_dimension_numbers<[0], [0], [1], [1], [0, 1, 1, 1], [], []>, transpose_lhs_hint = false} : vector<95x128xf32>, vector<95x128xf32>, vector<128x128xf32> -> vector<128x128xf32>
    %slice3A_384 = vector.extract_strided_slice %get3A_243 {offsets = [20, 0, 0], sizes = [1, 95, 128], strides = [1, 1, 1]} : vector<30x95x128xf32> to vector<1x95x128xf32>
    %squeeze3A_385 = vector.shape_cast %slice3A_384 : vector<1x95x128xf32> to vector<95x128xf32>
    %get3A_386 = arith.constant 0 : index
    %get3A_387 = arith.constant 0 : index
    %get3A_388 = vector.load %arg7[%get3A_386, %get3A_387] : memref<95x128xf32, #tpu.memory_space<vmem>>, vector<95x128xf32>
    %dot_general3A_389 = arith.constant dense<0.000000e+00> : vector<128x128xf32>
    %dot_general3A_390 = tpu.matmul %squeeze3A_385, %get3A_388, %dot_general3A_389 {dimension_numbers = #tpu.dot_dimension_numbers<[0], [0], [1], [1], [0, 1, 1, 1], [], []>, transpose_lhs_hint = false} : vector<95x128xf32>, vector<95x128xf32>, vector<128x128xf32> -> vector<128x128xf32>
    %slice3A_391 = vector.extract_strided_slice %get3A_243 {offsets = [21, 0, 0], sizes = [1, 95, 128], strides = [1, 1, 1]} : vector<30x95x128xf32> to vector<1x95x128xf32>
    %squeeze3A_392 = vector.shape_cast %slice3A_391 : vector<1x95x128xf32> to vector<95x128xf32>
    %get3A_393 = arith.constant 0 : index
    %get3A_394 = arith.constant 0 : index
    %get3A_395 = vector.load %arg7[%get3A_393, %get3A_394] : memref<95x128xf32, #tpu.memory_space<vmem>>, vector<95x128xf32>
    %dot_general3A_396 = arith.constant dense<0.000000e+00> : vector<128x128xf32>
    %dot_general3A_397 = tpu.matmul %squeeze3A_392, %get3A_395, %dot_general3A_396 {dimension_numbers = #tpu.dot_dimension_numbers<[0], [0], [1], [1], [0, 1, 1, 1], [], []>, transpose_lhs_hint = false} : vector<95x128xf32>, vector<95x128xf32>, vector<128x128xf32> -> vector<128x128xf32>
    %slice3A_398 = vector.extract_strided_slice %get3A_243 {offsets = [22, 0, 0], sizes = [1, 95, 128], strides = [1, 1, 1]} : vector<30x95x128xf32> to vector<1x95x128xf32>
    %squeeze3A_399 = vector.shape_cast %slice3A_398 : vector<1x95x128xf32> to vector<95x128xf32>
    %get3A_400 = arith.constant 0 : index
    %get3A_401 = arith.constant 0 : index
    %get3A_402 = vector.load %arg7[%get3A_400, %get3A_401] : memref<95x128xf32, #tpu.memory_space<vmem>>, vector<95x128xf32>
    %dot_general3A_403 = arith.constant dense<0.000000e+00> : vector<128x128xf32>
    %dot_general3A_404 = tpu.matmul %squeeze3A_399, %get3A_402, %dot_general3A_403 {dimension_numbers = #tpu.dot_dimension_numbers<[0], [0], [1], [1], [0, 1, 1, 1], [], []>, transpose_lhs_hint = false} : vector<95x128xf32>, vector<95x128xf32>, vector<128x128xf32> -> vector<128x128xf32>
    %slice3A_405 = vector.extract_strided_slice %get3A_243 {offsets = [23, 0, 0], sizes = [1, 95, 128], strides = [1, 1, 1]} : vector<30x95x128xf32> to vector<1x95x128xf32>
    %squeeze3A_406 = vector.shape_cast %slice3A_405 : vector<1x95x128xf32> to vector<95x128xf32>
    %get3A_407 = arith.constant 0 : index
    %get3A_408 = arith.constant 0 : index
    %get3A_409 = vector.load %arg7[%get3A_407, %get3A_408] : memref<95x128xf32, #tpu.memory_space<vmem>>, vector<95x128xf32>
    %dot_general3A_410 = arith.constant dense<0.000000e+00> : vector<128x128xf32>
    %dot_general3A_411 = tpu.matmul %squeeze3A_406, %get3A_409, %dot_general3A_410 {dimension_numbers = #tpu.dot_dimension_numbers<[0], [0], [1], [1], [0, 1, 1, 1], [], []>, transpose_lhs_hint = false} : vector<95x128xf32>, vector<95x128xf32>, vector<128x128xf32> -> vector<128x128xf32>
    %slice3A_412 = vector.extract_strided_slice %get3A_243 {offsets = [24, 0, 0], sizes = [1, 95, 128], strides = [1, 1, 1]} : vector<30x95x128xf32> to vector<1x95x128xf32>
    %squeeze3A_413 = vector.shape_cast %slice3A_412 : vector<1x95x128xf32> to vector<95x128xf32>
    %get3A_414 = arith.constant 0 : index
    %get3A_415 = arith.constant 0 : index
    %get3A_416 = vector.load %arg7[%get3A_414, %get3A_415] : memref<95x128xf32, #tpu.memory_space<vmem>>, vector<95x128xf32>
    %dot_general3A_417 = arith.constant dense<0.000000e+00> : vector<128x128xf32>
    %dot_general3A_418 = tpu.matmul %squeeze3A_413, %get3A_416, %dot_general3A_417 {dimension_numbers = #tpu.dot_dimension_numbers<[0], [0], [1], [1], [0, 1, 1, 1], [], []>, transpose_lhs_hint = false} : vector<95x128xf32>, vector<95x128xf32>, vector<128x128xf32> -> vector<128x128xf32>
    %slice3A_419 = vector.extract_strided_slice %get3A_243 {offsets = [25, 0, 0], sizes = [1, 95, 128], strides = [1, 1, 1]} : vector<30x95x128xf32> to vector<1x95x128xf32>
    %squeeze3A_420 = vector.shape_cast %slice3A_419 : vector<1x95x128xf32> to vector<95x128xf32>
    %get3A_421 = arith.constant 0 : index
    %get3A_422 = arith.constant 0 : index
    %get3A_423 = vector.load %arg7[%get3A_421, %get3A_422] : memref<95x128xf32, #tpu.memory_space<vmem>>, vector<95x128xf32>
    %dot_general3A_424 = arith.constant dense<0.000000e+00> : vector<128x128xf32>
    %dot_general3A_425 = tpu.matmul %squeeze3A_420, %get3A_423, %dot_general3A_424 {dimension_numbers = #tpu.dot_dimension_numbers<[0], [0], [1], [1], [0, 1, 1, 1], [], []>, transpose_lhs_hint = false} : vector<95x128xf32>, vector<95x128xf32>, vector<128x128xf32> -> vector<128x128xf32>
    %slice3A_426 = vector.extract_strided_slice %get3A_243 {offsets = [26, 0, 0], sizes = [1, 95, 128], strides = [1, 1, 1]} : vector<30x95x128xf32> to vector<1x95x128xf32>
    %squeeze3A_427 = vector.shape_cast %slice3A_426 : vector<1x95x128xf32> to vector<95x128xf32>
    %get3A_428 = arith.constant 0 : index
    %get3A_429 = arith.constant 0 : index
    %get3A_430 = vector.load %arg7[%get3A_428, %get3A_429] : memref<95x128xf32, #tpu.memory_space<vmem>>, vector<95x128xf32>
    %dot_general3A_431 = arith.constant dense<0.000000e+00> : vector<128x128xf32>
    %dot_general3A_432 = tpu.matmul %squeeze3A_427, %get3A_430, %dot_general3A_431 {dimension_numbers = #tpu.dot_dimension_numbers<[0], [0], [1], [1], [0, 1, 1, 1], [], []>, transpose_lhs_hint = false} : vector<95x128xf32>, vector<95x128xf32>, vector<128x128xf32> -> vector<128x128xf32>
    %slice3A_433 = vector.extract_strided_slice %get3A_243 {offsets = [27, 0, 0], sizes = [1, 95, 128], strides = [1, 1, 1]} : vector<30x95x128xf32> to vector<1x95x128xf32>
    %squeeze3A_434 = vector.shape_cast %slice3A_433 : vector<1x95x128xf32> to vector<95x128xf32>
    %get3A_435 = arith.constant 0 : index
    %get3A_436 = arith.constant 0 : index
    %get3A_437 = vector.load %arg7[%get3A_435, %get3A_436] : memref<95x128xf32, #tpu.memory_space<vmem>>, vector<95x128xf32>
    %dot_general3A_438 = arith.constant dense<0.000000e+00> : vector<128x128xf32>
    %dot_general3A_439 = tpu.matmul %squeeze3A_434, %get3A_437, %dot_general3A_438 {dimension_numbers = #tpu.dot_dimension_numbers<[0], [0], [1], [1], [0, 1, 1, 1], [], []>, transpose_lhs_hint = false} : vector<95x128xf32>, vector<95x128xf32>, vector<128x128xf32> -> vector<128x128xf32>
    %slice3A_440 = vector.extract_strided_slice %get3A_243 {offsets = [28, 0, 0], sizes = [1, 95, 128], strides = [1, 1, 1]} : vector<30x95x128xf32> to vector<1x95x128xf32>
    %squeeze3A_441 = vector.shape_cast %slice3A_440 : vector<1x95x128xf32> to vector<95x128xf32>
    %get3A_442 = arith.constant 0 : index
    %get3A_443 = arith.constant 0 : index
    %get3A_444 = vector.load %arg7[%get3A_442, %get3A_443] : memref<95x128xf32, #tpu.memory_space<vmem>>, vector<95x128xf32>
    %dot_general3A_445 = arith.constant dense<0.000000e+00> : vector<128x128xf32>
    %dot_general3A_446 = tpu.matmul %squeeze3A_441, %get3A_444, %dot_general3A_445 {dimension_numbers = #tpu.dot_dimension_numbers<[0], [0], [1], [1], [0, 1, 1, 1], [], []>, transpose_lhs_hint = false} : vector<95x128xf32>, vector<95x128xf32>, vector<128x128xf32> -> vector<128x128xf32>
    %slice3A_447 = vector.extract_strided_slice %get3A_243 {offsets = [29, 0, 0], sizes = [1, 95, 128], strides = [1, 1, 1]} : vector<30x95x128xf32> to vector<1x95x128xf32>
    %squeeze3A_448 = vector.shape_cast %slice3A_447 : vector<1x95x128xf32> to vector<95x128xf32>
    %get3A_449 = arith.constant 0 : index
    %get3A_450 = arith.constant 0 : index
    %get3A_451 = vector.load %arg7[%get3A_449, %get3A_450] : memref<95x128xf32, #tpu.memory_space<vmem>>, vector<95x128xf32>
    %dot_general3A_452 = arith.constant dense<0.000000e+00> : vector<128x128xf32>
    %dot_general3A_453 = tpu.matmul %squeeze3A_448, %get3A_451, %dot_general3A_452 {dimension_numbers = #tpu.dot_dimension_numbers<[0], [0], [1], [1], [0, 1, 1, 1], [], []>, transpose_lhs_hint = false} : vector<95x128xf32>, vector<95x128xf32>, vector<128x128xf32> -> vector<128x128xf32>
    %concatenate3A = tpu.concatenate %dot_general3A_34, %dot_general3A_41, %dot_general3A_48, %dot_general3A_55, %dot_general3A_62, %dot_general3A_69, %dot_general3A_76, %dot_general3A_83, %dot_general3A_90, %dot_general3A_97, %dot_general3A_104, %dot_general3A_111, %dot_general3A_118, %dot_general3A_125, %dot_general3A_132, %dot_general3A_139, %dot_general3A_146, %dot_general3A_153, %dot_general3A_160, %dot_general3A_167, %dot_general3A_174, %dot_general3A_181, %dot_general3A_188, %dot_general3A_195, %dot_general3A_202, %dot_general3A_209, %dot_general3A_216, %dot_general3A_223, %dot_general3A_230, %dot_general3A_237, %dot_general3A_250, %dot_general3A_257, %dot_general3A_264, %dot_general3A_271, %dot_general3A_278, %dot_general3A_285, %dot_general3A_292, %dot_general3A_299, %dot_general3A_306, %dot_general3A_313, %dot_general3A_320, %dot_general3A_327, %dot_general3A_334, %dot_general3A_341, %dot_general3A_348, %dot_general3A_355, %dot_general3A_362, %dot_general3A_369, %dot_general3A_376, %dot_general3A_383, %dot_general3A_390, %dot_general3A_397, %dot_general3A_404, %dot_general3A_411, %dot_general3A_418, %dot_general3A_425, %dot_general3A_432, %dot_general3A_439, %dot_general3A_446, %dot_general3A_453 in 0 : vector<128x128xf32>, vector<128x128xf32>, vector<128x128xf32>, vector<128x128xf32>, vector<128x128xf32>, vector<128x128xf32>, vector<128x128xf32>, vector<128x128xf32>, vector<128x128xf32>, vector<128x128xf32>, vector<128x128xf32>, vector<128x128xf32>, vector<128x128xf32>, vector<128x128xf32>, vector<128x128xf32>, vector<128x128xf32>, vector<128x128xf32>, vector<128x128xf32>, vector<128x128xf32>, vector<128x128xf32>, vector<128x128xf32>, vector<128x128xf32>, vector<128x128xf32>, vector<128x128xf32>, vector<128x128xf32>, vector<128x128xf32>, vector<128x128xf32>, vector<128x128xf32>, vector<128x128xf32>, vector<128x128xf32>, vector<128x128xf32>, vector<128x128xf32>, vector<128x128xf32>, vector<128x128xf32>, vector<128x128xf32>, vector<128x128xf32>, vector<128x128xf32>, vector<128x128xf32>, vector<128x128xf32>, vector<128x128xf32>, vector<128x128xf32>, vector<128x128xf32>, vector<128x128xf32>, vector<128x128xf32>, vector<128x128xf32>, vector<128x128xf32>, vector<128x128xf32>, vector<128x128xf32>, vector<128x128xf32>, vector<128x128xf32>, vector<128x128xf32>, vector<128x128xf32>, vector<128x128xf32>, vector<128x128xf32>, vector<128x128xf32>, vector<128x128xf32>, vector<128x128xf32>, vector<128x128xf32>, vector<128x128xf32>, vector<128x128xf32> -> vector<7680x128xf32>
    %add3A_454 = arith.addf %add3A, %concatenate3A : vector<7680x128xf32>
    %broadcast_in_dim3A_455 = vector.shape_cast %slice3A_3 : vector<2x128x3xf32> to vector<2x1x128x3xf32>
    %broadcast_in_dim3A_456 = vector.shape_cast %broadcast_in_dim3A_455 : vector<2x1x128x3xf32> to vector<2x1x128x3xf32>
    %broadcast_in_dim3A_457 = vector.broadcast %broadcast_in_dim3A_456 : vector<2x1x128x3xf32> to vector<2x30x128x3xf32>
    %reshape3A_458 = vector.shape_cast %broadcast_in_dim3A_457 : vector<2x30x128x3xf32> to vector<7680x3xf32>
    %sub3A = arith.subf %slice3A_10, %reshape3A_458 : vector<7680x3xf32>
    %transpose3A = tpu.transpose %sub3A, [1, 0] : vector<7680x3xf32> -> vector<3x7680xf32>
    %mul3A = arith.mulf %transpose3A, %transpose3A : vector<3x7680xf32>
    %reduce_sum3A = arith.constant dense<0.000000e+00> : vector<7680xf32>
    %reduce_sum3A_459 = vector.multi_reduction <add>, %mul3A, %reduce_sum3A [0] : vector<3x7680xf32> to vector<7680xf32>
    %broadcast_in_dim3A_460 = vector.shape_cast %reduce_sum3A_459 : vector<7680xf32> to vector<1x7680xf32>
    %mul3A_461 = arith.constant 1.250000e-01 : f32
    %mul3A_462 = vector.broadcast %mul3A_461 : f32 to vector<1x7680xf32>
    %mul3A_463 = arith.mulf %broadcast_in_dim3A_460, %mul3A_462 : vector<1x7680xf32>
    %sin3A = math.sin %mul3A_463 : vector<1x7680xf32>
    %cos3A = math.cos %mul3A_463 : vector<1x7680xf32>
    %mul3A_464 = arith.constant 2.000000e+00 : f32
    %mul3A_465 = vector.broadcast %mul3A_464 : f32 to vector<1x7680xf32>
    %mul3A_466 = arith.mulf %mul3A_465, %sin3A : vector<1x7680xf32>
    %mul3A_467 = arith.mulf %mul3A_466, %cos3A : vector<1x7680xf32>
    %mul3A_468 = arith.constant 2.000000e+00 : f32
    %mul3A_469 = vector.broadcast %mul3A_468 : f32 to vector<1x7680xf32>
    %mul3A_470 = arith.mulf %mul3A_469, %sin3A : vector<1x7680xf32>
    %mul3A_471 = arith.mulf %mul3A_470, %sin3A : vector<1x7680xf32>
    %sub3A_472 = arith.constant 1.000000e+00 : f32
    %sub3A_473 = vector.broadcast %sub3A_472 : f32 to vector<1x7680xf32>
    %sub3A_474 = arith.subf %sub3A_473, %mul3A_471 : vector<1x7680xf32>
    %mul3A_475 = arith.constant 2.000000e+00 : f32
    %mul3A_476 = vector.broadcast %mul3A_475 : f32 to vector<1x7680xf32>
    %mul3A_477 = arith.mulf %mul3A_476, %mul3A_467 : vector<1x7680xf32>
    %mul3A_478 = arith.mulf %mul3A_477, %sub3A_474 : vector<1x7680xf32>
    %mul3A_479 = arith.constant 2.000000e+00 : f32
    %mul3A_480 = vector.broadcast %mul3A_479 : f32 to vector<1x7680xf32>
    %mul3A_481 = arith.mulf %mul3A_480, %mul3A_467 : vector<1x7680xf32>
    %mul3A_482 = arith.mulf %mul3A_481, %mul3A_467 : vector<1x7680xf32>
    %sub3A_483 = arith.constant 1.000000e+00 : f32
    %sub3A_484 = vector.broadcast %sub3A_483 : f32 to vector<1x7680xf32>
    %sub3A_485 = arith.subf %sub3A_484, %mul3A_482 : vector<1x7680xf32>
    %mul3A_486 = arith.constant 2.000000e+00 : f32
    %mul3A_487 = vector.broadcast %mul3A_486 : f32 to vector<1x7680xf32>
    %mul3A_488 = arith.mulf %mul3A_487, %mul3A_478 : vector<1x7680xf32>
    %mul3A_489 = arith.mulf %mul3A_488, %sub3A_485 : vector<1x7680xf32>
    %mul3A_490 = arith.constant 2.000000e+00 : f32
    %mul3A_491 = vector.broadcast %mul3A_490 : f32 to vector<1x7680xf32>
    %mul3A_492 = arith.mulf %mul3A_491, %mul3A_478 : vector<1x7680xf32>
    %mul3A_493 = arith.mulf %mul3A_492, %mul3A_478 : vector<1x7680xf32>
    %sub3A_494 = arith.constant 1.000000e+00 : f32
    %sub3A_495 = vector.broadcast %sub3A_494 : f32 to vector<1x7680xf32>
    %sub3A_496 = arith.subf %sub3A_495, %mul3A_493 : vector<1x7680xf32>
    %concatenate3A_497 = tpu.concatenate %mul3A_489, %mul3A_478, %mul3A_467, %sin3A, %sub3A_496, %sub3A_485, %sub3A_474, %cos3A, %broadcast_in_dim3A_460 in 0 : vector<1x7680xf32>, vector<1x7680xf32>, vector<1x7680xf32>, vector<1x7680xf32>, vector<1x7680xf32>, vector<1x7680xf32>, vector<1x7680xf32>, vector<1x7680xf32>, vector<1x7680xf32> -> vector<9x7680xf32>
    %transpose3A_498 = tpu.transpose %concatenate3A_497, [1, 0] : vector<9x7680xf32> -> vector<7680x9xf32>
    %get3A_499 = arith.constant 0 : index
    %get3A_500 = arith.constant 0 : index
    %get3A_501 = vector.load %arg6[%get3A_499, %get3A_500] : memref<9x128xf32, #tpu.memory_space<vmem>>, vector<9x128xf32>
    %dot_general3A_502 = arith.constant dense<0.000000e+00> : vector<7680x128xf32>
    %dot_general3A_503 = tpu.matmul %transpose3A_498, %get3A_501, %dot_general3A_502 {dimension_numbers = #tpu.dot_dimension_numbers<[1], [0], [0], [1], [0, 0, 1, 1], [], []>, transpose_lhs_hint = false} : vector<7680x9xf32>, vector<9x128xf32>, vector<7680x128xf32> -> vector<7680x128xf32>
    %add3A_504 = arith.addf %add3A_454, %dot_general3A_503 : vector<7680x128xf32>
    %get3A_505 = arith.constant 0 : index
    %get3A_506 = arith.constant 0 : index
    %get3A_507 = vector.load %arg8[%get3A_505, %get3A_506] : memref<1x128xf32, #tpu.memory_space<vmem>>, vector<1x128xf32>
    %add3A_508 = vector.broadcast %get3A_507 : vector<1x128xf32> to vector<7680x128xf32>
    %add3A_509 = arith.addf %add3A_504, %add3A_508 : vector<7680x128xf32>
    %mul3A_510 = arith.constant 5.000000e-01 : f32
    %mul3A_511 = vector.broadcast %mul3A_510 : f32 to vector<7680x128xf32>
    %mul3A_512 = arith.mulf %add3A_509, %mul3A_511 : vector<7680x128xf32>
    %mul3A_513 = arith.constant 0.707106769 : f32
    %mul3A_514 = vector.broadcast %mul3A_513 : f32 to vector<7680x128xf32>
    %mul3A_515 = arith.mulf %add3A_509, %mul3A_514 : vector<7680x128xf32>
    %erf3A = math.erf %mul3A_515 : vector<7680x128xf32>
    %add3A_516 = arith.constant 1.000000e+00 : f32
    %add3A_517 = vector.broadcast %add3A_516 : f32 to vector<7680x128xf32>
    %add3A_518 = arith.addf %add3A_517, %erf3A : vector<7680x128xf32>
    %mul3A_519 = arith.mulf %mul3A_512, %add3A_518 : vector<7680x128xf32>
    %get3A_520 = arith.constant 0 : index
    %get3A_521 = arith.constant 0 : index
    %get3A_522 = vector.load %arg9[%get3A_520, %get3A_521] : memref<128x33xf32, #tpu.memory_space<vmem>>, vector<128x33xf32>
    %dot_general3A_523 = arith.constant dense<0.000000e+00> : vector<7680x33xf32>
    %dot_general3A_524 = tpu.matmul %mul3A_519, %get3A_522, %dot_general3A_523 {dimension_numbers = #tpu.dot_dimension_numbers<[1], [0], [0], [1], [0, 0, 1, 1], [], []>, transpose_lhs_hint = false} : vector<7680x128xf32>, vector<128x33xf32>, vector<7680x33xf32> -> vector<7680x33xf32>
    %get3A_525 = arith.constant 0 : index
    %get3A_526 = arith.constant 0 : index
    %get3A_527 = vector.load %arg10[%get3A_525, %get3A_526] : memref<1x33xf32, #tpu.memory_space<vmem>>, vector<1x33xf32>
    %add3A_528 = vector.broadcast %get3A_527 : vector<1x33xf32> to vector<7680x33xf32>
    %add3A_529 = arith.addf %dot_general3A_524, %add3A_528 : vector<7680x33xf32>
    %slice3A_530 = vector.extract_strided_slice %add3A_529 {offsets = [0, 32], sizes = [7680, 1], strides = [1, 1]} : vector<7680x33xf32> to vector<7680x1xf32>
    %logistic3A = arith.negf %slice3A_530 : vector<7680x1xf32>
    %logistic3A_531 = math.exp %logistic3A : vector<7680x1xf32>
    %logistic3A_532 = arith.constant 1.000000e+00 : f32
    %logistic3A_533 = vector.broadcast %logistic3A_532 : f32 to vector<7680x1xf32>
    %logistic3A_534 = arith.addf %logistic3A_533, %logistic3A_531 : vector<7680x1xf32>
    %logistic3A_535 = arith.divf %logistic3A_533, %logistic3A_534 : vector<7680x1xf32>
    %slice3A_536 = vector.extract_strided_slice %add3A_529 {offsets = [0, 0], sizes = [7680, 32], strides = [1, 1]} : vector<7680x33xf32> to vector<7680x32xf32>
    %mul3A_537 = vector.broadcast %logistic3A_535 : vector<7680x1xf32> to vector<7680x32xf32>
    %mul3A_538 = arith.mulf %slice3A_536, %mul3A_537 : vector<7680x32xf32>
    %get3A_539 = arith.constant 0 : index
    %get3A_540 = arith.constant 0 : index
    %get3A_541 = vector.load %arg11[%get3A_539, %get3A_540] : memref<32x128xf32, #tpu.memory_space<vmem>>, vector<32x128xf32>
    %dot_general3A_542 = arith.constant dense<0.000000e+00> : vector<7680x128xf32>
    %dot_general3A_543 = tpu.matmul %mul3A_538, %get3A_541, %dot_general3A_542 {dimension_numbers = #tpu.dot_dimension_numbers<[1], [0], [0], [1], [0, 0, 1, 1], [], []>, transpose_lhs_hint = false} : vector<7680x32xf32>, vector<32x128xf32>, vector<7680x128xf32> -> vector<7680x128xf32>
    %get3A_544 = arith.constant 0 : index
    %get3A_545 = arith.constant 0 : index
    %get3A_546 = vector.load %arg12[%get3A_544, %get3A_545] : memref<1x128xf32, #tpu.memory_space<vmem>>, vector<1x128xf32>
    %add3A_547 = vector.broadcast %get3A_546 : vector<1x128xf32> to vector<7680x128xf32>
    %add3A_548 = arith.addf %dot_general3A_543, %add3A_547 : vector<7680x128xf32>
    %mul3A_549 = arith.constant 5.000000e-01 : f32
    %mul3A_550 = vector.broadcast %mul3A_549 : f32 to vector<7680x128xf32>
    %mul3A_551 = arith.mulf %add3A_548, %mul3A_550 : vector<7680x128xf32>
    %mul3A_552 = arith.constant 0.707106769 : f32
    %mul3A_553 = vector.broadcast %mul3A_552 : f32 to vector<7680x128xf32>
    %mul3A_554 = arith.mulf %add3A_548, %mul3A_553 : vector<7680x128xf32>
    %erf3A_555 = math.erf %mul3A_554 : vector<7680x128xf32>
    %add3A_556 = arith.constant 1.000000e+00 : f32
    %add3A_557 = vector.broadcast %add3A_556 : f32 to vector<7680x128xf32>
    %add3A_558 = arith.addf %add3A_557, %erf3A_555 : vector<7680x128xf32>
    %mul3A_559 = arith.mulf %mul3A_551, %add3A_558 : vector<7680x128xf32>
    %get3A_560 = arith.constant 0 : index
    %get3A_561 = arith.constant 0 : index
    %get3A_562 = vector.load %arg13[%get3A_560, %get3A_561] : memref<1x128xf32, #tpu.memory_space<vmem>>, vector<1x128xf32>
    %dot_general3A_563 = arith.constant dense<0.000000e+00> : vector<1x7680xf32>
    %dot_general3A_564 = tpu.matmul %get3A_562, %mul3A_559, %dot_general3A_563 {dimension_numbers = #tpu.dot_dimension_numbers<[1], [1], [0], [0], [0, 0, 1, 0], [], []>, transpose_lhs_hint = false} : vector<1x128xf32>, vector<7680x128xf32>, vector<1x7680xf32> -> vector<1x7680xf32>
    %get3A_565 = arith.constant 0 : index
    %get3A_566 = arith.constant 0 : index
    %get3A_567 = vector.load %arg14[%get3A_565, %get3A_566] : memref<1x1xf32, #tpu.memory_space<vmem>>, vector<1x1xf32>
    %get3A_568 = vector.extract %get3A_567[0, 0] : f32 from vector<1x1xf32>
    %add3A_569 = vector.broadcast %get3A_568 : f32 to vector<1x7680xf32>
    %add3A_570 = arith.addf %dot_general3A_564, %add3A_569 : vector<1x7680xf32>
    %get3A_571 = arith.constant 0 : index
    %get3A_572 = arith.constant 0 : index
    %get3A_573 = vector.load %arg22[%get3A_571, %get3A_572] : memref<1x1xf32, #tpu.memory_space<vmem>>, vector<1x1xf32>
    %get3A_574 = vector.extract %get3A_573[0, 0] : f32 from vector<1x1xf32>
    %mul3A_575 = vector.broadcast %get3A_574 : f32 to vector<1x7680xf32>
    %mul3A_576 = arith.mulf %add3A_570, %mul3A_575 : vector<1x7680xf32>
    %sqrt3A = math.sqrt %broadcast_in_dim3A_460 : vector<1x7680xf32>
    %max3A = arith.constant 9.99999993E-9 : f32
    %max3A_577 = vector.broadcast %max3A : f32 to vector<1x7680xf32>
    %max3A_578 = arith.maximumf %sqrt3A, %max3A_577 : vector<1x7680xf32>
    %div3A = arith.divf %mul3A_576, %max3A_578 : vector<1x7680xf32>
    %mul3A_579 = vector.broadcast %div3A : vector<1x7680xf32> to vector<3x7680xf32>
    %mul3A_580 = arith.mulf %transpose3A, %mul3A_579 : vector<3x7680xf32>
    %transpose3A_581 = tpu.transpose %mul3A_580, [1, 0] : vector<3x7680xf32> -> vector<7680x3xf32>
    %reshape3A_582 = vector.shape_cast %transpose3A_581 : vector<7680x3xf32> to vector<2x30x128x3xf32>
    %reduce_sum3A_583 = arith.constant dense<0.000000e+00> : vector<2x128x3xf32>
    %reduce_sum3A_584 = vector.multi_reduction <add>, %reshape3A_582, %reduce_sum3A_583 [1] : vector<2x30x128x3xf32> to vector<2x128x3xf32>
    %add3A_585 = arith.addf %reduce_sum3A_584, %slice3A_3 : vector<2x128x3xf32>
    %swap3A = arith.constant 0 : index
    %swap3A_586 = arith.constant 0 : index
    %swap3A_587 = arith.constant 0 : index
    %swap3A_588 = vector.load %arg24[%swap3A, %swap3A_586, %swap3A_587] : memref<2x128x3xf32, #tpu.memory_space<vmem>>, vector<2x128x3xf32>
    tpu.vector_store %arg24[%swap3A, %swap3A_586, %swap3A_587], %add3A_585 {strides = array<i32>} : memref<2x128x3xf32, #tpu.memory_space<vmem>>, vector<2x128x3xf32>,
    %reshape3A_589 = vector.shape_cast %mul3A_538 : vector<7680x32xf32> to vector<2x30x128x32xf32>
    %reduce_sum3A_590 = arith.constant dense<0.000000e+00> : vector<2x128x32xf32>
    %reduce_sum3A_591 = vector.multi_reduction <add>, %reshape3A_589, %reduce_sum3A_590 [1] : vector<2x30x128x32xf32> to vector<2x128x32xf32>
    %reshape3A_592 = vector.shape_cast %reduce_sum3A_591 : vector<2x128x32xf32> to vector<256x32xf32>
    %reduce_sum3A_593 = arith.constant dense<0.000000e+00> : vector<256xf32>
    %reduce_sum3A_594 = vector.multi_reduction <add>, %reshape3A, %reduce_sum3A_593 [1] : vector<256x32xf32> to vector<256xf32>
    %broadcast_in_dim3A_595 = vector.shape_cast %reduce_sum3A_594 : vector<256xf32> to vector<256x1xf32>
    %div3A_596 = arith.constant 3.200000e+01 : f32
    %div3A_597 = vector.broadcast %div3A_596 : f32 to vector<256x1xf32>
    %div3A_598 = arith.divf %broadcast_in_dim3A_595, %div3A_597 : vector<256x1xf32>
    %sub3A_599 = vector.broadcast %div3A_598 : vector<256x1xf32> to vector<256x32xf32>
    %sub3A_600 = arith.subf %reshape3A, %sub3A_599 : vector<256x32xf32>
    %integer_pow3A = arith.mulf %sub3A_600, %sub3A_600 : vector<256x32xf32>
    %reduce_sum3A_601 = arith.constant dense<0.000000e+00> : vector<256xf32>
    %reduce_sum3A_602 = vector.multi_reduction <add>, %integer_pow3A, %reduce_sum3A_601 [1] : vector<256x32xf32> to vector<256xf32>
    %broadcast_in_dim3A_603 = vector.shape_cast %reduce_sum3A_602 : vector<256xf32> to vector<256x1xf32>
    %div3A_604 = arith.constant 3.200000e+01 : f32
    %div3A_605 = vector.broadcast %div3A_604 : f32 to vector<256x1xf32>
    %div3A_606 = arith.divf %broadcast_in_dim3A_603, %div3A_605 : vector<256x1xf32>
    %sub3A_607 = vector.broadcast %div3A_598 : vector<256x1xf32> to vector<256x32xf32>
    %sub3A_608 = arith.subf %reshape3A, %sub3A_607 : vector<256x32xf32>
    %add3A_609 = arith.constant 9.99999974E-6 : f32
    %add3A_610 = vector.broadcast %add3A_609 : f32 to vector<256x1xf32>
    %add3A_611 = arith.addf %div3A_606, %add3A_610 : vector<256x1xf32>
    %sqrt3A_612 = math.sqrt %add3A_611 : vector<256x1xf32>
    %div3A_613 = vector.broadcast %sqrt3A_612 : vector<256x1xf32> to vector<256x32xf32>
    %div3A_614 = arith.divf %sub3A_608, %div3A_613 : vector<256x32xf32>
    %get3A_615 = arith.constant 0 : index
    %get3A_616 = arith.constant 0 : index
    %get3A_617 = vector.load %arg20[%get3A_615, %get3A_616] : memref<1x32xf32, #tpu.memory_space<vmem>>, vector<1x32xf32>
    %mul3A_618 = vector.broadcast %get3A_617 : vector<1x32xf32> to vector<256x32xf32>
    %mul3A_619 = arith.mulf %div3A_614, %mul3A_618 : vector<256x32xf32>
    %get3A_620 = arith.constant 0 : index
    %get3A_621 = arith.constant 0 : index
    %get3A_622 = vector.load %arg21[%get3A_620, %get3A_621] : memref<1x32xf32, #tpu.memory_space<vmem>>, vector<1x32xf32>
    %add3A_623 = vector.broadcast %get3A_622 : vector<1x32xf32> to vector<256x32xf32>
    %add3A_624 = arith.addf %mul3A_619, %add3A_623 : vector<256x32xf32>
    %get3A_625 = arith.constant 0 : index
    %get3A_626 = arith.constant 0 : index
    %get3A_627 = vector.load %arg15[%get3A_625, %get3A_626] : memref<32x128xf32, #tpu.memory_space<vmem>>, vector<32x128xf32>
    %dot_general3A_628 = arith.constant dense<0.000000e+00> : vector<256x128xf32>
    %dot_general3A_629 = tpu.matmul %add3A_624, %get3A_627, %dot_general3A_628 {dimension_numbers = #tpu.dot_dimension_numbers<[1], [0], [0], [1], [0, 0, 1, 1], [], []>, transpose_lhs_hint = false} : vector<256x32xf32>, vector<32x128xf32>, vector<256x128xf32> -> vector<256x128xf32>
    %get3A_630 = arith.constant 0 : index
    %get3A_631 = arith.constant 0 : index
    %get3A_632 = vector.load %arg16[%get3A_630, %get3A_631] : memref<32x128xf32, #tpu.memory_space<vmem>>, vector<32x128xf32>
    %dot_general3A_633 = arith.constant dense<0.000000e+00> : vector<256x128xf32>
    %dot_general3A_634 = tpu.matmul %reshape3A_592, %get3A_632, %dot_general3A_633 {dimension_numbers = #tpu.dot_dimension_numbers<[1], [0], [0], [1], [0, 0, 1, 1], [], []>, transpose_lhs_hint = false} : vector<256x32xf32>, vector<32x128xf32>, vector<256x128xf32> -> vector<256x128xf32>
    %add3A_635 = arith.addf %dot_general3A_629, %dot_general3A_634 : vector<256x128xf32>
    %get3A_636 = arith.constant 0 : index
    %get3A_637 = arith.constant 0 : index
    %get3A_638 = vector.load %arg17[%get3A_636, %get3A_637] : memref<1x128xf32, #tpu.memory_space<vmem>>, vector<1x128xf32>
    %add3A_639 = vector.broadcast %get3A_638 : vector<1x128xf32> to vector<256x128xf32>
    %add3A_640 = arith.addf %add3A_635, %add3A_639 : vector<256x128xf32>
    %mul3A_641 = arith.constant 5.000000e-01 : f32
    %mul3A_642 = vector.broadcast %mul3A_641 : f32 to vector<256x128xf32>
    %mul3A_643 = arith.mulf %add3A_640, %mul3A_642 : vector<256x128xf32>
    %mul3A_644 = arith.constant 0.707106769 : f32
    %mul3A_645 = vector.broadcast %mul3A_644 : f32 to vector<256x128xf32>
    %mul3A_646 = arith.mulf %add3A_640, %mul3A_645 : vector<256x128xf32>
    %erf3A_647 = math.erf %mul3A_646 : vector<256x128xf32>
    %add3A_648 = arith.constant 1.000000e+00 : f32
    %add3A_649 = vector.broadcast %add3A_648 : f32 to vector<256x128xf32>
    %add3A_650 = arith.addf %add3A_649, %erf3A_647 : vector<256x128xf32>
    %mul3A_651 = arith.mulf %mul3A_643, %add3A_650 : vector<256x128xf32>
    %get3A_652 = arith.constant 0 : index
    %get3A_653 = arith.constant 0 : index
    %get3A_654 = vector.load %arg18[%get3A_652, %get3A_653] : memref<128x32xf32, #tpu.memory_space<vmem>>, vector<128x32xf32>
    %dot_general3A_655 = arith.constant dense<0.000000e+00> : vector<256x32xf32>
    %dot_general3A_656 = tpu.matmul %mul3A_651, %get3A_654, %dot_general3A_655 {dimension_numbers = #tpu.dot_dimension_numbers<[1], [0], [0], [1], [0, 0, 1, 1], [], []>, transpose_lhs_hint = false} : vector<256x128xf32>, vector<128x32xf32>, vector<256x32xf32> -> vector<256x32xf32>
    %get3A_657 = arith.constant 0 : index
    %get3A_658 = arith.constant 0 : index
    %get3A_659 = vector.load %arg19[%get3A_657, %get3A_658] : memref<1x32xf32, #tpu.memory_space<vmem>>, vector<1x32xf32>
    %add3A_660 = vector.broadcast %get3A_659 : vector<1x32xf32> to vector<256x32xf32>
    %add3A_661 = arith.addf %dot_general3A_656, %add3A_660 : vector<256x32xf32>
    %add3A_662 = arith.addf %add3A_661, %reshape3A : vector<256x32xf32>
    %reshape3A_663 = vector.shape_cast %add3A_662 : vector<256x32xf32> to vector<2x128x32xf32>
    %swap3A_664 = arith.constant 0 : index
    %swap3A_665 = arith.constant 0 : index
    %swap3A_666 = arith.constant 0 : index
    %swap3A_667 = vector.load %arg23[%swap3A_664, %swap3A_665, %swap3A_666] : memref<2x128x32xf32, #tpu.memory_space<vmem>>, vector<2x128x32xf32>
    tpu.vector_store %arg23[%swap3A_664, %swap3A_665, %swap3A_666], %reshape3A_663 {strides = array<i32>} : memref<2x128x32xf32, #tpu.memory_space<vmem>>, vector<2x128x32xf32>,
    return
  }
  func.func @transform_0(%arg0: i32) -> (i32, i32, i32) {
    %add3A = arith.constant 0 : i32
    %add3A_0 = arith.addi %arg0, %add3A : i32
    %c0_i32 = arith.constant 0 : i32
    %c0_i32_1 = arith.constant 0 : i32
    %c0_i32_2 = arith.constant 0 : i32
    return %c0_i32, %add3A_0, %c0_i32_1 : i32, i32, i32
  }
  func.func @transform_1(%arg0: i32) -> (i32, i32, i32, i32) {
    %c0_i32 = arith.constant 0 : i32
    %c0_i32_0 = arith.constant 0 : i32
    %c0_i32_1 = arith.constant 0 : i32
    %c0_i32_2 = arith.constant 0 : i32
    return %c0_i32, %c0_i32_0, %arg0, %c0_i32_1 : i32, i32, i32, i32
  }
  func.func @transform_2(%arg0: i32) -> (i32, i32, i32, i32) {
    %add3A = arith.constant 0 : i32
    %add3A_0 = arith.addi %arg0, %add3A : i32
    %c0_i32 = arith.constant 0 : i32
    %c0_i32_1 = arith.constant 0 : i32
    %c0_i32_2 = arith.constant 0 : i32
    %c0_i32_3 = arith.constant 0 : i32
    return %c0_i32, %c0_i32_1, %c0_i32_2, %add3A_0 : i32, i32, i32, i32
  }
  func.func @transform_3(%arg0: i32) -> (i32, i32) {
    %c0_i32 = arith.constant 0 : i32
    %c0_i32_0 = arith.constant 0 : i32
    %c0_i32_1 = arith.constant 0 : i32
    return %c0_i32, %c0_i32_0 : i32, i32
  }
  func.func @transform_4(%arg0: i32) -> (i32, i32) {
    %c0_i32 = arith.constant 0 : i32
    %c0_i32_0 = arith.constant 0 : i32
    %c0_i32_1 = arith.constant 0 : i32
    return %c0_i32, %c0_i32_0 : i32, i32
  }
  func.func @transform_5(%arg0: i32) -> (i32, i32) {
    %c0_i32 = arith.constant 0 : i32
    %c0_i32_0 = arith.constant 0 : i32
    %c0_i32_1 = arith.constant 0 : i32
    return %c0_i32, %c0_i32_0 : i32, i32
  }
  func.func @transform_6(%arg0: i32) -> (i32, i32) {
    %c0_i32 = arith.constant 0 : i32
    %c0_i32_0 = arith.constant 0 : i32
    %c0_i32_1 = arith.constant 0 : i32
    return %c0_i32, %c0_i32_0 : i32, i32
  }
  func.func @transform_7(%arg0: i32) -> (i32, i32) {
    %c0_i32 = arith.constant 0 : i32
    %c0_i32_0 = arith.constant 0 : i32
    %c0_i32_1 = arith.constant 0 : i32
    return %c0_i32, %c0_i32_0 : i32, i32
  }
  func.func @transform_8(%arg0: i32) -> (i32, i32) {
    %c0_i32 = arith.constant 0 : i32
    %c0_i32_0 = arith.constant 0 : i32
    %c0_i32_1 = arith.constant 0 : i32
    return %c0_i32, %c0_i32_0 : i32, i32
  }
  func.func @transform_9(%arg0: i32) -> (i32, i32) {
    %c0_i32 = arith.constant 0 : i32
    %c0_i32_0 = arith.constant 0 : i32
    %c0_i32_1 = arith.constant 0 : i32
    return %c0_i32, %c0_i32_0 : i32, i32
  }
  func.func @transform_10(%arg0: i32) -> (i32, i32) {
    %c0_i32 = arith.constant 0 : i32
    %c0_i32_0 = arith.constant 0 : i32
    %c0_i32_1 = arith.constant 0 : i32
    return %c0_i32, %c0_i32_0 : i32, i32
  }
  func.func @transform_11(%arg0: i32) -> (i32, i32) {
    %c0_i32 = arith.constant 0 : i32
    %c0_i32_0 = arith.constant 0 : i32
    %c0_i32_1 = arith.constant 0 : i32
    return %c0_i32, %c0_i32_0 : i32, i32
  }
  func.func @transform_12(%arg0: i32) -> (i32, i32) {
    %c0_i32 = arith.constant 0 : i32
    %c0_i32_0 = arith.constant 0 : i32
    %c0_i32_1 = arith.constant 0 : i32
    return %c0_i32, %c0_i32_0 : i32, i32
  }
  func.func @transform_13(%arg0: i32) -> (i32, i32) {
    %c0_i32 = arith.constant 0 : i32
    %c0_i32_0 = arith.constant 0 : i32
    %c0_i32_1 = arith.constant 0 : i32
    return %c0_i32, %c0_i32_0 : i32, i32
  }
  func.func @transform_14(%arg0: i32) -> (i32, i32) {
    %c0_i32 = arith.constant 0 : i32
    %c0_i32_0 = arith.constant 0 : i32
    %c0_i32_1 = arith.constant 0 : i32
    return %c0_i32, %c0_i32_0 : i32, i32
  }
  func.func @transform_15(%arg0: i32) -> (i32, i32) {
    %c0_i32 = arith.constant 0 : i32
    %c0_i32_0 = arith.constant 0 : i32
    %c0_i32_1 = arith.constant 0 : i32
    return %c0_i32, %c0_i32_0 : i32, i32
  }
  func.func @transform_16(%arg0: i32) -> (i32, i32) {
    %c0_i32 = arith.constant 0 : i32
    %c0_i32_0 = arith.constant 0 : i32
    %c0_i32_1 = arith.constant 0 : i32
    return %c0_i32, %c0_i32_0 : i32, i32
  }
  func.func @transform_17(%arg0: i32) -> (i32, i32) {
    %c0_i32 = arith.constant 0 : i32
    %c0_i32_0 = arith.constant 0 : i32
    %c0_i32_1 = arith.constant 0 : i32
    return %c0_i32, %c0_i32_0 : i32, i32
  }
  func.func @transform_18(%arg0: i32) -> (i32, i32) {
    %c0_i32 = arith.constant 0 : i32
    %c0_i32_0 = arith.constant 0 : i32
    %c0_i32_1 = arith.constant 0 : i32
    return %c0_i32, %c0_i32_0 : i32, i32
  }
  func.func @transform_19(%arg0: i32) -> (i32, i32) {
    %c0_i32 = arith.constant 0 : i32
    %c0_i32_0 = arith.constant 0 : i32
    %c0_i32_1 = arith.constant 0 : i32
    return %c0_i32, %c0_i32_0 : i32, i32
  }
  func.func @transform_20(%arg0: i32) -> (i32, i32) {
    %c0_i32 = arith.constant 0 : i32
    %c0_i32_0 = arith.constant 0 : i32
    %c0_i32_1 = arith.constant 0 : i32
    return %c0_i32, %c0_i32_0 : i32, i32
  }
  func.func @transform_21(%arg0: i32) -> (i32, i32) {
    %c0_i32 = arith.constant 0 : i32
    %c0_i32_0 = arith.constant 0 : i32
    %c0_i32_1 = arith.constant 0 : i32
    return %c0_i32, %c0_i32_0 : i32, i32
  }
  func.func @transform_22(%arg0: i32) -> (i32, i32, i32) {
    %c0_i32 = arith.constant 0 : i32
    %c0_i32_0 = arith.constant 0 : i32
    %c0_i32_1 = arith.constant 0 : i32
    return %c0_i32, %arg0, %c0_i32_0 : i32, i32, i32
  }
  func.func @transform_23(%arg0: i32) -> (i32, i32, i32) {
    %c0_i32 = arith.constant 0 : i32
    %c0_i32_0 = arith.constant 0 : i32
    %c0_i32_1 = arith.constant 0 : i32
    return %c0_i32, %arg0, %c0_i32_0 : i32, i32, i32
  }
}

</mosaic_0001>

<sc_bundles>
// kernel: kernel.6.cloned.1.call-start
scs
__scs_entry_jumppad:
0x0: {  	(pc) =	sbr.rel $0x88, $3  }
0x1: {  	(tag) =	ssettag $0x0;
	lr =	simm.s32 $0x1  }
0x2: {  	[smem:$0x3F8C] =	sst lr;
	_ =	strace $0xD0000000  }
0x3: {  	_ = 	snop  }
0x4: {  	_ = 	snop  }
0x5: {  	_ = 	snop  }
0x6: {  	_ = 	snop  }
0x7: {  	_ = 	snop  }
__scs_overlays_trampoline_lowered:
0x8: {  	[smem:$0x3F9B] =	sst s0  }
0x9: {  	[smem:$0x3F9C] =	sst s1  }
0xa: {  	[smem:$0x3F9D] =	sst s2  }
0xb: {  	[smem:$0x3F9E] =	sst s3  }
0xc: {  	[smem:$0x3F9F] =	sst s4  }
0xd: {  	[smem:$0x3FA0] =	sst s5  }
0xe: {  	[smem:$0x3FA1] =	sst s6  }
0xf: {  	[smem:$0x3FA2] =	sst s7  }
0x10: {  	[smem:$0x3FA3] =	sst s8  }
0x11: {  	[smem:$0x3FA4] =	sst s9;
	s0 =	simm.s32 @!p0 $0x0  }
0x12: {  	s1 =	sld [smem:$0x3F8A];
	s0 =	simm.s32 @p0 $0x1  }
0x13: {  	[smem:$0x3FA5] =	sst s0;
	s0 =	simm.s32 @!p1 $0x0  }
0x14: {  	s2 =	sld [smem:$0x3F89];
	s0 =	simm.s32 @p1 $0x1  }
0x15: {  	[smem:$0x3FA6] =	sst s0;
	s0 =	simm.s32 @!p2 $0x0  }
0x16: {  	s3 =	sld [smem:$0x3FDB];
	s0 =	simm.s32 @p2 $0x1  }
0x17: {  	s4 =	simm.s32 $0x1BF5;
	[smem:$0x3FA8] =	sst s0  }
0x18: {  	s0 =	sld [smem:$0x3F8B];
	_ =	swait.ge [sflag:s4], $0x0  }
0x19: {  	s7 =	sld [smem:$0x3F8C]  }
0x1a: {  	s8 =	sadd.s32 $0xFFFFE003, lr  }
0x1b: {  	s9 =	sadd.s32 $0xFFFFFEF7, lr;
	s5 =	simm.s32 $0xFFFFFFFF;
	p2 =	slt.u32 s8, $0xFFFFF086  }
0x1c: {  	p1 =	slt.u32 s9, $0xF7A;
	s5 =	simm.s32 @!p2 $0x0  }
0x1d: {  	s5 =	simm.s32 @p1 $0x1;
	p0 =	seq.s32 s7, s2  }
0x1e: {  	s7 =	smul.u32 @!p0 $0xF7A, s2;
	p2 =	seq.s32 @!p0 s5, $0x0  }
0x1f: {  	s9 =	smul.u32 $0xF7A, s1;
	s8 =	simm.s32 @!p0 $0x1BF5;
	p2 =	por !p2, p0  }
0x20: {  	[sflag:s8] =	ssyncset.s32 @!p0 $0xFFFFF086;
	s6 =	sadd.s32 @!p0 s3, s7;
	s7 =	simm.s32 @!p0 $0x108  }
0x21: {  	s3 =	sadd.s32 s3, s9;
	s6 =	sadd.s32 @!p0 $0x88, s6;
	s7 =	simm.s32 @p2 $0x1082  }
0x22: {  	[simem:s7], [sflag:s8] =	dma.local @!p0 [hbm:s6], $0xF7A  }
0x23: {  	s9 =	sor.u32 $0xD0000000, s2;
	s6 =	simm.s32 $0x108;
	_ =	swait.ge @!p0 [sflag:s8], $0x0  }
0x24: {  	s3 =	sadd.s32 $0x88, s3;
	s6 =	simm.s32 @!p1 $0x1082;
	[sflag:s4] =	ssyncset.s32 $0xFFFFF086  }
0x25: {  	[simem:s6], [sflag:s4] =	dma.local [hbm:s3], $0xF7A  }
0x26: {  	[smem:$0x3F8C] =	sst s1;
	(tag) =	ssettag s2;
	_ =	strace s9  }
0x27: {  	s1 =	sld [smem:$0x3F9C]  }
0x28: {  	s2 =	sld [smem:$0x3F9D]  }
0x29: {  	s4 =	sld [smem:$0x3F9F]  }
0x2a: {  	p0 =	seq.s32 s5, $0x0;
	s5 =	sld [smem:$0x3FA0]  }
0x2b: {  	s6 =	sld [smem:$0x3FA1]  }
0x2c: {  	s7 =	sld [smem:$0x3FA2]  }
0x2d: {  	s3 =	simm.s32 $0x108;
	s8 =	sld [smem:$0x3FA3]  }
0x2e: {  	s3 =	simm.s32 @!p0 $0x1082;
	s9 =	sld [smem:$0x3FA4]  }
0x2f: {  	lr =	sadd.s32 s0, s3;
	s0 =	sld [smem:$0x3F9B]  }
0x30: {  	s3 =	sld [smem:$0x3F9E]  }
0x31: {  	[smem:$0x3FA7] =	sst s10  }
0x32: {  	s10 =	sld [smem:$0x3FA5];
	_ =	sdelay $0x3  }
0x33: {  	p0 =	seq.s32 s10, $0x1;
	s10 =	sld [smem:$0x3FA7];
	_ =	sdelay $0x3  }
0x34: {  	[smem:$0x3FA7] =	sst s10  }
0x35: {  	s10 =	sld [smem:$0x3FA6];
	_ =	sdelay $0x3  }
0x36: {  	p1 =	seq.s32 s10, $0x1;
	s10 =	sld [smem:$0x3FA7];
	_ =	sdelay $0x3  }
0x37: {  	[smem:$0x3FA7] =	sst s10  }
0x38: {  	s10 =	sld [smem:$0x3FA8]  }
0x39: {  	_ = 	snop;
	(pc) =	sbr.ind lr, $3  }
0x3a: {  	_ = 	snop  }
0x3b: {  	_ = 	snop  }
0x3c: {  	p2 =	seq.s32 s10, $0x1;
	s10 =	sld [smem:$0x3FA7]  }
0x3d: {  	_ =	shalt  }
0x3e: {  	_ =	shalt  }
0x3f: {  	_ =	shalt  }
0x40: {  	_ =	shalt  }
0x41: {  	_ =	shalt  }
0x42: {  	_ =	shalt  }
0x43: {  	_ =	shalt  }
0x44: {  	_ =	shalt  }
0x45: {  	_ =	shalt  }
0x46: {  	_ =	shalt  }
0x47: {  	_ =	shalt  }
0x48: {  	_ =	shalt  }
0x49: {  	_ =	shalt  }
0x4a: {  	_ =	shalt  }
0x4b: {  	_ =	shalt  }
0x4c: {  	_ =	shalt  }
0x4d: {  	_ =	shalt  }
0x4e: {  	_ =	shalt  }
0x4f: {  	_ =	shalt  }
0x50: {  	_ =	shalt  }
0x51: {  	_ =	shalt  }
0x52: {  	_ =	shalt  }
0x53: {  	_ =	shalt  }
0x54: {  	_ =	shalt  }
0x55: {  	_ =	shalt  }
0x56: {  	_ =	shalt  }
0x57: {  	_ =	shalt  }
0x58: {  	_ =	shalt  }
0x59: {  	_ =	shalt  }
0x5a: {  	_ =	shalt  }
0x5b: {  	_ =	shalt  }
0x5c: {  	_ =	shalt  }
0x5d: {  	_ =	shalt  }
0x5e: {  	_ =	shalt  }
0x5f: {  	_ =	shalt  }
0x60: {  	_ =	shalt  }
0x61: {  	_ =	shalt  }
0x62: {  	_ =	shalt  }
0x63: {  	_ =	shalt  }
0x64: {  	_ =	shalt  }
0x65: {  	_ =	shalt  }
0x66: {  	_ =	shalt  }
0x67: {  	_ =	shalt  }
0x68: {  	_ =	shalt  }
0x69: {  	_ =	shalt  }
0x6a: {  	_ =	shalt  }
0x6b: {  	_ =	shalt  }
0x6c: {  	_ =	shalt  }
0x6d: {  	_ =	shalt  }
0x6e: {  	_ =	shalt  }
0x6f: {  	_ =	shalt  }
0x70: {  	_ =	shalt  }
0x71: {  	_ =	shalt  }
0x72: {  	_ =	shalt  }
0x73: {  	_ =	shalt  }
0x74: {  	_ =	shalt  }
0x75: {  	_ =	shalt  }
0x76: {  	_ =	shalt  }
0x77: {  	_ =	shalt  }
0x78: {  	_ =	shalt  }
0x79: {  	_ =	shalt  }
0x7a: {  	_ =	shalt  }
0x7b: {  	_ =	shalt  }
0x7c: {  	_ =	shalt  }
0x7d: {  	_ =	shalt  }
0x7e: {  	_ =	shalt  }
0x7f: {  	_ =	shalt  }
0x80: {  	_ =	shalt  }
0x81: {  	_ =	shalt  }
0x82: {  	_ =	shalt  }
0x83: {  	_ =	shalt  }
0x84: {  	_ =	shalt  }
0x85: {  	_ =	shalt  }
0x86: {  	_ =	shalt  }
0x87: {  	_ =	shalt  }
.Lfunc_end0:
.L_simem_size_0:
called_computation_lowered:
.L_overlay_start_0:
0x88: {  	s2 =	sld [smem:$0x3FD9]  }
0x89: {  	s3 =	sld [smem:$0x3FFE];
	_ =	sdelay $0x1  }
0x8a: {  	s1 =	srdreg.scid  }
0x8b: {  	s0 =	sand.u32 $0x1, s1  }
0x8c: {  	s17 =	sshll.u32 s0, $0xA;
	s2 =	sadd.s32 s3, s2  }
0x8d: {  	s2 =	sadd.s32 s2, s17  }
0x8e: {  	[smem:$0x3FB3] =	sst s2  }
0x8f: {  	_ = 	snop  }
0x90: {  	(tm) =	ssettm $0x1  }
0x91: {  	s18 =	sld [smem:$0x3FFB];
	_ =	sdelay $0x3  }
0x92: {  	_ =	strace s18  }
0x93: {  	s2 =	sld [smem:$0x3FFC];
	_ =	sdelay $0x3  }
0x94: {  	_ =	strace s2  }
0x95: {  	s2 =	sld [smem:$0x3FFD];
	_ =	sdelay $0x3  }
0x96: {  	_ =	strace s2  }
0x97: {  	_ =	strace $0x8FFFFFFF  }
0x98: {  	s19 =	sld [smem:$0x3FDB];
	_ =	sdelay $0x1  }
0x99: {  	s20 =	simm.s32 $_scs_section_size  }
0x9a: {  	s4 =	simm.s32 $_size__tile_overlayer_lowered;
	s5 =	simm.s32 $_tile_overlayer_lowered  }
0x9b: {  	s6 =	simm.s32 $0x1BFF;
	s21 =	sshll.u32 s5, $0x1;
	s3 =	sadd.s32 s20, s19  }
0x9c: {  	s22 =	simm.s32 $0x0;
	s4 =	sshll.u32 s4, $0x1;
	s5 =	sadd.s32 s21, s3  }
0x9d: {  	[timem:s22], [sflag:s6] =	dma.local [hbm:s5], s4  }
0x9e: {  	_ =	swait.ge [sflag:s6], s4  }
0x9f: {  	s4 =	ssub.s32 $0x0, s4;
	[sflag:s6] =	ssyncset.done $0x0  }
0xa0: {  	[sflag:s6] =	ssyncadd.s32 s4;
	_ =	sdelay $0x1  }
0xa1: {  	s23 =	simm.s32 $0x1B8B  }
0xa2: {  	_ =	swait.ge [sflag:s23], $0x1  }
0xa3: {  	[sflag:s23] =	ssyncset.done $0x0  }
0xa4: {  	[sflag:s23] =	ssyncadd.s32 $0xFFFFFFFF  }
0xa5: {  	s4 =	sld [smem:$0x0]  }
0xa6: {  	s5 =	sand.u32 $0xFFFFFFFE, s1  }
0xa7: {  	p0 =	sne.s32 s1, s5  }
0xa8: {  	s5 =	sshll.u32 @p0 s5, $0xE  }
0xa9: {  	s5 =	sadd.s32 @p0 $0x11B8D, s5;
	s6 =	sshll.u32 @p0 s4, $0x11  }
0xaa: {  	s5 =	sor.u32 @p0 s6, s5  }
0xab: {  	[sflag:s5] =	ssyncadd.remote.s32 @p0 $0x1;
	_ =	sdelay $0x1  }
0xac: {  	s5 =	simm.s32 @p0 $0x1B8D  }
0xad: {  	_ =	swait.eq @p0 [sflag:s5], $0x1  }
0xae: {  	[sflag:s5] =	ssyncadd.s32 @p0 $0xFFFFFFFF  }
0xaf: {  	s6 =	sshll.u32 @!p0 s1, $0xE  }
0xb0: {  	s6 =	sor.u32 @!p0 $0x4000, s6;
	s5 =	simm.s32 @!p0 $0x1B8D  }
0xb1: {  	s4 =	sshll.u32 @!p0 s4, $0x11;
	s6 =	sadd.s32 @!p0 $0x11B8D, s6;
	_ =	swait.eq @!p0 [sflag:s5], $0x1  }
0xb2: {  	s4 =	sor.u32 @!p0 s4, s6;
	[sflag:s5] =	ssyncadd.s32 @!p0 $0xFFFFFFFF  }
0xb3: {  	s25 =	simm.s32 $0x1B8E;
	s24 =	sld [smem:$0x3FFE];
	[sflag:s4] =	ssyncadd.remote.s32 @!p0 $0x1  }
0xb4: {  	s26 =	simm.s32 $execute0_lowered;
	[smem:$0x3FD2] =	sst s25  }
0xb5: {  	s5 =	sshll.u32 s26, $0x1;
	_ =	strace $0x80000049;
	[dreg:$0x1] =	wrdreg $0xFFFFFFFF  }
0xb6: {  	s28 =	simm.s32 $_size_execute0_lowered;
	s3 =	sadd.s32 s3, s5;
	[dreg:$0x0] =	wrdreg $0x0  }
0xb7: {  	s5 =	sshll.u32 s28, $0x1;
	[dreg:$0x2] =	wrdreg s3  }
0xb8: {  	[dreg:$0x3] =	wrdreg s5  }
0xb9: {  	[dreg:$0x4] =	wrdreg $0xC0  }
0xba: {  	_ =	task [dreg:s22], $0x5FFFF  }
0xbb: {  	[dreg:$0x1] =	wrdreg $0xFFFFFFFF  }
0xbc: {  	[dreg:$0x0] =	wrdreg $0x60  }
0xbd: {  	[dreg:$0x2] =	wrdreg s24  }
0xbe: {  	[dreg:$0x3] =	wrdreg $0x9  }
0xbf: {  	_ =	task.clear_ibuf [dreg:s22], $0x4FFFF;
	_ =	strace $0x90000049  }
0xc0: {  	s29 =	simm.s32 $0x9;
	_ =	strace $0x8000004B  }
0xc1: {  	_ =	swait.ge [sflag:s29], $0x1  }
0xc2: {  	[sflag:s29] =	ssyncadd.s32 $0xFFFFFFFF  }
0xc3: {  	_ =	strace $0x9000004B  }
0xc4: {  	_ =	sfence  }
0xc5: {  	s30 =	sld [smem:$0x0];
	_ =	sdelay $0x2  }
0xc6: {  	s31 =	sshll.u32 s1, $0xD;
	s1 =	sshrl.u32 s1, $0x2  }
0xc7: {  	s4 =	sand.u32 $0x4000, s31;
	s1 =	sadd.s32 s1, s30  }
0xc8: {  	s0 =	sor.u32 s4, s0;
	s1 =	sshll.u32 s1, $0x11  }
0xc9: {  	s0 =	sor.u32 s1, s0  }
0xca: {  	s0 =	sadd.s32 $0x8F2B, s0  }
0xcb: {  	[sflag:s0] =	ssyncadd.remote.s32 $0x1  }
0xcc: {  	_ =	sfence.sel $0xFFFF  }
0xcd: {  	[dreg:$0x0] =	wrdreg $0xFFFFFFFF;
	(pc) =	sbr.abs _section_cstart, $3  }
0xce: {  	[dreg:$0x1] =	wrdreg $0xFFFFFFFF  }
0xcf: {  	_ =	task.clear_ibuf [dreg:s22], $0x2FFFF;
	_ =	strace $0x9FFFFFFF  }
0xd0: {  	(tm) =	ssettm $0x7FFFFFFF  }
0xd1: {  	_ =	shalt  }
tec
execute0_lowered:
.L_overlay_start_1:
0x0: {  	(tag) =	ssettag $0x1  }
0x1: {  	s1 =	srdreg.scid;
	s0 =	stileid.u32  }
0x2: {  	s29 =	sand.u32 $0x1, s1;
	s26 =	sshll.u32 s0, $0x1  }
0x3: {  	s11 =	sor.u32 s29, s26  }
0x4: {  	s26 =	smul.u32 $0x780, s11  }
0x5: {  	s12 =	rddreg [dreg:$0x0];
	s2 =	simm.s32 $0x0;
	s4 =	simm.s32 $0x4  }
0x6: {  	[smem:$0x7FF] =	sst s2;
	s25 =	sadd.s32 $0x102E00, s12;
	s3 =	sshrl.u32 s26, $0x3  }
0x7: {  	s1 =	rddreg [dreg:$0x1];
	_ =	strace $0x8000004A;
	s3 =	sadd.s32 s25, s3  }
0x8: {  	[tilespmem:s2], [sflag:$0x4] =	stream.linear.gather [hbm4b:s3+s2], $0xF0, $0x38;
	[tilespmem:$0xF200] =	vst v63  }
0x9: {  	s6 =	simm.s32 $0xF0;
	_ =	swait.ge [sflag:s4], $0xF0  }
0xa: {  	s7 =	simm.s32 $0x200;
	s14 =	sadd.s32 $0xF0, s26;
	[sflag:s4] =	ssyncset.done $0x0  }
0xb: {  	s5 =	sadd.s32 $0x2E00, s12;
	s8 =	sshrl.u32 s14, $0x3;
	[sflag:s4] =	ssyncadd.s32 $0xFFFFFF10  }
0xc: {  	[tilespmem:s7], [sflag:$0x1] =	stream.indirect.gather [hbm4b:s5+s6], $0x80, s2, s6, $0xb8;
	[tilespmem:$0xF200] =	vst v63  }
0xd: {  	s9 =	simm.s32 $0x100;
	s8 =	sadd.s32 s25, s8  }
0xe: {  	[tilespmem:s9], [sflag:$0x4] =	stream.linear.gather [hbm4b:s8+s2], $0xF0, $0x38;
	[tilespmem:$0xF200] =	vst v63  }
0xf: {  	_ =	swait.ge [sflag:s4], $0xF0  }
0x10: {  	[sflag:s4] =	ssyncset.done $0x0  }
0x11: {  	s10 =	simm.s32 $0x1;
	[sflag:s4] =	ssyncadd.s32 $0xFFFFFF10  }
0x12: {  	s11 =	smul.u32 $0x7800, s11;
	_ =	swait.ge [sflag:s10], $0x7800  }
0x13: {  	s28 =	sadd.s32 $0x104C00, s12;
	[sflag:s10] =	ssyncset.done $0x0  }
0x14: {  	s11 =	sadd.s32 s28, s11;
	s17 =	sadd.s32 $0x1E0, s26;
	[sflag:s10] =	ssyncadd.s32 $0xFFFF8800  }
0x15: {  	[hbm4b:s11+s2] =	stream.linear.scatter [tilespmem:s7], [sflag:$0x2], $0x7800, $0x38;
	[tilespmem:$0xF200] =	vst v63  }
0x16: {  	s12 =	simm.s32 $0x7A00;
	s13 =	sshrl.u32 s17, $0x3  }
0x17: {  	[tilespmem:s12], [sflag:$0x1] =	stream.indirect.gather [hbm4b:s5+s6], $0x80, s9, s6, $0xb8;
	[tilespmem:$0xF200] =	vst v63  }
0x18: {  	s13 =	sadd.s32 s25, s13  }
0x19: {  	[tilespmem:s2], [sflag:$0x4] =	stream.linear.gather [hbm4b:s13+s2], $0xF0, $0x38;
	[tilespmem:$0xF200] =	vst v63  }
0x1a: {  	_ =	swait.ge [sflag:s4], $0xF0  }
0x1b: {  	[sflag:s4] =	ssyncset.done $0x0  }
0x1c: {  	[sflag:s4] =	ssyncadd.s32 $0xFFFFFF10  }
0x1d: {  	_ =	swait.ge [sflag:s10], $0x7800  }
0x1e: {  	s14 =	sshll.u32 s14, $0x4;
	[sflag:s10] =	ssyncset.done $0x0  }
0x1f: {  	s15 =	simm.s32 $0x2;
	s14 =	sadd.s32 s28, s14;
	[sflag:s10] =	ssyncadd.s32 $0xFFFF8800  }
0x20: {  	[hbm4b:s14+s2] =	stream.linear.scatter [tilespmem:s12], [sflag:$0x3], $0x7800, $0x38;
	[tilespmem:$0xF200] =	vst v63  }
0x21: {  	_ =	swait.ge [sflag:s15], $0x7800  }
0x22: {  	s20 =	sadd.s32 $0x2D0, s26;
	[sflag:s15] =	ssyncset.done $0x0  }
0x23: {  	s16 =	sshrl.u32 s20, $0x3;
	[sflag:s15] =	ssyncadd.s32 $0xFFFF8800  }
0x24: {  	[tilespmem:s7], [sflag:$0x1] =	stream.indirect.gather [hbm4b:s5+s6], $0x80, s2, s6, $0xb8;
	[tilespmem:$0xF200] =	vst v63  }
0x25: {  	s16 =	sadd.s32 s25, s16  }
0x26: {  	[tilespmem:s9], [sflag:$0x4] =	stream.linear.gather [hbm4b:s16+s2], $0xF0, $0x38;
	[tilespmem:$0xF200] =	vst v63  }
0x27: {  	_ =	swait.ge [sflag:s4], $0xF0  }
0x28: {  	[sflag:s4] =	ssyncset.done $0x0  }
0x29: {  	[sflag:s4] =	ssyncadd.s32 $0xFFFFFF10  }
0x2a: {  	_ =	swait.ge [sflag:s10], $0x7800  }
0x2b: {  	s17 =	sshll.u32 s17, $0x4;
	[sflag:s10] =	ssyncset.done $0x0  }
0x2c: {  	s18 =	sadd.s32 s28, s17;
	s17 =	simm.s32 $0x3;
	[sflag:s10] =	ssyncadd.s32 $0xFFFF8800  }
0x2d: {  	[hbm4b:s18+s2] =	stream.linear.scatter [tilespmem:s7], [sflag:$0x2], $0x7800, $0x38;
	[tilespmem:$0xF200] =	vst v63  }
0x2e: {  	_ =	swait.ge [sflag:s17], $0x7800  }
0x2f: {  	s22 =	sadd.s32 $0x3C0, s26;
	[sflag:s17] =	ssyncset.done $0x0  }
0x30: {  	s19 =	sshrl.u32 s22, $0x3;
	[sflag:s17] =	ssyncadd.s32 $0xFFFF8800  }
0x31: {  	[tilespmem:s12], [sflag:$0x1] =	stream.indirect.gather [hbm4b:s5+s6], $0x80, s9, s6, $0xb8;
	[tilespmem:$0xF200] =	vst v63  }
0x32: {  	s19 =	sadd.s32 s25, s19  }
0x33: {  	[tilespmem:s2], [sflag:$0x4] =	stream.linear.gather [hbm4b:s19+s2], $0xF0, $0x38;
	[tilespmem:$0xF200] =	vst v63  }
0x34: {  	_ =	swait.ge [sflag:s4], $0xF0  }
0x35: {  	[sflag:s4] =	ssyncset.done $0x0  }
0x36: {  	[sflag:s4] =	ssyncadd.s32 $0xFFFFFF10  }
0x37: {  	_ =	swait.ge [sflag:s10], $0x7800  }
0x38: {  	s20 =	sshll.u32 s20, $0x4;
	[sflag:s10] =	ssyncset.done $0x0  }
0x39: {  	s20 =	sadd.s32 s28, s20;
	[sflag:s10] =	ssyncadd.s32 $0xFFFF8800  }
0x3a: {  	[hbm4b:s20+s2] =	stream.linear.scatter [tilespmem:s12], [sflag:$0x3], $0x7800, $0x38;
	[tilespmem:$0xF200] =	vst v63  }
0x3b: {  	_ =	swait.ge [sflag:s15], $0x7800  }
0x3c: {  	s24 =	sadd.s32 $0x4B0, s26;
	[sflag:s15] =	ssyncset.done $0x0  }
0x3d: {  	s21 =	sshrl.u32 s24, $0x3;
	[sflag:s15] =	ssyncadd.s32 $0xFFFF8800  }
0x3e: {  	[tilespmem:s7], [sflag:$0x1] =	stream.indirect.gather [hbm4b:s5+s6], $0x80, s2, s6, $0xb8;
	[tilespmem:$0xF200] =	vst v63  }
0x3f: {  	s21 =	sadd.s32 s25, s21  }
0x40: {  	[tilespmem:s9], [sflag:$0x4] =	stream.linear.gather [hbm4b:s21+s2], $0xF0, $0x38;
	[tilespmem:$0xF200] =	vst v63  }
0x41: {  	_ =	swait.ge [sflag:s4], $0xF0  }
0x42: {  	[sflag:s4] =	ssyncset.done $0x0  }
0x43: {  	[sflag:s4] =	ssyncadd.s32 $0xFFFFFF10  }
0x44: {  	_ =	swait.ge [sflag:s10], $0x7800  }
0x45: {  	s22 =	sshll.u32 s22, $0x4;
	[sflag:s10] =	ssyncset.done $0x0  }
0x46: {  	s22 =	sadd.s32 s28, s22;
	[sflag:s10] =	ssyncadd.s32 $0xFFFF8800  }
0x47: {  	[hbm4b:s22+s2] =	stream.linear.scatter [tilespmem:s7], [sflag:$0x2], $0x7800, $0x38;
	[tilespmem:$0xF200] =	vst v63  }
0x48: {  	_ =	swait.ge [sflag:s17], $0x7800  }
0x49: {  	s30 =	sadd.s32 $0x5A0, s26;
	[sflag:s17] =	ssyncset.done $0x0  }
0x4a: {  	s23 =	sshrl.u32 s30, $0x3;
	[sflag:s17] =	ssyncadd.s32 $0xFFFF8800  }
0x4b: {  	[tilespmem:s12], [sflag:$0x1] =	stream.indirect.gather [hbm4b:s5+s6], $0x80, s9, s6, $0xb8;
	[tilespmem:$0xF200] =	vst v63  }
0x4c: {  	s23 =	sadd.s32 s25, s23  }
0x4d: {  	[tilespmem:s2], [sflag:$0x4] =	stream.linear.gather [hbm4b:s23+s2], $0xF0, $0x38;
	[tilespmem:$0xF200] =	vst v63  }
0x4e: {  	_ =	swait.ge [sflag:s4], $0xF0  }
0x4f: {  	[sflag:s4] =	ssyncset.done $0x0  }
0x50: {  	[sflag:s4] =	ssyncadd.s32 $0xFFFFFF10  }
0x51: {  	_ =	swait.ge [sflag:s10], $0x7800  }
0x52: {  	s24 =	sshll.u32 s24, $0x4;
	[sflag:s10] =	ssyncset.done $0x0  }
0x53: {  	s24 =	sadd.s32 s28, s24;
	[sflag:s10] =	ssyncadd.s32 $0xFFFF8800  }
0x54: {  	[hbm4b:s24+s2] =	stream.linear.scatter [tilespmem:s12], [sflag:$0x3], $0x7800, $0x38;
	[tilespmem:$0xF200] =	vst v63  }
0x55: {  	_ =	swait.ge [sflag:s15], $0x7800  }
0x56: {  	s31 =	sadd.s32 $0x690, s26;
	[sflag:s15] =	ssyncset.done $0x0  }
0x57: {  	s26 =	sshrl.u32 s31, $0x3;
	[sflag:s15] =	ssyncadd.s32 $0xFFFF8800  }
0x58: {  	[tilespmem:s7], [sflag:$0x1] =	stream.indirect.gather [hbm4b:s5+s6], $0x80, s2, s6, $0xb8;
	[tilespmem:$0xF200] =	vst v63  }
0x59: {  	s25 =	sadd.s32 s25, s26  }
0x5a: {  	[tilespmem:s9], [sflag:$0x4] =	stream.linear.gather [hbm4b:s25+s2], $0xF0, $0x38;
	[tilespmem:$0xF200] =	vst v63  }
0x5b: {  	_ =	swait.ge [sflag:s4], $0xF0  }
0x5c: {  	[sflag:s4] =	ssyncset.done $0x0  }
0x5d: {  	[sflag:s4] =	ssyncadd.s32 $0xFFFFFF10  }
0x5e: {  	_ =	swait.ge [sflag:s10], $0x7800  }
0x5f: {  	s30 =	sshll.u32 s30, $0x4;
	[sflag:s10] =	ssyncset.done $0x0  }
0x60: {  	s26 =	sadd.s32 s28, s30;
	[sflag:s10] =	ssyncadd.s32 $0xFFFF8800  }
0x61: {  	[hbm4b:s26+s2] =	stream.linear.scatter [tilespmem:s7], [sflag:$0x2], $0x7800, $0x38;
	[tilespmem:$0xF200] =	vst v63  }
0x62: {  	_ =	swait.ge [sflag:s17], $0x7800  }
0x63: {  	s29 =	ssub.s32 $0x2, s29;
	s31 =	sshll.u32 s31, $0x4;
	[sflag:s17] =	ssyncset.done $0x0  }
0x64: {  	s28 =	sadd.s32 s28, s31;
	s31 =	sshrl.u32 s29, $0x1;
	[sflag:s17] =	ssyncadd.s32 $0xFFFF8800  }
0x65: {  	[tilespmem:s12], [sflag:$0x1] =	stream.indirect.gather [hbm4b:s5+s6], $0x80, s9, s6, $0xb8;
	[tilespmem:$0xF200] =	vst v63  }
0x66: {  	s29 =	ssub.s32 s29, s31;
	_ =	swait.ge [sflag:s10], $0x7800  }
0x67: {  	s29 =	smax.u32 s29, $0x1;
	[sflag:s10] =	ssyncset.done $0x0  }
0x68: {  	p0 =	sne.s32 s29, $0x1;
	[sflag:s10] =	ssyncadd.s32 $0xFFFF8800  }
0x69: {  	[hbm4b:s28+s2] =	stream.linear.scatter [tilespmem:s12], [sflag:$0x3], $0x7800, $0x38;
	[tilespmem:$0xF200] =	vst v63  }
.Ltmp0:
0x6a: {  	_ =	swait.ge [sflag:s15], $0x7800;
	(pc) =	sbr.rel @!p0 .LBB2_2-.Ltmp0, $4  }
0x6b: {  	[sflag:s15] =	ssyncset.done $0x0  }
0x6c: {  	[sflag:s15] =	ssyncadd.s32 $0xFFFF8800  }
0x6d: {  	_ =	swait.ge [sflag:s17], $0x7800  }
0x6e: {  	s29 =	sadd.s32 $0xFFFFFFFF, s29;
	[sflag:s17] =	ssyncset.done $0x0  }
.LBB2_1:
0x6f: {  	p0 =	sne.s32 s29, $0x1;
	s29 =	sadd.s32 $0xFFFFFFFF, s29;
	[sflag:s17] =	ssyncadd.s32 $0xFFFF8800  }
0x70: {  	[tilespmem:s2], [sflag:$0x4] =	stream.linear.gather [hbm4b:s3+s2], $0xF0, $0x38;
	[tilespmem:$0xF200] =	vst v63  }
0x71: {  	_ =	swait.ge [sflag:s4], $0xF0  }
0x72: {  	[sflag:s4] =	ssyncset.done $0x0  }
0x73: {  	[sflag:s4] =	ssyncadd.s32 $0xFFFFFF10  }
0x74: {  	[tilespmem:s7], [sflag:$0x1] =	stream.indirect.gather [hbm4b:s5+s6], $0x80, s2, s6, $0xb8;
	[tilespmem:$0xF200] =	vst v63  }
0x75: {  	_ = 	snop  }
0x76: {  	[tilespmem:s9], [sflag:$0x4] =	stream.linear.gather [hbm4b:s8+s2], $0xF0, $0x38;
	[tilespmem:$0xF200] =	vst v63  }
0x77: {  	_ =	swait.ge [sflag:s4], $0xF0  }
0x78: {  	[sflag:s4] =	ssyncset.done $0x0  }
0x79: {  	[sflag:s4] =	ssyncadd.s32 $0xFFFFFF10  }
0x7a: {  	_ =	swait.ge [sflag:s10], $0x7800  }
0x7b: {  	[sflag:s10] =	ssyncset.done $0x0  }
0x7c: {  	[sflag:s10] =	ssyncadd.s32 $0xFFFF8800  }
0x7d: {  	[hbm4b:s11+s2] =	stream.linear.scatter [tilespmem:s7], [sflag:$0x2], $0x7800, $0x38;
	[tilespmem:$0xF200] =	vst v63  }
0x7e: {  	_ = 	snop  }
0x7f: {  	[tilespmem:s12], [sflag:$0x1] =	stream.indirect.gather [hbm4b:s5+s6], $0x80, s9, s6, $0xb8;
	[tilespmem:$0xF200] =	vst v63  }
0x80: {  	_ = 	snop  }
0x81: {  	[tilespmem:s2], [sflag:$0x4] =	stream.linear.gather [hbm4b:s13+s2], $0xF0, $0x38;
	[tilespmem:$0xF200] =	vst v63  }
0x82: {  	_ =	swait.ge [sflag:s4], $0xF0  }
0x83: {  	[sflag:s4] =	ssyncset.done $0x0  }
0x84: {  	[sflag:s4] =	ssyncadd.s32 $0xFFFFFF10  }
0x85: {  	_ =	swait.ge [sflag:s10], $0x7800  }
0x86: {  	[sflag:s10] =	ssyncset.done $0x0  }
0x87: {  	[sflag:s10] =	ssyncadd.s32 $0xFFFF8800  }
0x88: {  	[hbm4b:s14+s2] =	stream.linear.scatter [tilespmem:s12], [sflag:$0x3], $0x7800, $0x38;
	[tilespmem:$0xF200] =	vst v63  }
0x89: {  	_ =	swait.ge [sflag:s15], $0x7800  }
0x8a: {  	[sflag:s15] =	ssyncset.done $0x0  }
0x8b: {  	[sflag:s15] =	ssyncadd.s32 $0xFFFF8800  }
0x8c: {  	[tilespmem:s7], [sflag:$0x1] =	stream.indirect.gather [hbm4b:s5+s6], $0x80, s2, s6, $0xb8;
	[tilespmem:$0xF200] =	vst v63  }
0x8d: {  	_ = 	snop  }
0x8e: {  	[tilespmem:s9], [sflag:$0x4] =	stream.linear.gather [hbm4b:s16+s2], $0xF0, $0x38;
	[tilespmem:$0xF200] =	vst v63  }
0x8f: {  	_ =	swait.ge [sflag:s4], $0xF0  }
0x90: {  	[sflag:s4] =	ssyncset.done $0x0  }
0x91: {  	[sflag:s4] =	ssyncadd.s32 $0xFFFFFF10  }
0x92: {  	_ =	swait.ge [sflag:s10], $0x7800  }
0x93: {  	[sflag:s10] =	ssyncset.done $0x0  }
0x94: {  	[sflag:s10] =	ssyncadd.s32 $0xFFFF8800  }
0x95: {  	[hbm4b:s18+s2] =	stream.linear.scatter [tilespmem:s7], [sflag:$0x2], $0x7800, $0x38;
	[tilespmem:$0xF200] =	vst v63  }
0x96: {  	_ =	swait.ge [sflag:s17], $0x7800  }
0x97: {  	[sflag:s17] =	ssyncset.done $0x0  }
0x98: {  	[sflag:s17] =	ssyncadd.s32 $0xFFFF8800  }
0x99: {  	[tilespmem:s12], [sflag:$0x1] =	stream.indirect.gather [hbm4b:s5+s6], $0x80, s9, s6, $0xb8;
	[tilespmem:$0xF200] =	vst v63  }
0x9a: {  	_ = 	snop  }
0x9b: {  	[tilespmem:s2], [sflag:$0x4] =	stream.linear.gather [hbm4b:s19+s2], $0xF0, $0x38;
	[tilespmem:$0xF200] =	vst v63  }
0x9c: {  	_ =	swait.ge [sflag:s4], $0xF0  }
0x9d: {  	[sflag:s4] =	ssyncset.done $0x0  }
0x9e: {  	[sflag:s4] =	ssyncadd.s32 $0xFFFFFF10  }
0x9f: {  	_ =	swait.ge [sflag:s10], $0x7800  }
0xa0: {  	[sflag:s10] =	ssyncset.done $0x0  }
0xa1: {  	[sflag:s10] =	ssyncadd.s32 $0xFFFF8800  }
0xa2: {  	[hbm4b:s20+s2] =	stream.linear.scatter [tilespmem:s12], [sflag:$0x3], $0x7800, $0x38;
	[tilespmem:$0xF200] =	vst v63  }
0xa3: {  	_ =	swait.ge [sflag:s15], $0x7800  }
0xa4: {  	[sflag:s15] =	ssyncset.done $0x0  }
0xa5: {  	[sflag:s15] =	ssyncadd.s32 $0xFFFF8800  }
0xa6: {  	[tilespmem:s7], [sflag:$0x1] =	stream.indirect.gather [hbm4b:s5+s6], $0x80, s2, s6, $0xb8;
	[tilespmem:$0xF200] =	vst v63  }
0xa7: {  	_ = 	snop  }
0xa8: {  	[tilespmem:s9], [sflag:$0x4] =	stream.linear.gather [hbm4b:s21+s2], $0xF0, $0x38;
	[tilespmem:$0xF200] =	vst v63  }
0xa9: {  	_ =	swait.ge [sflag:s4], $0xF0  }
0xaa: {  	[sflag:s4] =	ssyncset.done $0x0  }
0xab: {  	[sflag:s4] =	ssyncadd.s32 $0xFFFFFF10  }
0xac: {  	_ =	swait.ge [sflag:s10], $0x7800  }
0xad: {  	[sflag:s10] =	ssyncset.done $0x0  }
0xae: {  	[sflag:s10] =	ssyncadd.s32 $0xFFFF8800  }
0xaf: {  	[hbm4b:s22+s2] =	stream.linear.scatter [tilespmem:s7], [sflag:$0x2], $0x7800, $0x38;
	[tilespmem:$0xF200] =	vst v63  }
0xb0: {  	_ =	swait.ge [sflag:s17], $0x7800  }
0xb1: {  	[sflag:s17] =	ssyncset.done $0x0  }
0xb2: {  	[sflag:s17] =	ssyncadd.s32 $0xFFFF8800  }
0xb3: {  	[tilespmem:s12], [sflag:$0x1] =	stream.indirect.gather [hbm4b:s5+s6], $0x80, s9, s6, $0xb8;
	[tilespmem:$0xF200] =	vst v63  }
0xb4: {  	_ = 	snop  }
0xb5: {  	[tilespmem:s2], [sflag:$0x4] =	stream.linear.gather [hbm4b:s23+s2], $0xF0, $0x38;
	[tilespmem:$0xF200] =	vst v63  }
0xb6: {  	_ =	swait.ge [sflag:s4], $0xF0  }
0xb7: {  	[sflag:s4] =	ssyncset.done $0x0  }
0xb8: {  	[sflag:s4] =	ssyncadd.s32 $0xFFFFFF10  }
0xb9: {  	_ =	swait.ge [sflag:s10], $0x7800  }
0xba: {  	[sflag:s10] =	ssyncset.done $0x0  }
0xbb: {  	[sflag:s10] =	ssyncadd.s32 $0xFFFF8800  }
0xbc: {  	[hbm4b:s24+s2] =	stream.linear.scatter [tilespmem:s12], [sflag:$0x3], $0x7800, $0x38;
	[tilespmem:$0xF200] =	vst v63  }
0xbd: {  	_ =	swait.ge [sflag:s15], $0x7800  }
0xbe: {  	[sflag:s15] =	ssyncset.done $0x0  }
0xbf: {  	[sflag:s15] =	ssyncadd.s32 $0xFFFF8800  }
0xc0: {  	[tilespmem:s7], [sflag:$0x1] =	stream.indirect.gather [hbm4b:s5+s6], $0x80, s2, s6, $0xb8;
	[tilespmem:$0xF200] =	vst v63  }
0xc1: {  	_ = 	snop  }
0xc2: {  	[tilespmem:s9], [sflag:$0x4] =	stream.linear.gather [hbm4b:s25+s2], $0xF0, $0x38;
	[tilespmem:$0xF200] =	vst v63  }
0xc3: {  	_ =	swait.ge [sflag:s4], $0xF0  }
0xc4: {  	[sflag:s4] =	ssyncset.done $0x0  }
0xc5: {  	[sflag:s4] =	ssyncadd.s32 $0xFFFFFF10  }
0xc6: {  	_ =	swait.ge [sflag:s10], $0x7800  }
0xc7: {  	[sflag:s10] =	ssyncset.done $0x0  }
0xc8: {  	[sflag:s10] =	ssyncadd.s32 $0xFFFF8800  }
0xc9: {  	[hbm4b:s26+s2] =	stream.linear.scatter [tilespmem:s7], [sflag:$0x2], $0x7800, $0x38;
	[tilespmem:$0xF200] =	vst v63  }
0xca: {  	_ =	swait.ge [sflag:s17], $0x7800  }
0xcb: {  	[sflag:s17] =	ssyncset.done $0x0  }
0xcc: {  	[sflag:s17] =	ssyncadd.s32 $0xFFFF8800  }
0xcd: {  	[tilespmem:s12], [sflag:$0x1] =	stream.indirect.gather [hbm4b:s5+s6], $0x80, s9, s6, $0xb8;
	[tilespmem:$0xF200] =	vst v63  }
0xce: {  	_ =	swait.ge [sflag:s10], $0x7800  }
0xcf: {  	[sflag:s10] =	ssyncset.done $0x0  }
0xd0: {  	[sflag:s10] =	ssyncadd.s32 $0xFFFF8800  }
0xd1: {  	[hbm4b:s28+s2] =	stream.linear.scatter [tilespmem:s12], [sflag:$0x3], $0x7800, $0x38;
	[tilespmem:$0xF200] =	vst v63  }
.Ltmp1:
0xd2: {  	_ =	swait.ge [sflag:s15], $0x7800;
	(pc) =	sbr.rel @p0 .LBB2_1-.Ltmp1, $4  }
0xd3: {  	[sflag:s15] =	ssyncset.done $0x0  }
0xd4: {  	[sflag:s15] =	ssyncadd.s32 $0xFFFF8800  }
0xd5: {  	_ =	swait.ge [sflag:s17], $0x7800  }
0xd6: {  	[sflag:s17] =	ssyncset.done $0x0  }
.LBB2_2:
0xd7: {  	[sflag:s17] =	ssyncadd.s32 $0xFFFF8800  }
0xd8: {  	_ =	sfence.sel $0x180000  }
0xd9: {  	[bflag:$0x0] =	sbarrier.arrive $0xFFFF  }
0xda: {  	p0 =	sne.s32 s0, $0x0;
	_ =	strace $0x9000004A  }
0xdb: {  	s0 =	sadd.s32 @!p0 $0x100000, s1;
	[bflag:$0x2] =	sbarrier.arrive $0xFFFF  }
0xdc: {  	[sflag:s0] =	ssyncadd.tile.s32 @!p0 $0x1;
	_ =	shalt  }
.Lfunc_end2:
_tile_overlayer_lowered:
.L_overlay_start_2:
0xdd: {  	(tag) =	ssettag $0x2  }
0xde: {  	s0 =	rddreg [dreg:$0x0];
	s2 =	stileid.u32  }
0xdf: {  	s1 =	rddreg [dreg:$0x1];
	p0 =	sne.s32 s2, $0x0  }
0xe0: {  	s3 =	rddreg [dreg:$0x2];
	[bflag:$0x3] =	sbarrier.arrive $0xFFFF;
	s2 =	simm.s32 @!p0 $0x1C04  }
0xe1: {  	[timem:s3], [sflag:s2] =	dma.local @!p0 [hbm:s0], s1  }
0xe2: {  	s0 =	simm.s32 @!p0 $0x4  }
0xe3: {  	_ =	swait.ge @!p0 [sflag:s0], s1  }
0xe4: {  	s1 =	ssub.s32 @!p0 $0x0, s1;
	[sflag:s0] =	ssyncset.done @!p0 $0x0  }
0xe5: {  	[sflag:s0] =	ssyncadd.s32 @!p0 s1  }
0xe6: {  	[bflag:$0x3] =	sbarrier.arrive $0xFFFF  }
0xe7: {  	_ =	shalt  }

// kernel: kernel.9.cloned.1.call-start
scs
__scs_entry_jumppad:
0x0: {  	(pc) =	sbr.rel $0x88, $3  }
0x1: {  	(tag) =	ssettag $0x0;
	lr =	simm.s32 $0x1  }
0x2: {  	[smem:$0x3F8C] =	sst lr;
	_ =	strace $0xD0000000  }
0x3: {  	_ = 	snop  }
0x4: {  	_ = 	snop  }
0x5: {  	_ = 	snop  }
0x6: {  	_ = 	snop  }
0x7: {  	_ = 	snop  }
__scs_overlays_trampoline_lowered:
0x8: {  	[smem:$0x3F9B] =	sst s0  }
0x9: {  	[smem:$0x3F9C] =	sst s1  }
0xa: {  	[smem:$0x3F9D] =	sst s2  }
0xb: {  	[smem:$0x3F9E] =	sst s3  }
0xc: {  	[smem:$0x3F9F] =	sst s4  }
0xd: {  	[smem:$0x3FA0] =	sst s5  }
0xe: {  	[smem:$0x3FA1] =	sst s6  }
0xf: {  	[smem:$0x3FA2] =	sst s7  }
0x10: {  	[smem:$0x3FA3] =	sst s8  }
0x11: {  	[smem:$0x3FA4] =	sst s9;
	s0 =	simm.s32 @!p0 $0x0  }
0x12: {  	s1 =	sld [smem:$0x3F8A];
	s0 =	simm.s32 @p0 $0x1  }
0x13: {  	[smem:$0x3FA5] =	sst s0;
	s0 =	simm.s32 @!p1 $0x0  }
0x14: {  	s2 =	sld [smem:$0x3F89];
	s0 =	simm.s32 @p1 $0x1  }
0x15: {  	[smem:$0x3FA6] =	sst s0;
	s0 =	simm.s32 @!p2 $0x0  }
0x16: {  	s3 =	sld [smem:$0x3FDB];
	s0 =	simm.s32 @p2 $0x1  }
0x17: {  	s4 =	simm.s32 $0x1BF5;
	[smem:$0x3FA8] =	sst s0  }
0x18: {  	s0 =	sld [smem:$0x3F8B];
	_ =	swait.ge [sflag:s4], $0x0  }
0x19: {  	s7 =	sld [smem:$0x3F8C]  }
0x1a: {  	s8 =	sadd.s32 $0xFFFFE003, lr  }
0x1b: {  	s9 =	sadd.s32 $0xFFFFFEF7, lr;
	s5 =	simm.s32 $0xFFFFFFFF;
	p2 =	slt.u32 s8, $0xFFFFF086  }
0x1c: {  	p1 =	slt.u32 s9, $0xF7A;
	s5 =	simm.s32 @!p2 $0x0  }
0x1d: {  	s5 =	simm.s32 @p1 $0x1;
	p0 =	seq.s32 s7, s2  }
0x1e: {  	s7 =	smul.u32 @!p0 $0xF7A, s2;
	p2 =	seq.s32 @!p0 s5, $0x0  }
0x1f: {  	s9 =	smul.u32 $0xF7A, s1;
	s8 =	simm.s32 @!p0 $0x1BF5;
	p2 =	por !p2, p0  }
0x20: {  	[sflag:s8] =	ssyncset.s32 @!p0 $0xFFFFF086;
	s6 =	sadd.s32 @!p0 s3, s7;
	s7 =	simm.s32 @!p0 $0x108  }
0x21: {  	s3 =	sadd.s32 s3, s9;
	s6 =	sadd.s32 @!p0 $0x88, s6;
	s7 =	simm.s32 @p2 $0x1082  }
0x22: {  	[simem:s7], [sflag:s8] =	dma.local @!p0 [hbm:s6], $0xF7A  }
0x23: {  	s9 =	sor.u32 $0xD0000000, s2;
	s6 =	simm.s32 $0x108;
	_ =	swait.ge @!p0 [sflag:s8], $0x0  }
0x24: {  	s3 =	sadd.s32 $0x88, s3;
	s6 =	simm.s32 @!p1 $0x1082;
	[sflag:s4] =	ssyncset.s32 $0xFFFFF086  }
0x25: {  	[simem:s6], [sflag:s4] =	dma.local [hbm:s3], $0xF7A  }
0x26: {  	[smem:$0x3F8C] =	sst s1;
	(tag) =	ssettag s2;
	_ =	strace s9  }
0x27: {  	s1 =	sld [smem:$0x3F9C]  }
0x28: {  	s2 =	sld [smem:$0x3F9D]  }
0x29: {  	s4 =	sld [smem:$0x3F9F]  }
0x2a: {  	p0 =	seq.s32 s5, $0x0;
	s5 =	sld [smem:$0x3FA0]  }
0x2b: {  	s6 =	sld [smem:$0x3FA1]  }
0x2c: {  	s7 =	sld [smem:$0x3FA2]  }
0x2d: {  	s3 =	simm.s32 $0x108;
	s8 =	sld [smem:$0x3FA3]  }
0x2e: {  	s3 =	simm.s32 @!p0 $0x1082;
	s9 =	sld [smem:$0x3FA4]  }
0x2f: {  	lr =	sadd.s32 s0, s3;
	s0 =	sld [smem:$0x3F9B]  }
0x30: {  	s3 =	sld [smem:$0x3F9E]  }
0x31: {  	[smem:$0x3FA7] =	sst s10  }
0x32: {  	s10 =	sld [smem:$0x3FA5];
	_ =	sdelay $0x3  }
0x33: {  	p0 =	seq.s32 s10, $0x1;
	s10 =	sld [smem:$0x3FA7];
	_ =	sdelay $0x3  }
0x34: {  	[smem:$0x3FA7] =	sst s10  }
0x35: {  	s10 =	sld [smem:$0x3FA6];
	_ =	sdelay $0x3  }
0x36: {  	p1 =	seq.s32 s10, $0x1;
	s10 =	sld [smem:$0x3FA7];
	_ =	sdelay $0x3  }
0x37: {  	[smem:$0x3FA7] =	sst s10  }
0x38: {  	s10 =	sld [smem:$0x3FA8]  }
0x39: {  	_ = 	snop;
	(pc) =	sbr.ind lr, $3  }
0x3a: {  	_ = 	snop  }
0x3b: {  	_ = 	snop  }
0x3c: {  	p2 =	seq.s32 s10, $0x1;
	s10 =	sld [smem:$0x3FA7]  }
0x3d: {  	_ =	shalt  }
0x3e: {  	_ =	shalt  }
0x3f: {  	_ =	shalt  }
0x40: {  	_ =	shalt  }
0x41: {  	_ =	shalt  }
0x42: {  	_ =	shalt  }
0x43: {  	_ =	shalt  }
0x44: {  	_ =	shalt  }
0x45: {  	_ =	shalt  }
0x46: {  	_ =	shalt  }
0x47: {  	_ =	shalt  }
0x48: {  	_ =	shalt  }
0x49: {  	_ =	shalt  }
0x4a: {  	_ =	shalt  }
0x4b: {  	_ =	shalt  }
0x4c: {  	_ =	shalt  }
0x4d: {  	_ =	shalt  }
0x4e: {  	_ =	shalt  }
0x4f: {  	_ =	shalt  }
0x50: {  	_ =	shalt  }
0x51: {  	_ =	shalt  }
0x52: {  	_ =	shalt  }
0x53: {  	_ =	shalt  }
0x54: {  	_ =	shalt  }
0x55: {  	_ =	shalt  }
0x56: {  	_ =	shalt  }
0x57: {  	_ =	shalt  }
0x58: {  	_ =	shalt  }
0x59: {  	_ =	shalt  }
0x5a: {  	_ =	shalt  }
0x5b: {  	_ =	shalt  }
0x5c: {  	_ =	shalt  }
0x5d: {  	_ =	shalt  }
0x5e: {  	_ =	shalt  }
0x5f: {  	_ =	shalt  }
0x60: {  	_ =	shalt  }
0x61: {  	_ =	shalt  }
0x62: {  	_ =	shalt  }
0x63: {  	_ =	shalt  }
0x64: {  	_ =	shalt  }
0x65: {  	_ =	shalt  }
0x66: {  	_ =	shalt  }
0x67: {  	_ =	shalt  }
0x68: {  	_ =	shalt  }
0x69: {  	_ =	shalt  }
0x6a: {  	_ =	shalt  }
0x6b: {  	_ =	shalt  }
0x6c: {  	_ =	shalt  }
0x6d: {  	_ =	shalt  }
0x6e: {  	_ =	shalt  }
0x6f: {  	_ =	shalt  }
0x70: {  	_ =	shalt  }
0x71: {  	_ =	shalt  }
0x72: {  	_ =	shalt  }
0x73: {  	_ =	shalt  }
0x74: {  	_ =	shalt  }
0x75: {  	_ =	shalt  }
0x76: {  	_ =	shalt  }
0x77: {  	_ =	shalt  }
0x78: {  	_ =	shalt  }
0x79: {  	_ =	shalt  }
0x7a: {  	_ =	shalt  }
0x7b: {  	_ =	shalt  }
0x7c: {  	_ =	shalt  }
0x7d: {  	_ =	shalt  }
0x7e: {  	_ =	shalt  }
0x7f: {  	_ =	shalt  }
0x80: {  	_ =	shalt  }
0x81: {  	_ =	shalt  }
0x82: {  	_ =	shalt  }
0x83: {  	_ =	shalt  }
0x84: {  	_ =	shalt  }
0x85: {  	_ =	shalt  }
0x86: {  	_ =	shalt  }
0x87: {  	_ =	shalt  }
.Lfunc_end0:
.L_simem_size_0:
called_computation.1_lowered:
.L_overlay_start_0:
0x88: {  	s2 =	sld [smem:$0x3FD9]  }
0x89: {  	s3 =	sld [smem:$0x3FFE];
	_ =	sdelay $0x1  }
0x8a: {  	s1 =	srdreg.scid  }
0x8b: {  	s0 =	sand.u32 $0x1, s1  }
0x8c: {  	s14 =	sshll.u32 s0, $0xA;
	s2 =	sadd.s32 s3, s2  }
0x8d: {  	s2 =	sadd.s32 s2, s14  }
0x8e: {  	[smem:$0x3FB3] =	sst s2  }
0x8f: {  	_ = 	snop  }
0x90: {  	s2 =	sld [smem:$0x3FD0];
	_ =	sdelay $0x2  }
0x91: {  	s15 =	simm.s32 $0xB;
	s4 =	simm.s32 $0x10  }
0x92: {  	[smem:s4], [sflag:s15] =	dma.local [hbm:s2], $0x1  }
0x93: {  	_ =	swait.eq [sflag:s15], $0x1  }
0x94: {  	[sflag:s15] =	ssyncset.done $0x0  }
0x95: {  	[sflag:s15] =	ssyncadd.s32 $0xFFFFFFFF  }
0x96: {  	s16 =	sld [smem:$0x10];
	(tm) =	ssettm $0x1  }
0x97: {  	s17 =	sld [smem:$0x3FFB];
	_ =	sdelay $0x3  }
0x98: {  	_ =	strace s17  }
0x99: {  	s3 =	sld [smem:$0x3FFC];
	_ =	sdelay $0x3  }
0x9a: {  	_ =	strace s3  }
0x9b: {  	s3 =	sld [smem:$0x3FFD];
	_ =	sdelay $0x3  }
0x9c: {  	_ =	strace s3  }
0x9d: {  	_ =	strace $0x8FFFFFFF  }
0x9e: {  	s18 =	sld [smem:$0x3FDB];
	_ =	sdelay $0x1  }
0x9f: {  	s19 =	simm.s32 $_scs_section_size  }
0xa0: {  	s5 =	simm.s32 $_size__tile_overlayer_lowered;
	s6 =	simm.s32 $_tile_overlayer_lowered  }
0xa1: {  	s22 =	simm.s32 $0x1BFF;
	s21 =	sshll.u32 s6, $0x1;
	s3 =	sadd.s32 s19, s18  }
0xa2: {  	s7 =	simm.s32 $0x0;
	s20 =	sshll.u32 s5, $0x1;
	s5 =	sadd.s32 s21, s3  }
0xa3: {  	[timem:s7], [sflag:s22] =	dma.local [hbm:s5], s20  }
0xa4: {  	_ =	swait.ge [sflag:s22], s20  }
0xa5: {  	s4 =	ssub.s32 $0x0, s20;
	[sflag:s22] =	ssyncset.done $0x0  }
0xa6: {  	[sflag:s22] =	ssyncadd.s32 s4;
	_ =	sdelay $0x1  }
0xa7: {  	s23 =	simm.s32 $0x1B8B  }
0xa8: {  	_ =	swait.ge [sflag:s23], $0x1  }
0xa9: {  	[sflag:s23] =	ssyncset.done $0x0  }
0xaa: {  	s25 =	simm.s32 $0x1B8E;
	s24 =	sld [smem:$0x3FFE];
	[sflag:s23] =	ssyncadd.s32 $0xFFFFFFFF  }
0xab: {  	s26 =	simm.s32 $execute0_lowered;
	[smem:$0x3FD2] =	sst s25  }
0xac: {  	s5 =	sshll.u32 s26, $0x1;
	_ =	strace $0x80000046;
	[dreg:$0x1] =	wrdreg $0xFFFFFFFF  }
0xad: {  	s28 =	simm.s32 $_size_execute0_lowered;
	s3 =	sadd.s32 s3, s5;
	[dreg:$0x0] =	wrdreg $0x0  }
0xae: {  	s5 =	sshll.u32 s28, $0x1;
	[dreg:$0x2] =	wrdreg s3  }
0xaf: {  	[dreg:$0x3] =	wrdreg s5  }
0xb0: {  	[dreg:$0x4] =	wrdreg $0xC0  }
0xb1: {  	_ =	task [dreg:s7], $0x5FFFF  }
0xb2: {  	[dreg:$0x1] =	wrdreg $0xFFFFFFFF  }
0xb3: {  	[dreg:$0x0] =	wrdreg $0x60  }
0xb4: {  	[dreg:$0x2] =	wrdreg s24  }
0xb5: {  	[dreg:$0x3] =	wrdreg s16  }
0xb6: {  	[dreg:$0x4] =	wrdreg $0xA  }
0xb7: {  	_ =	task.clear_ibuf [dreg:s7], $0x5FFFF;
	_ =	strace $0x90000046  }
0xb8: {  	s29 =	simm.s32 $0xA;
	_ =	strace $0x80000048  }
0xb9: {  	_ =	swait.ge [sflag:s29], $0x1  }
0xba: {  	[sflag:s29] =	ssyncadd.s32 $0xFFFFFFFF  }
0xbb: {  	_ =	strace $0x90000048  }
0xbc: {  	_ =	sfence  }
0xbd: {  	s30 =	sld [smem:$0x0];
	_ =	sdelay $0x2  }
0xbe: {  	s31 =	sshll.u32 s1, $0xD;
	s1 =	sshrl.u32 s1, $0x2  }
0xbf: {  	s3 =	sand.u32 $0x4000, s31;
	s1 =	sadd.s32 s1, s30  }
0xc0: {  	s0 =	sor.u32 s3, s0;
	s1 =	sshll.u32 s1, $0x11  }
0xc1: {  	s0 =	sor.u32 s1, s0  }
0xc2: {  	s0 =	sadd.s32 $0x8F2B, s0  }
0xc3: {  	[sflag:s0] =	ssyncadd.remote.s32 $0x1  }
0xc4: {  	_ =	sfence.sel $0xFFFF  }
0xc5: {  	[dreg:$0x0] =	wrdreg $0xFFFFFFFF;
	(pc) =	sbr.abs _section_cstart, $3  }
0xc6: {  	[dreg:$0x1] =	wrdreg $0xFFFFFFFF  }
0xc7: {  	_ =	task.clear_ibuf [dreg:s7], $0x2FFFF;
	_ =	strace $0x9FFFFFFF  }
0xc8: {  	(tm) =	ssettm $0x7FFFFFFF  }
0xc9: {  	_ =	shalt  }
tec
execute0_lowered:
.L_overlay_start_1:
0x0: {  	(tag) =	ssettag $0x1  }
0x1: {  	s1 =	srdreg.scid;
	s0 =	stileid.u32  }
0x2: {  	s29 =	sand.u32 $0x1, s1;
	s26 =	sshll.u32 s0, $0x1  }
0x3: {  	s12 =	sor.u32 s29, s26  }
0x4: {  	s11 =	rddreg [dreg:$0x0];
	s26 =	smul.u32 $0x780, s12  }
0x5: {  	s25 =	rddreg [dreg:$0x1];
	s2 =	simm.s32 $0x0  }
0x6: {  	s4 =	simm.s32 $0x4;
	[smem:$0x7FF] =	sst s2;
	s3 =	sshrl.u32 s26, $0x3  }
0x7: {  	s1 =	rddreg [dreg:$0x2];
	_ =	strace $0x80000047;
	s3 =	sadd.s32 s25, s3  }
0x8: {  	[tilespmem:s2], [sflag:$0x4] =	stream.linear.gather [hbm4b:s3+s2], $0xF0, $0x38;
	[tilespmem:$0xF200] =	vst v63  }
0x9: {  	s6 =	simm.s32 $0xF0;
	_ =	swait.ge [sflag:s4], $0xF0  }
0xa: {  	s7 =	simm.s32 $0x200;
	s14 =	sadd.s32 $0xF0, s26;
	[sflag:s4] =	ssyncset.done $0x0  }
0xb: {  	s5 =	sadd.s32 $0x2E00, s11;
	s8 =	sshrl.u32 s14, $0x3;
	[sflag:s4] =	ssyncadd.s32 $0xFFFFFF10  }
0xc: {  	[tilespmem:s7], [sflag:$0x1] =	stream.indirect.gather [hbm4b:s5+s6], $0x80, s2, s6, $0xb8;
	[tilespmem:$0xF200] =	vst v63  }
0xd: {  	s9 =	simm.s32 $0x100;
	s8 =	sadd.s32 s25, s8  }
0xe: {  	[tilespmem:s9], [sflag:$0x4] =	stream.linear.gather [hbm4b:s8+s2], $0xF0, $0x38;
	[tilespmem:$0xF200] =	vst v63  }
0xf: {  	_ =	swait.ge [sflag:s4], $0xF0  }
0x10: {  	[sflag:s4] =	ssyncset.done $0x0  }
0x11: {  	s10 =	simm.s32 $0x1;
	[sflag:s4] =	ssyncadd.s32 $0xFFFFFF10  }
0x12: {  	s12 =	smul.u32 $0x7800, s12;
	_ =	swait.ge [sflag:s10], $0x7800  }
0x13: {  	s28 =	sadd.s32 $0x12E00, s11;
	[sflag:s10] =	ssyncset.done $0x0  }
0x14: {  	s11 =	sadd.s32 s28, s12;
	s17 =	sadd.s32 $0x1E0, s26;
	[sflag:s10] =	ssyncadd.s32 $0xFFFF8800  }
0x15: {  	[hbm4b:s11+s2] =	stream.linear.scatter [tilespmem:s7], [sflag:$0x2], $0x7800, $0x38;
	[tilespmem:$0xF200] =	vst v63  }
0x16: {  	s12 =	simm.s32 $0x7A00;
	s13 =	sshrl.u32 s17, $0x3  }
0x17: {  	[tilespmem:s12], [sflag:$0x1] =	stream.indirect.gather [hbm4b:s5+s6], $0x80, s9, s6, $0xb8;
	[tilespmem:$0xF200] =	vst v63  }
0x18: {  	s13 =	sadd.s32 s25, s13  }
0x19: {  	[tilespmem:s2], [sflag:$0x4] =	stream.linear.gather [hbm4b:s13+s2], $0xF0, $0x38;
	[tilespmem:$0xF200] =	vst v63  }
0x1a: {  	_ =	swait.ge [sflag:s4], $0xF0  }
0x1b: {  	[sflag:s4] =	ssyncset.done $0x0  }
0x1c: {  	[sflag:s4] =	ssyncadd.s32 $0xFFFFFF10  }
0x1d: {  	_ =	swait.ge [sflag:s10], $0x7800  }
0x1e: {  	s14 =	sshll.u32 s14, $0x4;
	[sflag:s10] =	ssyncset.done $0x0  }
0x1f: {  	s15 =	simm.s32 $0x2;
	s14 =	sadd.s32 s28, s14;
	[sflag:s10] =	ssyncadd.s32 $0xFFFF8800  }
0x20: {  	[hbm4b:s14+s2] =	stream.linear.scatter [tilespmem:s12], [sflag:$0x3], $0x7800, $0x38;
	[tilespmem:$0xF200] =	vst v63  }
0x21: {  	_ =	swait.ge [sflag:s15], $0x7800  }
0x22: {  	s20 =	sadd.s32 $0x2D0, s26;
	[sflag:s15] =	ssyncset.done $0x0  }
0x23: {  	s16 =	sshrl.u32 s20, $0x3;
	[sflag:s15] =	ssyncadd.s32 $0xFFFF8800  }
0x24: {  	[tilespmem:s7], [sflag:$0x1] =	stream.indirect.gather [hbm4b:s5+s6], $0x80, s2, s6, $0xb8;
	[tilespmem:$0xF200] =	vst v63  }
0x25: {  	s16 =	sadd.s32 s25, s16  }
0x26: {  	[tilespmem:s9], [sflag:$0x4] =	stream.linear.gather [hbm4b:s16+s2], $0xF0, $0x38;
	[tilespmem:$0xF200] =	vst v63  }
0x27: {  	_ =	swait.ge [sflag:s4], $0xF0  }
0x28: {  	[sflag:s4] =	ssyncset.done $0x0  }
0x29: {  	[sflag:s4] =	ssyncadd.s32 $0xFFFFFF10  }
0x2a: {  	_ =	swait.ge [sflag:s10], $0x7800  }
0x2b: {  	s17 =	sshll.u32 s17, $0x4;
	[sflag:s10] =	ssyncset.done $0x0  }
0x2c: {  	s18 =	sadd.s32 s28, s17;
	s17 =	simm.s32 $0x3;
	[sflag:s10] =	ssyncadd.s32 $0xFFFF8800  }
0x2d: {  	[hbm4b:s18+s2] =	stream.linear.scatter [tilespmem:s7], [sflag:$0x2], $0x7800, $0x38;
	[tilespmem:$0xF200] =	vst v63  }
0x2e: {  	_ =	swait.ge [sflag:s17], $0x7800  }
0x2f: {  	s22 =	sadd.s32 $0x3C0, s26;
	[sflag:s17] =	ssyncset.done $0x0  }
0x30: {  	s19 =	sshrl.u32 s22, $0x3;
	[sflag:s17] =	ssyncadd.s32 $0xFFFF8800  }
0x31: {  	[tilespmem:s12], [sflag:$0x1] =	stream.indirect.gather [hbm4b:s5+s6], $0x80, s9, s6, $0xb8;
	[tilespmem:$0xF200] =	vst v63  }
0x32: {  	s19 =	sadd.s32 s25, s19  }
0x33: {  	[tilespmem:s2], [sflag:$0x4] =	stream.linear.gather [hbm4b:s19+s2], $0xF0, $0x38;
	[tilespmem:$0xF200] =	vst v63  }
0x34: {  	_ =	swait.ge [sflag:s4], $0xF0  }
0x35: {  	[sflag:s4] =	ssyncset.done $0x0  }
0x36: {  	[sflag:s4] =	ssyncadd.s32 $0xFFFFFF10  }
0x37: {  	_ =	swait.ge [sflag:s10], $0x7800  }
0x38: {  	s20 =	sshll.u32 s20, $0x4;
	[sflag:s10] =	ssyncset.done $0x0  }
0x39: {  	s20 =	sadd.s32 s28, s20;
	[sflag:s10] =	ssyncadd.s32 $0xFFFF8800  }
0x3a: {  	[hbm4b:s20+s2] =	stream.linear.scatter [tilespmem:s12], [sflag:$0x3], $0x7800, $0x38;
	[tilespmem:$0xF200] =	vst v63  }
0x3b: {  	_ =	swait.ge [sflag:s15], $0x7800  }
0x3c: {  	s24 =	sadd.s32 $0x4B0, s26;
	[sflag:s15] =	ssyncset.done $0x0  }
0x3d: {  	s21 =	sshrl.u32 s24, $0x3;
	[sflag:s15] =	ssyncadd.s32 $0xFFFF8800  }
0x3e: {  	[tilespmem:s7], [sflag:$0x1] =	stream.indirect.gather [hbm4b:s5+s6], $0x80, s2, s6, $0xb8;
	[tilespmem:$0xF200] =	vst v63  }
0x3f: {  	s21 =	sadd.s32 s25, s21  }
0x40: {  	[tilespmem:s9], [sflag:$0x4] =	stream.linear.gather [hbm4b:s21+s2], $0xF0, $0x38;
	[tilespmem:$0xF200] =	vst v63  }
0x41: {  	_ =	swait.ge [sflag:s4], $0xF0  }
0x42: {  	[sflag:s4] =	ssyncset.done $0x0  }
0x43: {  	[sflag:s4] =	ssyncadd.s32 $0xFFFFFF10  }
0x44: {  	_ =	swait.ge [sflag:s10], $0x7800  }
0x45: {  	s22 =	sshll.u32 s22, $0x4;
	[sflag:s10] =	ssyncset.done $0x0  }
0x46: {  	s22 =	sadd.s32 s28, s22;
	[sflag:s10] =	ssyncadd.s32 $0xFFFF8800  }
0x47: {  	[hbm4b:s22+s2] =	stream.linear.scatter [tilespmem:s7], [sflag:$0x2], $0x7800, $0x38;
	[tilespmem:$0xF200] =	vst v63  }
0x48: {  	_ =	swait.ge [sflag:s17], $0x7800  }
0x49: {  	s30 =	sadd.s32 $0x5A0, s26;
	[sflag:s17] =	ssyncset.done $0x0  }
0x4a: {  	s23 =	sshrl.u32 s30, $0x3;
	[sflag:s17] =	ssyncadd.s32 $0xFFFF8800  }
0x4b: {  	[tilespmem:s12], [sflag:$0x1] =	stream.indirect.gather [hbm4b:s5+s6], $0x80, s9, s6, $0xb8;
	[tilespmem:$0xF200] =	vst v63  }
0x4c: {  	s23 =	sadd.s32 s25, s23  }
0x4d: {  	[tilespmem:s2], [sflag:$0x4] =	stream.linear.gather [hbm4b:s23+s2], $0xF0, $0x38;
	[tilespmem:$0xF200] =	vst v63  }
0x4e: {  	_ =	swait.ge [sflag:s4], $0xF0  }
0x4f: {  	[sflag:s4] =	ssyncset.done $0x0  }
0x50: {  	[sflag:s4] =	ssyncadd.s32 $0xFFFFFF10  }
0x51: {  	_ =	swait.ge [sflag:s10], $0x7800  }
0x52: {  	s24 =	sshll.u32 s24, $0x4;
	[sflag:s10] =	ssyncset.done $0x0  }
0x53: {  	s24 =	sadd.s32 s28, s24;
	[sflag:s10] =	ssyncadd.s32 $0xFFFF8800  }
0x54: {  	[hbm4b:s24+s2] =	stream.linear.scatter [tilespmem:s12], [sflag:$0x3], $0x7800, $0x38;
	[tilespmem:$0xF200] =	vst v63  }
0x55: {  	_ =	swait.ge [sflag:s15], $0x7800  }
0x56: {  	s31 =	sadd.s32 $0x690, s26;
	[sflag:s15] =	ssyncset.done $0x0  }
0x57: {  	s26 =	sshrl.u32 s31, $0x3;
	[sflag:s15] =	ssyncadd.s32 $0xFFFF8800  }
0x58: {  	[tilespmem:s7], [sflag:$0x1] =	stream.indirect.gather [hbm4b:s5+s6], $0x80, s2, s6, $0xb8;
	[tilespmem:$0xF200] =	vst v63  }
0x59: {  	s25 =	sadd.s32 s25, s26  }
0x5a: {  	[tilespmem:s9], [sflag:$0x4] =	stream.linear.gather [hbm4b:s25+s2], $0xF0, $0x38;
	[tilespmem:$0xF200] =	vst v63  }
0x5b: {  	_ =	swait.ge [sflag:s4], $0xF0  }
0x5c: {  	[sflag:s4] =	ssyncset.done $0x0  }
0x5d: {  	[sflag:s4] =	ssyncadd.s32 $0xFFFFFF10  }
0x5e: {  	_ =	swait.ge [sflag:s10], $0x7800  }
0x5f: {  	s30 =	sshll.u32 s30, $0x4;
	[sflag:s10] =	ssyncset.done $0x0  }
0x60: {  	s26 =	sadd.s32 s28, s30;
	[sflag:s10] =	ssyncadd.s32 $0xFFFF8800  }
0x61: {  	[hbm4b:s26+s2] =	stream.linear.scatter [tilespmem:s7], [sflag:$0x2], $0x7800, $0x38;
	[tilespmem:$0xF200] =	vst v63  }
0x62: {  	_ =	swait.ge [sflag:s17], $0x7800  }
0x63: {  	s29 =	ssub.s32 $0x2, s29;
	s31 =	sshll.u32 s31, $0x4;
	[sflag:s17] =	ssyncset.done $0x0  }
0x64: {  	s28 =	sadd.s32 s28, s31;
	s31 =	sshrl.u32 s29, $0x1;
	[sflag:s17] =	ssyncadd.s32 $0xFFFF8800  }
0x65: {  	[tilespmem:s12], [sflag:$0x1] =	stream.indirect.gather [hbm4b:s5+s6], $0x80, s9, s6, $0xb8;
	[tilespmem:$0xF200] =	vst v63  }
0x66: {  	s29 =	ssub.s32 s29, s31;
	_ =	swait.ge [sflag:s10], $0x7800  }
0x67: {  	s29 =	smax.u32 s29, $0x1;
	[sflag:s10] =	ssyncset.done $0x0  }
0x68: {  	p0 =	sne.s32 s29, $0x1;
	[sflag:s10] =	ssyncadd.s32 $0xFFFF8800  }
0x69: {  	[hbm4b:s28+s2] =	stream.linear.scatter [tilespmem:s12], [sflag:$0x3], $0x7800, $0x38;
	[tilespmem:$0xF200] =	vst v63  }
.Ltmp0:
0x6a: {  	_ =	swait.ge [sflag:s15], $0x7800;
	(pc) =	sbr.rel @!p0 .LBB2_2-.Ltmp0, $4  }
0x6b: {  	[sflag:s15] =	ssyncset.done $0x0  }
0x6c: {  	[sflag:s15] =	ssyncadd.s32 $0xFFFF8800  }
0x6d: {  	_ =	swait.ge [sflag:s17], $0x7800  }
0x6e: {  	s29 =	sadd.s32 $0xFFFFFFFF, s29;
	[sflag:s17] =	ssyncset.done $0x0  }
.LBB2_1:
0x6f: {  	p0 =	sne.s32 s29, $0x1;
	s29 =	sadd.s32 $0xFFFFFFFF, s29;
	[sflag:s17] =	ssyncadd.s32 $0xFFFF8800  }
0x70: {  	[tilespmem:s2], [sflag:$0x4] =	stream.linear.gather [hbm4b:s3+s2], $0xF0, $0x38;
	[tilespmem:$0xF200] =	vst v63  }
0x71: {  	_ =	swait.ge [sflag:s4], $0xF0  }
0x72: {  	[sflag:s4] =	ssyncset.done $0x0  }
0x73: {  	[sflag:s4] =	ssyncadd.s32 $0xFFFFFF10  }
0x74: {  	[tilespmem:s7], [sflag:$0x1] =	stream.indirect.gather [hbm4b:s5+s6], $0x80, s2, s6, $0xb8;
	[tilespmem:$0xF200] =	vst v63  }
0x75: {  	_ = 	snop  }
0x76: {  	[tilespmem:s9], [sflag:$0x4] =	stream.linear.gather [hbm4b:s8+s2], $0xF0, $0x38;
	[tilespmem:$0xF200] =	vst v63  }
0x77: {  	_ =	swait.ge [sflag:s4], $0xF0  }
0x78: {  	[sflag:s4] =	ssyncset.done $0x0  }
0x79: {  	[sflag:s4] =	ssyncadd.s32 $0xFFFFFF10  }
0x7a: {  	_ =	swait.ge [sflag:s10], $0x7800  }
0x7b: {  	[sflag:s10] =	ssyncset.done $0x0  }
0x7c: {  	[sflag:s10] =	ssyncadd.s32 $0xFFFF8800  }
0x7d: {  	[hbm4b:s11+s2] =	stream.linear.scatter [tilespmem:s7], [sflag:$0x2], $0x7800, $0x38;
	[tilespmem:$0xF200] =	vst v63  }
0x7e: {  	_ = 	snop  }
0x7f: {  	[tilespmem:s12], [sflag:$0x1] =	stream.indirect.gather [hbm4b:s5+s6], $0x80, s9, s6, $0xb8;
	[tilespmem:$0xF200] =	vst v63  }
0x80: {  	_ = 	snop  }
0x81: {  	[tilespmem:s2], [sflag:$0x4] =	stream.linear.gather [hbm4b:s13+s2], $0xF0, $0x38;
	[tilespmem:$0xF200] =	vst v63  }
0x82: {  	_ =	swait.ge [sflag:s4], $0xF0  }
0x83: {  	[sflag:s4] =	ssyncset.done $0x0  }
0x84: {  	[sflag:s4] =	ssyncadd.s32 $0xFFFFFF10  }
0x85: {  	_ =	swait.ge [sflag:s10], $0x7800  }
0x86: {  	[sflag:s10] =	ssyncset.done $0x0  }
0x87: {  	[sflag:s10] =	ssyncadd.s32 $0xFFFF8800  }
0x88: {  	[hbm4b:s14+s2] =	stream.linear.scatter [tilespmem:s12], [sflag:$0x3], $0x7800, $0x38;
	[tilespmem:$0xF200] =	vst v63  }
0x89: {  	_ =	swait.ge [sflag:s15], $0x7800  }
0x8a: {  	[sflag:s15] =	ssyncset.done $0x0  }
0x8b: {  	[sflag:s15] =	ssyncadd.s32 $0xFFFF8800  }
0x8c: {  	[tilespmem:s7], [sflag:$0x1] =	stream.indirect.gather [hbm4b:s5+s6], $0x80, s2, s6, $0xb8;
	[tilespmem:$0xF200] =	vst v63  }
0x8d: {  	_ = 	snop  }
0x8e: {  	[tilespmem:s9], [sflag:$0x4] =	stream.linear.gather [hbm4b:s16+s2], $0xF0, $0x38;
	[tilespmem:$0xF200] =	vst v63  }
0x8f: {  	_ =	swait.ge [sflag:s4], $0xF0  }
0x90: {  	[sflag:s4] =	ssyncset.done $0x0  }
0x91: {  	[sflag:s4] =	ssyncadd.s32 $0xFFFFFF10  }
0x92: {  	_ =	swait.ge [sflag:s10], $0x7800  }
0x93: {  	[sflag:s10] =	ssyncset.done $0x0  }
0x94: {  	[sflag:s10] =	ssyncadd.s32 $0xFFFF8800  }
0x95: {  	[hbm4b:s18+s2] =	stream.linear.scatter [tilespmem:s7], [sflag:$0x2], $0x7800, $0x38;
	[tilespmem:$0xF200] =	vst v63  }
0x96: {  	_ =	swait.ge [sflag:s17], $0x7800  }
0x97: {  	[sflag:s17] =	ssyncset.done $0x0  }
0x98: {  	[sflag:s17] =	ssyncadd.s32 $0xFFFF8800  }
0x99: {  	[tilespmem:s12], [sflag:$0x1] =	stream.indirect.gather [hbm4b:s5+s6], $0x80, s9, s6, $0xb8;
	[tilespmem:$0xF200] =	vst v63  }
0x9a: {  	_ = 	snop  }
0x9b: {  	[tilespmem:s2], [sflag:$0x4] =	stream.linear.gather [hbm4b:s19+s2], $0xF0, $0x38;
	[tilespmem:$0xF200] =	vst v63  }
0x9c: {  	_ =	swait.ge [sflag:s4], $0xF0  }
0x9d: {  	[sflag:s4] =	ssyncset.done $0x0  }
0x9e: {  	[sflag:s4] =	ssyncadd.s32 $0xFFFFFF10  }
0x9f: {  	_ =	swait.ge [sflag:s10], $0x7800  }
0xa0: {  	[sflag:s10] =	ssyncset.done $0x0  }
0xa1: {  	[sflag:s10] =	ssyncadd.s32 $0xFFFF8800  }
0xa2: {  	[hbm4b:s20+s2] =	stream.linear.scatter [tilespmem:s12], [sflag:$0x3], $0x7800, $0x38;
	[tilespmem:$0xF200] =	vst v63  }
0xa3: {  	_ =	swait.ge [sflag:s15], $0x7800  }
0xa4: {  	[sflag:s15] =	ssyncset.done $0x0  }
0xa5: {  	[sflag:s15] =	ssyncadd.s32 $0xFFFF8800  }
0xa6: {  	[tilespmem:s7], [sflag:$0x1] =	stream.indirect.gather [hbm4b:s5+s6], $0x80, s2, s6, $0xb8;
	[tilespmem:$0xF200] =	vst v63  }
0xa7: {  	_ = 	snop  }
0xa8: {  	[tilespmem:s9], [sflag:$0x4] =	stream.linear.gather [hbm4b:s21+s2], $0xF0, $0x38;
	[tilespmem:$0xF200] =	vst v63  }
0xa9: {  	_ =	swait.ge [sflag:s4], $0xF0  }
0xaa: {  	[sflag:s4] =	ssyncset.done $0x0  }
0xab: {  	[sflag:s4] =	ssyncadd.s32 $0xFFFFFF10  }
0xac: {  	_ =	swait.ge [sflag:s10], $0x7800  }
0xad: {  	[sflag:s10] =	ssyncset.done $0x0  }
0xae: {  	[sflag:s10] =	ssyncadd.s32 $0xFFFF8800  }
0xaf: {  	[hbm4b:s22+s2] =	stream.linear.scatter [tilespmem:s7], [sflag:$0x2], $0x7800, $0x38;
	[tilespmem:$0xF200] =	vst v63  }
0xb0: {  	_ =	swait.ge [sflag:s17], $0x7800  }
0xb1: {  	[sflag:s17] =	ssyncset.done $0x0  }
0xb2: {  	[sflag:s17] =	ssyncadd.s32 $0xFFFF8800  }
0xb3: {  	[tilespmem:s12], [sflag:$0x1] =	stream.indirect.gather [hbm4b:s5+s6], $0x80, s9, s6, $0xb8;
	[tilespmem:$0xF200] =	vst v63  }
0xb4: {  	_ = 	snop  }
0xb5: {  	[tilespmem:s2], [sflag:$0x4] =	stream.linear.gather [hbm4b:s23+s2], $0xF0, $0x38;
	[tilespmem:$0xF200] =	vst v63  }
0xb6: {  	_ =	swait.ge [sflag:s4], $0xF0  }
0xb7: {  	[sflag:s4] =	ssyncset.done $0x0  }
0xb8: {  	[sflag:s4] =	ssyncadd.s32 $0xFFFFFF10  }
0xb9: {  	_ =	swait.ge [sflag:s10], $0x7800  }
0xba: {  	[sflag:s10] =	ssyncset.done $0x0  }
0xbb: {  	[sflag:s10] =	ssyncadd.s32 $0xFFFF8800  }
0xbc: {  	[hbm4b:s24+s2] =	stream.linear.scatter [tilespmem:s12], [sflag:$0x3], $0x7800, $0x38;
	[tilespmem:$0xF200] =	vst v63  }
0xbd: {  	_ =	swait.ge [sflag:s15], $0x7800  }
0xbe: {  	[sflag:s15] =	ssyncset.done $0x0  }
0xbf: {  	[sflag:s15] =	ssyncadd.s32 $0xFFFF8800  }
0xc0: {  	[tilespmem:s7], [sflag:$0x1] =	stream.indirect.gather [hbm4b:s5+s6], $0x80, s2, s6, $0xb8;
	[tilespmem:$0xF200] =	vst v63  }
0xc1: {  	_ = 	snop  }
0xc2: {  	[tilespmem:s9], [sflag:$0x4] =	stream.linear.gather [hbm4b:s25+s2], $0xF0, $0x38;
	[tilespmem:$0xF200] =	vst v63  }
0xc3: {  	_ =	swait.ge [sflag:s4], $0xF0  }
0xc4: {  	[sflag:s4] =	ssyncset.done $0x0  }
0xc5: {  	[sflag:s4] =	ssyncadd.s32 $0xFFFFFF10  }
0xc6: {  	_ =	swait.ge [sflag:s10], $0x7800  }
0xc7: {  	[sflag:s10] =	ssyncset.done $0x0  }
0xc8: {  	[sflag:s10] =	ssyncadd.s32 $0xFFFF8800  }
0xc9: {  	[hbm4b:s26+s2] =	stream.linear.scatter [tilespmem:s7], [sflag:$0x2], $0x7800, $0x38;
	[tilespmem:$0xF200] =	vst v63  }
0xca: {  	_ =	swait.ge [sflag:s17], $0x7800  }
0xcb: {  	[sflag:s17] =	ssyncset.done $0x0  }
0xcc: {  	[sflag:s17] =	ssyncadd.s32 $0xFFFF8800  }
0xcd: {  	[tilespmem:s12], [sflag:$0x1] =	stream.indirect.gather [hbm4b:s5+s6], $0x80, s9, s6, $0xb8;
	[tilespmem:$0xF200] =	vst v63  }
0xce: {  	_ =	swait.ge [sflag:s10], $0x7800  }
0xcf: {  	[sflag:s10] =	ssyncset.done $0x0  }
0xd0: {  	[sflag:s10] =	ssyncadd.s32 $0xFFFF8800  }
0xd1: {  	[hbm4b:s28+s2] =	stream.linear.scatter [tilespmem:s12], [sflag:$0x3], $0x7800, $0x38;
	[tilespmem:$0xF200] =	vst v63  }
.Ltmp1:
0xd2: {  	_ =	swait.ge [sflag:s15], $0x7800;
	(pc) =	sbr.rel @p0 .LBB2_1-.Ltmp1, $4  }
0xd3: {  	[sflag:s15] =	ssyncset.done $0x0  }
0xd4: {  	[sflag:s15] =	ssyncadd.s32 $0xFFFF8800  }
0xd5: {  	_ =	swait.ge [sflag:s17], $0x7800  }
0xd6: {  	[sflag:s17] =	ssyncset.done $0x0  }
.LBB2_2:
0xd7: {  	[sflag:s17] =	ssyncadd.s32 $0xFFFF8800  }
0xd8: {  	_ =	sfence.sel $0x180000  }
0xd9: {  	[bflag:$0x0] =	sbarrier.arrive $0xFFFF  }
0xda: {  	p0 =	sne.s32 s0, $0x0;
	_ =	strace $0x90000047  }
0xdb: {  	s0 =	sadd.s32 @!p0 $0x100000, s1;
	[bflag:$0x2] =	sbarrier.arrive $0xFFFF  }
0xdc: {  	[sflag:s0] =	ssyncadd.tile.s32 @!p0 $0x1;
	_ =	shalt  }
.Lfunc_end2:
_tile_overlayer_lowered:
.L_overlay_start_2:
0xdd: {  	(tag) =	ssettag $0x2  }
0xde: {  	s0 =	rddreg [dreg:$0x0];
	s2 =	stileid.u32  }
0xdf: {  	s1 =	rddreg [dreg:$0x1];
	p0 =	sne.s32 s2, $0x0  }
0xe0: {  	s3 =	rddreg [dreg:$0x2];
	[bflag:$0x3] =	sbarrier.arrive $0xFFFF;
	s2 =	simm.s32 @!p0 $0x1C04  }
0xe1: {  	[timem:s3], [sflag:s2] =	dma.local @!p0 [hbm:s0], s1  }
0xe2: {  	s0 =	simm.s32 @!p0 $0x4  }
0xe3: {  	_ =	swait.ge @!p0 [sflag:s0], s1  }
0xe4: {  	s1 =	ssub.s32 @!p0 $0x0, s1;
	[sflag:s0] =	ssyncset.done @!p0 $0x0  }
0xe5: {  	[sflag:s0] =	ssyncadd.s32 @!p0 s1  }
0xe6: {  	[bflag:$0x3] =	sbarrier.arrive $0xFFFF  }
0xe7: {  	_ =	shalt  }

</sc_bundles>
